<compile_context>
chip_gen: v7x
topology: tpu7x:2x2x1
jax: 0.10.2.dev20260603
libtpu: 0.0.44.dev20260713+nightly
codegen_flags: <defaults>
</compile_context>

<pallas_src>
import functools

import jax
import jax.numpy as jnp
from jax import lax
from jax.experimental import pallas as pl
from jax.experimental.pallas import tpu as pltpu
from jax.experimental.pallas import tpu_sc as plsc

N = 10000
E = 320000
D = 128
DE = 16
DU = 128
H = 128
NG = 16

NW = 32
PERW = E // NW
CH = 80
NP = 10240
NPT = NP // 16
EB = 4000
NB = 2000

f32 = jnp.float32
bf16 = jnp.bfloat16


def _pack_pair(a):
    u = lax.bitcast_convert_type(a.astype(bf16), jnp.uint16).astype(jnp.uint32)
    w = a.shape[1]
    return u[:, : w // 2] | (u[:, w // 2:] << 16)


def _unpack_lo(p):
    return lax.bitcast_convert_type(p << 16, f32)


def _unpack_hi(p):
    return lax.bitcast_convert_type(p & jnp.uint32(0xFFFF0000), f32)


def _ln(h, s, b):
    m = jnp.mean(h, axis=-1, keepdims=True)
    v = jnp.mean((h - m) ** 2, axis=-1, keepdims=True)
    return (h - m) * lax.rsqrt(v + 1e-5) * s + b



def _pre_body(x_ref, b16_ref, u_ref, wsrc_ref, wdst_ref, wu_ref, b0e_ref,
              wn1d_ref, b0n1_ref, wn2u_ref, b0n2_ref,
              prow_ref, pcol_ref, pu2_ref):
    oh = (b16_ref[...] == lax.broadcasted_iota(jnp.int32, (NB, NG), 1)).astype(f32)
    u = u_ref[...]
    x = x_ref[...]
    uproj_e = jnp.dot(u, wu_ref[...], preferred_element_type=f32)
    prow = (jnp.dot(x, wsrc_ref[...], preferred_element_type=f32)
            + jnp.dot(oh, uproj_e, preferred_element_type=f32)
            + b0e_ref[...])
    col_a = jnp.dot(x, wdst_ref[...], preferred_element_type=f32)
    col_b = jnp.dot(x, wn1d_ref[...], preferred_element_type=f32) + b0n1_ref[...]
    prow_ref[...] = prow
    pcol_ref[...] = _pack_pair(jnp.concatenate([col_a, col_b], axis=1))
    pu2_ref[...] = (jnp.dot(oh, jnp.dot(u, wn2u_ref[...], preferred_element_type=f32),
                            preferred_element_type=f32) + b0n2_ref[...])


def _pre_call(x, b16, u, wsrc, wdst, wu, b0e, wn1d, b0n1, wn2u, b0n2):
    full = lambda shape: pl.BlockSpec(shape, lambda i: (0,) * len(shape))
    return pl.pallas_call(
        _pre_body,
        grid=(N // NB,),
        in_specs=[
            pl.BlockSpec((NB, D), lambda i: (i, 0)),
            pl.BlockSpec((NB, NG), lambda i: (i, 0)),
            full((NG, DU)), full((D, H)), full((D, H)), full((DU, H)),
            full((1, H)), full((D, H)), full((1, H)), full((DU, H)), full((1, H)),
        ],
        out_specs=[
            pl.BlockSpec((NB, H), lambda i: (i, 0)),
            pl.BlockSpec((NB, H), lambda i: (i, 0)),
            pl.BlockSpec((NB, H), lambda i: (i, 0)),
        ],
        out_shape=[
            jax.ShapeDtypeStruct((N, H), f32),
            jax.ShapeDtypeStruct((N, H), jnp.uint32),
            jax.ShapeDtypeStruct((N, H), f32),
        ],
    )(x, b16, u, wsrc, wdst, wu, b0e, wn1d, b0n1, wn2u, b0n2)



GCH = 80
NCH = PERW // GCH
NPAIR = (NCH - 3) // 2


def _sc_gather(pre_row, pre_col, row, col):
    mesh = plsc.VectorSubcoreMesh(core_axis_name="c", subcore_axis_name="s")

    @functools.partial(
        pl.kernel,
        out_type=(jax.ShapeDtypeStruct((E, H), f32),
                  jax.ShapeDtypeStruct((E, H), jnp.uint32)),
        mesh=mesh,
        scratch_types=[
            pltpu.VMEM((PERW,), jnp.int32),
            pltpu.VMEM((PERW,), jnp.int32),
            pltpu.VMEM((GCH, H), f32),
            pltpu.VMEM((GCH, H), f32),
            pltpu.VMEM((GCH, H), jnp.uint32),
            pltpu.VMEM((GCH, H), jnp.uint32),
        ] + [pltpu.SemaphoreType.DMA] * 8,
    )
    def gk(prer_hbm, prec_hbm, row_hbm, col_hbm, outr_hbm, outc_hbm,
           ridx, cidx, rb0, rb1, cb0, cb1, sr0, sr1, sc0, sc1, wr0, wr1, wc0, wc1):
        wid = lax.axis_index("s") * 2 + lax.axis_index("c")
        base = wid * PERW
        pltpu.sync_copy(row_hbm.at[pl.ds(base, PERW)], ridx)
        pltpu.sync_copy(col_hbm.at[pl.ds(base, PERW)], cidx)
        rbufs, cbufs = (rb0, rb1), (cb0, cb1)
        srs, scs = (sr0, sr1), (sc0, sc1)
        wrs, wcs = (wr0, wr1), (wc0, wc1)

        def issue_g(j, s):
            pltpu.async_copy(prer_hbm.at[ridx.at[pl.ds(j * GCH, GCH)]], rbufs[s], srs[s])
            pltpu.async_copy(prec_hbm.at[cidx.at[pl.ds(j * GCH, GCH)]], cbufs[s], scs[s])

        def wait_g(s):
            pltpu.make_async_copy(prer_hbm.at[ridx.at[pl.ds(0, GCH)]], rbufs[s], srs[s]).wait()
            pltpu.make_async_copy(prec_hbm.at[cidx.at[pl.ds(0, GCH)]], cbufs[s], scs[s]).wait()

        def start_wb(j, s):
            pltpu.async_copy(rbufs[s], outr_hbm.at[pl.ds(base + j * GCH, GCH)], wrs[s])
            pltpu.async_copy(cbufs[s], outc_hbm.at[pl.ds(base + j * GCH, GCH)], wcs[s])

        def wait_wb(s):
            pltpu.make_async_copy(rbufs[s], outr_hbm.at[pl.ds(base, GCH)], wrs[s]).wait()
            pltpu.make_async_copy(cbufs[s], outc_hbm.at[pl.ds(base, GCH)], wcs[s]).wait()

        issue_g(0, 0)
        issue_g(1, 1)

        def body(jj, carry):
            j0 = jj * 2
            wait_g(0)
            start_wb(j0, 0)
            wait_g(1)
            start_wb(j0 + 1, 1)
            wait_wb(0)
            issue_g(j0 + 2, 0)
            wait_wb(1)
            issue_g(j0 + 3, 1)
            return carry

        lax.fori_loop(0, NPAIR, body, 0)
        wait_g(0)
        start_wb(NCH - 3, 0)
        wait_g(1)
        start_wb(NCH - 2, 1)
        wait_wb(0)
        issue_g(NCH - 1, 0)
        wait_wb(1)
        wait_g(0)
        start_wb(NCH - 1, 0)
        wait_wb(0)

    return gk(pre_row, pre_col, row, col)



def _edge_body(gr_ref, gc_ref, ea_ref, w0ea_ref, w1e_ref, b1e_ref, se_ref, be_ref,
               w0n1e_ref, w1n1_ref, b1n1_ref, sn1_ref, bn1_ref,
               enew_ref, nh_ref):
    gcp = gc_ref[...]
    gca = _unpack_lo(gcp)
    gcb = _unpack_hi(gcp)
    eap = jnp.dot(ea_ref[...], w0ea_ref[...], preferred_element_type=f32)
    h0 = jax.nn.gelu(gr_ref[...] + gca + eap)
    h1 = jax.nn.gelu(jnp.dot(h0, w1e_ref[...], preferred_element_type=f32) + b1e_ref[...])
    e_new = _ln(h1 + h0, se_ref[...], be_ref[...])
    m0 = jax.nn.gelu(gcb + jnp.dot(e_new, w0n1e_ref[...], preferred_element_type=f32))
    m1 = jax.nn.gelu(jnp.dot(m0, w1n1_ref[...], preferred_element_type=f32) + b1n1_ref[...])
    enew_ref[...] = e_new
    nh_ref[...] = _ln(m1 + m0, sn1_ref[...], bn1_ref[...])


def _edge_call(gr, gc, edge_attr, w0ea, w1e, b1e, se, be, w0n1e, w1n1, b1n1, sn1, bn1):
    full = lambda shape: pl.BlockSpec(shape, lambda i: (0,) * len(shape))
    return pl.pallas_call(
        _edge_body,
        grid=(E // EB,),
        in_specs=[
            pl.BlockSpec((EB, H), lambda i: (i, 0)),
            pl.BlockSpec((EB, H), lambda i: (i, 0)),
            pl.BlockSpec((EB, DE), lambda i: (i, 0)),
            full((DE, H)), full((H, H)), full((1, H)), full((1, H)), full((1, H)),
            full((H, H)), full((H, H)), full((1, H)), full((1, H)), full((1, H)),
        ],
        out_specs=[
            pl.BlockSpec((EB, H), lambda i: (i, 0)),
            pl.BlockSpec((EB, H), lambda i: (i, 0)),
        ],
        out_shape=[
            jax.ShapeDtypeStruct((E, H), f32),
            jax.ShapeDtypeStruct((E, H), f32),
        ],
    )(gr, gc, edge_attr, w0ea, w1e, b1e, se, be, w0n1e, w1n1, b1n1, sn1, bn1)



ZR = 128
HALF = NP // 2
ACC = 6144
TRASH = HALF
PERT = E // 16


NCHS = PERT // CH


def _scatter_common(cid, sid, idxall, idxb2, vbuf, zrb, acc_sh):
    lo = cid * HALF

    def zero_acc():
        def zbody(k, carry):
            pltpu.sync_copy(zrb, acc_sh.at[pl.ds(sid * (ACC // 16) + k * ZR, ZR)])
            return carry

        lax.fori_loop(0, ACC // 16 // ZR, zbody, 0)

    def remap(j):
        for k in range(CH // 16):
            v = idxall[pl.ds(j * CH + k * 16, 16)] - lo
            oob = (v < 0) | (v >= HALF)
            idxb2[pl.ds(k * 16, 16)] = jnp.where(oob, TRASH, v)

    def drain(dst_hbm):
        def dbody(k, carry):
            src = sid * (HALF // 16) + k * CH
            pltpu.sync_copy(acc_sh.at[pl.ds(src, CH)], vbuf)
            pltpu.sync_copy(vbuf, dst_hbm.at[pl.ds(cid * HALF + src, CH)])
            return carry

        lax.fori_loop(0, HALF // 16 // CH, dbody, 0)

    return zero_acc, remap, drain


def _sc_sums(nh, row, zrow):
    mesh = plsc.VectorSubcoreMesh(core_axis_name="c", subcore_axis_name="s")

    @functools.partial(
        pl.kernel,
        out_type=jax.ShapeDtypeStruct((NP, H), f32),
        mesh=mesh,
        scratch_types=[
            pltpu.VMEM((PERT,), jnp.int32),
            pltpu.VMEM((CH,), jnp.int32),
            pltpu.VMEM((CH, H), f32),
            pltpu.VMEM((CH, H), f32),
            pltpu.VMEM((ZR, H), f32),
            pltpu.VMEM_SHARED((ACC, H), f32),
            pltpu.SemaphoreType.DMA,
            pltpu.SemaphoreType.DMA,
        ],
    )
    def sk(nh_hbm, row_hbm, zrow_hbm, outs_hbm,
           idxall, idxb2, vb0, vb1, zrb, acc_sh, sl0, sl1):
        cid = lax.axis_index("c")
        sid = lax.axis_index("s")
        base = sid * PERT
        pltpu.sync_copy(zrow_hbm, zrb)
        pltpu.sync_copy(row_hbm.at[pl.ds(base, PERT)], idxall)
        zero_acc, remap, drain = _scatter_common(cid, sid, idxall, idxb2, vb0, zrb, acc_sh)
        zero_acc()
        plsc.subcore_barrier()
        vbufs, sls = (vb0, vb1), (sl0, sl1)

        def load(j, s):
            pltpu.async_copy(nh_hbm.at[pl.ds(base + j * CH, CH)], vbufs[s], sls[s])

        def wait_load(s):
            pltpu.make_async_copy(nh_hbm.at[pl.ds(base, CH)], vbufs[s], sls[s]).wait()

        def scat(s):
            pltpu.sync_copy(vbufs[s], acc_sh.at[idxb2], add=True)

        load(0, 0)

        def body(jj, carry):
            j0 = jj * 2
            wait_load(0)
            load(j0 + 1, 1)
            remap(j0)
            scat(0)
            wait_load(1)
            load(j0 + 2, 0)
            remap(j0 + 1)
            scat(1)
            return carry

        lax.fori_loop(0, NCHS // 2 - 1, body, 0)
        wait_load(0)
        load(NCHS - 1, 1)
        remap(NCHS - 2)
        scat(0)
        wait_load(1)
        remap(NCHS - 1)
        scat(1)
        plsc.subcore_barrier()
        drain(outs_hbm)

    return sk(nh, row, zrow)


def _sc_counts(row, zrow, ones_rows):
    mesh = plsc.VectorSubcoreMesh(core_axis_name="c", subcore_axis_name="s")

    @functools.partial(
        pl.kernel,
        out_type=jax.ShapeDtypeStruct((NP, H), f32),
        mesh=mesh,
        scratch_types=[
            pltpu.VMEM((PERT,), jnp.int32),
            pltpu.VMEM((CH,), jnp.int32),
            pltpu.VMEM((CH, H), f32),
            pltpu.VMEM((ZR, H), f32),
            pltpu.VMEM_SHARED((ACC, H), f32),
            pltpu.VMEM((CH, H), f32),
        ],
    )
    def ck(row_hbm, zrow_hbm, ones_hbm, outc_hbm,
           idxall, idxb2, vbuf, zrb, acc_sh, onesb):
        cid = lax.axis_index("c")
        sid = lax.axis_index("s")
        pltpu.sync_copy(zrow_hbm, zrb)
        pltpu.sync_copy(ones_hbm, onesb)
        pltpu.sync_copy(row_hbm.at[pl.ds(sid * PERT, PERT)], idxall)
        zero_acc, remap, drain = _scatter_common(cid, sid, idxall, idxb2, vbuf, zrb, acc_sh)
        zero_acc()
        plsc.subcore_barrier()

        def body(j, carry):
            remap(j)
            pltpu.sync_copy(onesb, acc_sh.at[idxb2], add=True)
            return carry

        lax.fori_loop(0, NCHS, body, 0)
        plsc.subcore_barrier()
        drain(outc_hbm)

    return ck(row, zrow, ones_rows)



def _post_body(sums_ref, cnts_ref, pu2_ref, b16_ref, u_ref,
               w0n2a_ref, w1n2_ref, b1n2_ref, sn2_ref, bn2_ref,
               w0gu_ref, w0gm_ref, b0g_ref, w1g_ref, b1g_ref, sg_ref, bg_ref,
               xnew_ref, unew_ref):
    s = sums_ref[:N, :]
    c = cnts_ref[:N, 0:1]
    agg = s * (1.0 / jnp.maximum(c, 1.0))
    a0 = jax.nn.gelu(jnp.dot(agg, w0n2a_ref[...], preferred_element_type=f32) + pu2_ref[...])
    a1 = jax.nn.gelu(jnp.dot(a0, w1n2_ref[...], preferred_element_type=f32) + b1n2_ref[...])
    x_new = _ln(a1 + a0, sn2_ref[...], bn2_ref[...])
    xnew_ref[...] = x_new
    oh = (b16_ref[...] == lax.broadcasted_iota(jnp.int32, (N, NG), 1)).astype(f32)
    cnt16 = jnp.sum(oh, axis=0, keepdims=True)
    ohn = oh * (1.0 / jnp.maximum(cnt16, 1.0))
    mean16 = lax.dot_general(ohn, x_new, (((0,), (0,)), ((), ())),
                             preferred_element_type=f32)
    u = u_ref[...]
    g0 = jax.nn.gelu(jnp.dot(u, w0gu_ref[...], preferred_element_type=f32)
                     + jnp.dot(mean16, w0gm_ref[...], preferred_element_type=f32)
                     + b0g_ref[...])
    g1 = jax.nn.gelu(jnp.dot(g0, w1g_ref[...], preferred_element_type=f32) + b1g_ref[...])
    unew_ref[...] = _ln(g1 + g0, sg_ref[...], bg_ref[...])


def _post_call(sums, cnts, pu2, b16, u, w0n2a, w1n2, b1n2, sn2, bn2,
               w0gu, w0gm, b0g, w1g, b1g, sg, bg):
    full = lambda shape: pl.BlockSpec(shape, lambda: (0,) * len(shape))
    return pl.pallas_call(
        _post_body,
        in_specs=[
            full((NP, H)), full((NP, H)), full((N, H)), full((N, NG)),
            full((NG, DU)),
            full((H, H)), full((H, H)), full((1, H)), full((1, H)), full((1, H)),
            full((DU, H)), full((H, H)), full((1, H)), full((H, H)), full((1, H)),
            full((1, H)), full((1, H)),
        ],
        out_specs=[full((N, H)), full((NG, H))],
        out_shape=[
            jax.ShapeDtypeStruct((N, H), f32),
            jax.ShapeDtypeStruct((NG, H), f32),
        ],
    )(sums, cnts, pu2, b16, u, w0n2a, w1n2, b1n2, sn2, bn2,
      w0gu, w0gm, b0g, w1g, b1g, sg, bg)



def kernel(x, edge_index, edge_attr, u, batch, params):
    pe, pn1, pn2, pg = params["edge"], params["node1"], params["node2"], params["glob"]
    row = edge_index[0]
    col = edge_index[1]
    b16 = jnp.broadcast_to(batch[:, None], (N, NG))

    zrow = jnp.zeros((ZR, H), f32)
    ones_rows = jnp.ones((CH, H), f32)
    cnts = _sc_counts(row, zrow, ones_rows)

    r1 = lambda v: v.reshape(1, H)
    w0e = pe["W0"]
    pre_row, pre_col, pre_u2 = _pre_call(
        x, b16, u,
        w0e[0:D], w0e[D:2 * D], w0e[2 * D + DE:], r1(pe["b0"]),
        pn1["W0"][0:D], r1(pn1["b0"]),
        pn2["W0"][H:], r1(pn2["b0"]),
    )

    gr, gc = _sc_gather(pre_row, pre_col, row, col)

    e_new, n_h = _edge_call(
        gr, gc, edge_attr,
        w0e[2 * D:2 * D + DE], pe["W1"], r1(pe["b1"]), r1(pe["ln_s"]), r1(pe["ln_b"]),
        pn1["W0"][D:], pn1["W1"], r1(pn1["b1"]), r1(pn1["ln_s"]), r1(pn1["ln_b"]),
    )

    sums = _sc_sums(n_h, row, zrow)

    x_new, u_new = _post_call(
        sums, cnts, pre_u2, b16, u,
        pn2["W0"][0:H], pn2["W1"], r1(pn2["b1"]), r1(pn2["ln_s"]), r1(pn2["ln_b"]),
        pg["W0"][0:DU], pg["W0"][DU:], r1(pg["b0"]), pg["W1"], r1(pg["b1"]),
        r1(pg["ln_s"]), r1(pg["ln_b"]),
    )
    return x_new, e_new, u_new

# --- scband reference (transcript-rebuilt; emitter-appended) ---
"""Pipeline reference for scband-my-gnnlayer-21303037788728 (READ-ONLY COPY).

The authoritative reference and input builder live on the scoring server;
editing this copy changes nothing except your own understanding.
"""

import jax, jax.numpy as jnp
import numpy as np

N = 10000
E = 320000
D = 128
DE = 16
DU = 128
H = 128
NG = 16


def _mlp_params(k, in_dim, h):
    k0, k1 = jax.random.split(k)
    return {
        "W0": 0.02 * jax.random.normal(k0, (in_dim, h), dtype=jnp.float32),
        "b0": jnp.zeros((h,), dtype=jnp.float32),
        "W1": 0.02 * jax.random.normal(k1, (h, h), dtype=jnp.float32),
        "b1": jnp.zeros((h,), dtype=jnp.float32),
        "ln_s": jnp.ones((h,), dtype=jnp.float32),
        "ln_b": jnp.zeros((h,), dtype=jnp.float32),
    }


def setup_inputs(seed: int = 0) -> dict:
    key = jax.random.key(seed)
    ks = jax.random.split(key, 16)
    x = jax.random.normal(ks[0], (N, D), dtype=jnp.float32)
    edge_index = jax.random.randint(ks[1], (2, E), 0, N, dtype=jnp.int32)
    edge_attr = jax.random.normal(ks[2], (E, DE), dtype=jnp.float32)
    u = jax.random.normal(ks[3], (NG, DU), dtype=jnp.float32)
    batch = jnp.sort(jax.random.randint(ks[4], (N,), 0, NG, dtype=jnp.int32))
    params = {
        "edge": _mlp_params(ks[5], 2 * D + DE + DU, H),
        "node1": _mlp_params(ks[6], D + H, H),
        "node2": _mlp_params(ks[7], H + DU, H),
        "glob": _mlp_params(ks[8], DU + H, H),
    }
    return {"x": x, "edge_index": edge_index, "edge_attr": edge_attr, "u": u, "batch": batch, "params": params}


def _layer_norm(x, s, b):
    m = jnp.mean(x, axis=-1, keepdims=True)
    v = jnp.var(x, axis=-1, keepdims=True)
    return (x - m) / jnp.sqrt(v + 1e-5) * s + b


def _residual_mlp(x, p):
    # ResidualMLP: Linear -> GELU -> Dropout(eval=identity), repeated; LayerNorm(residual)
    h = jax.nn.gelu(x @ p["W0"] + p["b0"])
    init = h
    h = jax.nn.gelu(h @ p["W1"] + p["b1"])
    return _layer_norm(h + init, p["ln_s"], p["ln_b"])


def _scatter_mean(vals, idx, size):
    s = jax.ops.segment_sum(vals, idx, num_segments=size)
    c = jax.ops.segment_sum(jnp.ones((vals.shape[0],), vals.dtype), idx, num_segments=size)
    return s / jnp.maximum(c, 1.0)[:, None]


def reference(x, edge_index, edge_attr, u, batch, params):
    row = edge_index[0]
    col = edge_index[1]
    # edge_model: cat([src, dest, edge_attr, u[batch[row]]]) -> edge_mlp
    src = jnp.take(x, row, axis=0)
    dst = jnp.take(x, col, axis=0)
    u_edge = jnp.take(u, jnp.take(batch, row, axis=0), axis=0)
    e_in = jnp.concatenate([src, dst, edge_attr, u_edge], axis=1)
    e_new = _residual_mlp(e_in, params["edge"])
    # node_model: cat([x[col], edge_attr_new]) -> node_mlp_1 -> scatter_mean by row -> cat with u[batch] -> node_mlp_2
    n_in = jnp.concatenate([dst, e_new], axis=1)
    n_h = _residual_mlp(n_in, params["node1"])
    agg = _scatter_mean(n_h, row, x.shape[0])
    x_new = _residual_mlp(jnp.concatenate([agg, jnp.take(u, batch, axis=0)], axis=1), params["node2"])
    # global_model: cat([u, scatter_mean(x_new, batch)]) -> global_mlp
    g_in = jnp.concatenate([u, _scatter_mean(x_new, batch, u.shape[0])], axis=1)
    u_new = _residual_mlp(g_in, params["glob"])
    return (x_new, e_new, u_new)

if __name__ == "__main__":
    import jax
    _d = setup_inputs()
    print(jax.jit(kernel)(*tuple(_d.values())))

</pallas_src>

<mosaic_0001>
#map = affine_map<(d0, d1) -> (0, 0)>
#map1 = affine_map<(d0, d1) -> (0)>
module attributes {stable_mosaic.version = 14 : i64} {
  func.func @sk(%arg0: i32, %arg1: i32, %arg2: memref<320000x128xf32, #tpu.memory_space<hbm>>, %arg3: memref<320000xi32, #tpu.memory_space<hbm>>, %arg4: memref<128x128xf32, #tpu.memory_space<hbm>>, %arg5: memref<10240x128xf32, #tpu.memory_space<hbm>>, %arg6: memref<20000xi32, #tpu.memory_space<vmem>>, %arg7: memref<80xi32, #tpu.memory_space<vmem>>, %arg8: memref<80x128xf32, #tpu.memory_space<vmem>>, %arg9: memref<80x128xf32, #tpu.memory_space<vmem>>, %arg10: memref<128x128xf32, #tpu.memory_space<vmem>>, %arg11: memref<6144x128xf32, #tpu.memory_space<vmem_shared>>, %arg12: memref<!tpu.dma_semaphore, #tpu.memory_space<semaphore_mem>>, %arg13: memref<!tpu.dma_semaphore, #tpu.memory_space<semaphore_mem>>) attributes {dimension_semantics = [#tpu.dimension_semantics<core_parallel>, #tpu.dimension_semantics<subcore_parallel>], iteration_bounds = array<i64: 2, 16>, scalar_prefetch = 0 : i64, scratch_operands = 8 : i64, tpu.core_type = #tpu.core_type<sc_vector_subcore>, window_params = [{transform_indices = #map}, {transform_indices = #map1}, {transform_indices = #map}, {transform_indices = #map}]} {
    %mul3A = arith.constant 20000 : i32
    %mul3A_0 = arith.muli %arg1, %mul3A : i32
    "tpu.region"() ({
      %run_scoped3A = tpu.sem_alloc : memref<!tpu.dma_semaphore, #tpu.memory_space<semaphore_mem>>
      tpu.enqueue_dma source(%arg4 : memref<128x128xf32, #tpu.memory_space<hbm>>) target(%arg10 : memref<128x128xf32, #tpu.memory_space<vmem>>) target_semaphore(%run_scoped3A : memref<!tpu.dma_semaphore, #tpu.memory_space<semaphore_mem>>)
      tpu.wait_dma2 semaphore(%run_scoped3A : memref<!tpu.dma_semaphore, #tpu.memory_space<semaphore_mem>>) src(%arg4 : memref<128x128xf32, #tpu.memory_space<hbm>>) dst(%arg10 : memref<128x128xf32, #tpu.memory_space<vmem>>)
      tpu.yield
    }) : () -> ()
    "tpu.region"() ({
      %run_scoped3A = tpu.sem_alloc : memref<!tpu.dma_semaphore, #tpu.memory_space<semaphore_mem>>
      %dma_start3A_219 = tpu.memref_slice %arg3[%mul3A_0] : memref<320000xi32, #tpu.memory_space<hbm>> -> memref<20000xi32, #tpu.memory_space<hbm>>
      %dma_start3A_220 = tpu.memref_slice %arg3[%mul3A_0] : memref<320000xi32, #tpu.memory_space<hbm>> -> memref<20000xi32, #tpu.memory_space<hbm>>
      tpu.enqueue_dma source(%dma_start3A_220 : memref<20000xi32, #tpu.memory_space<hbm>>) target(%arg6 : memref<20000xi32, #tpu.memory_space<vmem>>) target_semaphore(%run_scoped3A : memref<!tpu.dma_semaphore, #tpu.memory_space<semaphore_mem>>)
      %dma_wait3A_221 = tpu.memref_slice %arg3[%mul3A_0] : memref<320000xi32, #tpu.memory_space<hbm>> -> memref<20000xi32, #tpu.memory_space<hbm>>
      %dma_wait3A_222 = tpu.memref_slice %arg3[%mul3A_0] : memref<320000xi32, #tpu.memory_space<hbm>> -> memref<20000xi32, #tpu.memory_space<hbm>>
      tpu.wait_dma2 semaphore(%run_scoped3A : memref<!tpu.dma_semaphore, #tpu.memory_space<semaphore_mem>>) src(%dma_wait3A_222 : memref<20000xi32, #tpu.memory_space<hbm>>) dst(%arg6 : memref<20000xi32, #tpu.memory_space<vmem>>)
      tpu.yield
    }) : () -> ()
    %mul3A_1 = arith.constant 5120 : i32
    %mul3A_2 = arith.muli %arg0, %mul3A_1 : i32
    %scan3A = arith.constant 0 : i32
    %scan3A_3 = arith.constant 0 : i32
    %scan3A_4 = arith.constant 3 : i32
    %scan3A_5 = arith.addi %scan3A_3, %scan3A_4 : i32
    %scan3A_6 = arith.constant 1 : i32
    scf.for %scan3A_219 = %scan3A_3 to %scan3A_5 step %scan3A_6  : i32 {
      %mul3A_220 = arith.constant 384 : i32
      %mul3A_221 = arith.muli %arg1, %mul3A_220 : i32
      %mul3A_222 = arith.constant 128 : i32
      %mul3A_223 = arith.muli %scan3A_219, %mul3A_222 : i32
      %add3A_224 = arith.addi %mul3A_221, %mul3A_223 : i32
      "tpu.region"() ({
        %run_scoped3A = tpu.sem_alloc : memref<!tpu.dma_semaphore, #tpu.memory_space<semaphore_mem>>
        %dma_start3A_225 = arith.constant 0 : i32
        %dma_start3A_226 = tpu.memref_slice %arg11[%add3A_224, %dma_start3A_225] : memref<6144x128xf32, #tpu.memory_space<vmem_shared>> -> memref<128x128xf32, #tpu.memory_space<vmem_shared>>
        %dma_start3A_227 = arith.constant 0 : i32
        %dma_start3A_228 = tpu.memref_slice %arg11[%add3A_224, %dma_start3A_227] : memref<6144x128xf32, #tpu.memory_space<vmem_shared>> -> memref<128x128xf32, #tpu.memory_space<vmem_shared>>
        tpu.enqueue_dma source(%arg10 : memref<128x128xf32, #tpu.memory_space<vmem>>) target(%dma_start3A_228 : memref<128x128xf32, #tpu.memory_space<vmem_shared>>) target_semaphore(%run_scoped3A : memref<!tpu.dma_semaphore, #tpu.memory_space<semaphore_mem>>)
        %dma_wait3A_229 = arith.constant 0 : i32
        %dma_wait3A_230 = tpu.memref_slice %arg11[%add3A_224, %dma_wait3A_229] : memref<6144x128xf32, #tpu.memory_space<vmem_shared>> -> memref<128x128xf32, #tpu.memory_space<vmem_shared>>
        %dma_wait3A_231 = arith.constant 0 : i32
        %dma_wait3A_232 = tpu.memref_slice %arg11[%add3A_224, %dma_wait3A_231] : memref<6144x128xf32, #tpu.memory_space<vmem_shared>> -> memref<128x128xf32, #tpu.memory_space<vmem_shared>>
        tpu.wait_dma2 semaphore(%run_scoped3A : memref<!tpu.dma_semaphore, #tpu.memory_space<semaphore_mem>>) src(%arg10 : memref<128x128xf32, #tpu.memory_space<vmem>>) dst(%dma_wait3A_232 : memref<128x128xf32, #tpu.memory_space<vmem_shared>>)
        tpu.yield
      }) : () -> ()
    }
    %scan3A_7 = arith.constant 3 : i32
    %barrier3A = arith.constant 0 : index
    tpu.barrier barrier_id(%barrier3A)
    %add3A = arith.constant 0 : i32
    %add3A_8 = arith.addi %mul3A_0, %add3A : i32
    %dma_start3A = arith.constant 0 : i32
    %dma_start3A_9 = tpu.memref_slice %arg2[%add3A_8, %dma_start3A] : memref<320000x128xf32, #tpu.memory_space<hbm>> -> memref<80x128xf32, #tpu.memory_space<hbm>>
    %dma_start3A_10 = arith.constant 0 : i32
    %dma_start3A_11 = tpu.memref_slice %arg2[%add3A_8, %dma_start3A_10] : memref<320000x128xf32, #tpu.memory_space<hbm>> -> memref<80x128xf32, #tpu.memory_space<hbm>>
    tpu.enqueue_dma source(%dma_start3A_11 : memref<80x128xf32, #tpu.memory_space<hbm>>) target(%arg8 : memref<80x128xf32, #tpu.memory_space<vmem>>) target_semaphore(%arg12 : memref<!tpu.dma_semaphore, #tpu.memory_space<semaphore_mem>>)
    %scan3A_12 = arith.constant 0 : i32
    %scan3A_13 = arith.constant 0 : i32
    %scan3A_14 = arith.constant 124 : i32
    %scan3A_15 = arith.addi %scan3A_13, %scan3A_14 : i32
    %scan3A_16 = arith.constant 1 : i32
    scf.for %scan3A_219 = %scan3A_13 to %scan3A_15 step %scan3A_16  : i32 {
      %mul3A_220 = arith.constant 2 : i32
      %mul3A_221 = arith.muli %scan3A_219, %mul3A_220 : i32
      %dma_wait3A_222 = arith.constant 0 : i32
      %dma_wait3A_223 = tpu.memref_slice %arg2[%mul3A_0, %dma_wait3A_222] : memref<320000x128xf32, #tpu.memory_space<hbm>> -> memref<80x128xf32, #tpu.memory_space<hbm>>
      %dma_wait3A_224 = arith.constant 0 : i32
      %dma_wait3A_225 = tpu.memref_slice %arg2[%mul3A_0, %dma_wait3A_224] : memref<320000x128xf32, #tpu.memory_space<hbm>> -> memref<80x128xf32, #tpu.memory_space<hbm>>
      tpu.wait_dma2 semaphore(%arg12 : memref<!tpu.dma_semaphore, #tpu.memory_space<semaphore_mem>>) src(%dma_wait3A_225 : memref<80x128xf32, #tpu.memory_space<hbm>>) dst(%arg8 : memref<80x128xf32, #tpu.memory_space<vmem>>)
      %add3A_226 = arith.constant 1 : i32
      %add3A_227 = arith.addi %mul3A_221, %add3A_226 : i32
      %mul3A_228 = arith.constant 80 : i32
      %mul3A_229 = arith.muli %add3A_227, %mul3A_228 : i32
      %add3A_230 = arith.addi %mul3A_0, %mul3A_229 : i32
      %dma_start3A_231 = arith.constant 0 : i32
      %dma_start3A_232 = tpu.memref_slice %arg2[%add3A_230, %dma_start3A_231] : memref<320000x128xf32, #tpu.memory_space<hbm>> -> memref<80x128xf32, #tpu.memory_space<hbm>>
      %dma_start3A_233 = arith.constant 0 : i32
      %dma_start3A_234 = tpu.memref_slice %arg2[%add3A_230, %dma_start3A_233] : memref<320000x128xf32, #tpu.memory_space<hbm>> -> memref<80x128xf32, #tpu.memory_space<hbm>>
      tpu.enqueue_dma source(%dma_start3A_234 : memref<80x128xf32, #tpu.memory_space<hbm>>) target(%arg9 : memref<80x128xf32, #tpu.memory_space<vmem>>) target_semaphore(%arg13 : memref<!tpu.dma_semaphore, #tpu.memory_space<semaphore_mem>>)
      %mul3A_235 = arith.constant 80 : i32
      %mul3A_236 = arith.muli %mul3A_221, %mul3A_235 : i32
      %add3A_237 = arith.constant 0 : i32
      %add3A_238 = arith.addi %mul3A_236, %add3A_237 : i32
      %get3A_239 = arith.index_cast %add3A_238 : i32 to index
      %get3A_240 = tpu.vector_load %arg6[%get3A_239] {strides = array<i32>} : memref<20000xi32, #tpu.memory_space<vmem>>, vector<16xi32>,
      %get3A_241 = vector.shape_cast %get3A_240 : vector<16xi32> to vector<16xi32>
      %sub3A_242 = vector.broadcast %mul3A_2 : i32 to vector<16xi32>
      %sub3A_243 = arith.subi %get3A_241, %sub3A_242 : vector<16xi32>
      %lt3A_244 = arith.constant 0 : i32
      %lt3A_245 = vector.broadcast %lt3A_244 : i32 to vector<16xi32>
      %lt3A_246 = arith.cmpi slt, %sub3A_243, %lt3A_245 : vector<16xi32>
      %ge3A_247 = arith.constant 5120 : i32
      %ge3A_248 = vector.broadcast %ge3A_247 : i32 to vector<16xi32>
      %ge3A_249 = arith.cmpi sge, %sub3A_243, %ge3A_248 : vector<16xi32>
      %or3A_250 = arith.ori %lt3A_246, %ge3A_249 : vector<16xi1>
      %jit3A_251 = arith.constant 5120 : i32
      %broadcast_in_dim3A_252 = vector.broadcast %jit3A_251 : i32 to vector<16xi32>
      %select_n3A_253 = arith.select %or3A_250, %broadcast_in_dim3A_252, %sub3A_243 : vector<16xi1>, vector<16xi32>
      %swap3A_254 = arith.constant 0 : index
      %swap3A_255 = tpu.vector_load %arg7[%swap3A_254] {strides = array<i32>} : memref<80xi32, #tpu.memory_space<vmem>>, vector<16xi32>,
      %swap3A_256 = vector.shape_cast %swap3A_255 : vector<16xi32> to vector<16xi32>
      %swap3A_257 = vector.shape_cast %select_n3A_253 : vector<16xi32> to vector<16xi32>
      tpu.vector_store %arg7[%swap3A_254], %swap3A_257 {strides = array<i32>} : memref<80xi32, #tpu.memory_space<vmem>>, vector<16xi32>,
      %mul3A_258 = arith.constant 80 : i32
      %mul3A_259 = arith.muli %mul3A_221, %mul3A_258 : i32
      %add3A_260 = arith.constant 16 : i32
      %add3A_261 = arith.addi %mul3A_259, %add3A_260 : i32
      %get3A_262 = arith.index_cast %add3A_261 : i32 to index
      %get3A_263 = tpu.vector_load %arg6[%get3A_262] {strides = array<i32>} : memref<20000xi32, #tpu.memory_space<vmem>>, vector<16xi32>,
      %get3A_264 = vector.shape_cast %get3A_263 : vector<16xi32> to vector<16xi32>
      %sub3A_265 = vector.broadcast %mul3A_2 : i32 to vector<16xi32>
      %sub3A_266 = arith.subi %get3A_264, %sub3A_265 : vector<16xi32>
      %lt3A_267 = arith.constant 0 : i32
      %lt3A_268 = vector.broadcast %lt3A_267 : i32 to vector<16xi32>
      %lt3A_269 = arith.cmpi slt, %sub3A_266, %lt3A_268 : vector<16xi32>
      %ge3A_270 = arith.constant 5120 : i32
      %ge3A_271 = vector.broadcast %ge3A_270 : i32 to vector<16xi32>
      %ge3A_272 = arith.cmpi sge, %sub3A_266, %ge3A_271 : vector<16xi32>
      %or3A_273 = arith.ori %lt3A_269, %ge3A_272 : vector<16xi1>
      %jit3A_274 = arith.constant 5120 : i32
      %broadcast_in_dim3A_275 = vector.broadcast %jit3A_274 : i32 to vector<16xi32>
      %select_n3A_276 = arith.select %or3A_273, %broadcast_in_dim3A_275, %sub3A_266 : vector<16xi1>, vector<16xi32>
      %swap3A_277 = arith.constant 16 : index
      %swap3A_278 = tpu.vector_load %arg7[%swap3A_277] {strides = array<i32>} : memref<80xi32, #tpu.memory_space<vmem>>, vector<16xi32>,
      %swap3A_279 = vector.shape_cast %swap3A_278 : vector<16xi32> to vector<16xi32>
      %swap3A_280 = vector.shape_cast %select_n3A_276 : vector<16xi32> to vector<16xi32>
      tpu.vector_store %arg7[%swap3A_277], %swap3A_280 {strides = array<i32>} : memref<80xi32, #tpu.memory_space<vmem>>, vector<16xi32>,
      %mul3A_281 = arith.constant 80 : i32
      %mul3A_282 = arith.muli %mul3A_221, %mul3A_281 : i32
      %add3A_283 = arith.constant 32 : i32
      %add3A_284 = arith.addi %mul3A_282, %add3A_283 : i32
      %get3A_285 = arith.index_cast %add3A_284 : i32 to index
      %get3A_286 = tpu.vector_load %arg6[%get3A_285] {strides = array<i32>} : memref<20000xi32, #tpu.memory_space<vmem>>, vector<16xi32>,
      %get3A_287 = vector.shape_cast %get3A_286 : vector<16xi32> to vector<16xi32>
      %sub3A_288 = vector.broadcast %mul3A_2 : i32 to vector<16xi32>
      %sub3A_289 = arith.subi %get3A_287, %sub3A_288 : vector<16xi32>
      %lt3A_290 = arith.constant 0 : i32
      %lt3A_291 = vector.broadcast %lt3A_290 : i32 to vector<16xi32>
      %lt3A_292 = arith.cmpi slt, %sub3A_289, %lt3A_291 : vector<16xi32>
      %ge3A_293 = arith.constant 5120 : i32
      %ge3A_294 = vector.broadcast %ge3A_293 : i32 to vector<16xi32>
      %ge3A_295 = arith.cmpi sge, %sub3A_289, %ge3A_294 : vector<16xi32>
      %or3A_296 = arith.ori %lt3A_292, %ge3A_295 : vector<16xi1>
      %jit3A_297 = arith.constant 5120 : i32
      %broadcast_in_dim3A_298 = vector.broadcast %jit3A_297 : i32 to vector<16xi32>
      %select_n3A_299 = arith.select %or3A_296, %broadcast_in_dim3A_298, %sub3A_289 : vector<16xi1>, vector<16xi32>
      %swap3A_300 = arith.constant 32 : index
      %swap3A_301 = tpu.vector_load %arg7[%swap3A_300] {strides = array<i32>} : memref<80xi32, #tpu.memory_space<vmem>>, vector<16xi32>,
      %swap3A_302 = vector.shape_cast %swap3A_301 : vector<16xi32> to vector<16xi32>
      %swap3A_303 = vector.shape_cast %select_n3A_299 : vector<16xi32> to vector<16xi32>
      tpu.vector_store %arg7[%swap3A_300], %swap3A_303 {strides = array<i32>} : memref<80xi32, #tpu.memory_space<vmem>>, vector<16xi32>,
      %mul3A_304 = arith.constant 80 : i32
      %mul3A_305 = arith.muli %mul3A_221, %mul3A_304 : i32
      %add3A_306 = arith.constant 48 : i32
      %add3A_307 = arith.addi %mul3A_305, %add3A_306 : i32
      %get3A_308 = arith.index_cast %add3A_307 : i32 to index
      %get3A_309 = tpu.vector_load %arg6[%get3A_308] {strides = array<i32>} : memref<20000xi32, #tpu.memory_space<vmem>>, vector<16xi32>,
      %get3A_310 = vector.shape_cast %get3A_309 : vector<16xi32> to vector<16xi32>
      %sub3A_311 = vector.broadcast %mul3A_2 : i32 to vector<16xi32>
      %sub3A_312 = arith.subi %get3A_310, %sub3A_311 : vector<16xi32>
      %lt3A_313 = arith.constant 0 : i32
      %lt3A_314 = vector.broadcast %lt3A_313 : i32 to vector<16xi32>
      %lt3A_315 = arith.cmpi slt, %sub3A_312, %lt3A_314 : vector<16xi32>
      %ge3A_316 = arith.constant 5120 : i32
      %ge3A_317 = vector.broadcast %ge3A_316 : i32 to vector<16xi32>
      %ge3A_318 = arith.cmpi sge, %sub3A_312, %ge3A_317 : vector<16xi32>
      %or3A_319 = arith.ori %lt3A_315, %ge3A_318 : vector<16xi1>
      %jit3A_320 = arith.constant 5120 : i32
      %broadcast_in_dim3A_321 = vector.broadcast %jit3A_320 : i32 to vector<16xi32>
      %select_n3A_322 = arith.select %or3A_319, %broadcast_in_dim3A_321, %sub3A_312 : vector<16xi1>, vector<16xi32>
      %swap3A_323 = arith.constant 48 : index
      %swap3A_324 = tpu.vector_load %arg7[%swap3A_323] {strides = array<i32>} : memref<80xi32, #tpu.memory_space<vmem>>, vector<16xi32>,
      %swap3A_325 = vector.shape_cast %swap3A_324 : vector<16xi32> to vector<16xi32>
      %swap3A_326 = vector.shape_cast %select_n3A_322 : vector<16xi32> to vector<16xi32>
      tpu.vector_store %arg7[%swap3A_323], %swap3A_326 {strides = array<i32>} : memref<80xi32, #tpu.memory_space<vmem>>, vector<16xi32>,
      %mul3A_327 = arith.constant 80 : i32
      %mul3A_328 = arith.muli %mul3A_221, %mul3A_327 : i32
      %add3A_329 = arith.constant 64 : i32
      %add3A_330 = arith.addi %mul3A_328, %add3A_329 : i32
      %get3A_331 = arith.index_cast %add3A_330 : i32 to index
      %get3A_332 = tpu.vector_load %arg6[%get3A_331] {strides = array<i32>} : memref<20000xi32, #tpu.memory_space<vmem>>, vector<16xi32>,
      %get3A_333 = vector.shape_cast %get3A_332 : vector<16xi32> to vector<16xi32>
      %sub3A_334 = vector.broadcast %mul3A_2 : i32 to vector<16xi32>
      %sub3A_335 = arith.subi %get3A_333, %sub3A_334 : vector<16xi32>
      %lt3A_336 = arith.constant 0 : i32
      %lt3A_337 = vector.broadcast %lt3A_336 : i32 to vector<16xi32>
      %lt3A_338 = arith.cmpi slt, %sub3A_335, %lt3A_337 : vector<16xi32>
      %ge3A_339 = arith.constant 5120 : i32
      %ge3A_340 = vector.broadcast %ge3A_339 : i32 to vector<16xi32>
      %ge3A_341 = arith.cmpi sge, %sub3A_335, %ge3A_340 : vector<16xi32>
      %or3A_342 = arith.ori %lt3A_338, %ge3A_341 : vector<16xi1>
      %jit3A_343 = arith.constant 5120 : i32
      %broadcast_in_dim3A_344 = vector.broadcast %jit3A_343 : i32 to vector<16xi32>
      %select_n3A_345 = arith.select %or3A_342, %broadcast_in_dim3A_344, %sub3A_335 : vector<16xi1>, vector<16xi32>
      %swap3A_346 = arith.constant 64 : index
      %swap3A_347 = tpu.vector_load %arg7[%swap3A_346] {strides = array<i32>} : memref<80xi32, #tpu.memory_space<vmem>>, vector<16xi32>,
      %swap3A_348 = vector.shape_cast %swap3A_347 : vector<16xi32> to vector<16xi32>
      %swap3A_349 = vector.shape_cast %select_n3A_345 : vector<16xi32> to vector<16xi32>
      tpu.vector_store %arg7[%swap3A_346], %swap3A_349 {strides = array<i32>} : memref<80xi32, #tpu.memory_space<vmem>>, vector<16xi32>,
      "tpu.region"() ({
        %run_scoped3A = tpu.sem_alloc : memref<!tpu.dma_semaphore, #tpu.memory_space<semaphore_mem>>
        %dma_start3A_480 = arith.constant 0 : i32
        %dma_start3A_481 = arith.constant 0 : i32
        %dma_start3A_482 = tpu.memref_slice %arg11[%dma_start3A_480, %dma_start3A_481] : memref<6144x128xf32, #tpu.memory_space<vmem_shared>> -> memref<6144x128xf32, #tpu.memory_space<vmem_shared>>
        tpu.enqueue_indirect_dma source(%arg8 : memref<80x128xf32, #tpu.memory_space<vmem>>) target(%dma_start3A_482 : memref<6144x128xf32, #tpu.memory_space<vmem_shared>>) offsets(%arg7 : memref<80xi32, #tpu.memory_space<vmem>>) semaphore(%run_scoped3A : memref<!tpu.dma_semaphore, #tpu.memory_space<semaphore_mem>>) {add = true}
        %dma_wait3A_483 = arith.constant 0 : i32
        %dma_wait3A_484 = arith.constant 0 : i32
        %dma_wait3A_485 = tpu.memref_slice %arg11[%dma_wait3A_483, %dma_wait3A_484] : memref<6144x128xf32, #tpu.memory_space<vmem_shared>> -> memref<6144x128xf32, #tpu.memory_space<vmem_shared>>
        tpu.wait_indirect_dma semaphore(%run_scoped3A : memref<!tpu.dma_semaphore, #tpu.memory_space<semaphore_mem>>) src(%arg8 : memref<80x128xf32, #tpu.memory_space<vmem>>) dst(%dma_wait3A_485 : memref<6144x128xf32, #tpu.memory_space<vmem_shared>>)
        tpu.yield
      }) : () -> ()
      %dma_wait3A_350 = arith.constant 0 : i32
      %dma_wait3A_351 = tpu.memref_slice %arg2[%mul3A_0, %dma_wait3A_350] : memref<320000x128xf32, #tpu.memory_space<hbm>> -> memref<80x128xf32, #tpu.memory_space<hbm>>
      %dma_wait3A_352 = arith.constant 0 : i32
      %dma_wait3A_353 = tpu.memref_slice %arg2[%mul3A_0, %dma_wait3A_352] : memref<320000x128xf32, #tpu.memory_space<hbm>> -> memref<80x128xf32, #tpu.memory_space<hbm>>
      tpu.wait_dma2 semaphore(%arg13 : memref<!tpu.dma_semaphore, #tpu.memory_space<semaphore_mem>>) src(%dma_wait3A_353 : memref<80x128xf32, #tpu.memory_space<hbm>>) dst(%arg9 : memref<80x128xf32, #tpu.memory_space<vmem>>)
      %add3A_354 = arith.constant 2 : i32
      %add3A_355 = arith.addi %mul3A_221, %add3A_354 : i32
      %mul3A_356 = arith.constant 80 : i32
      %mul3A_357 = arith.muli %add3A_355, %mul3A_356 : i32
      %add3A_358 = arith.addi %mul3A_0, %mul3A_357 : i32
      %dma_start3A_359 = arith.constant 0 : i32
      %dma_start3A_360 = tpu.memref_slice %arg2[%add3A_358, %dma_start3A_359] : memref<320000x128xf32, #tpu.memory_space<hbm>> -> memref<80x128xf32, #tpu.memory_space<hbm>>
      %dma_start3A_361 = arith.constant 0 : i32
      %dma_start3A_362 = tpu.memref_slice %arg2[%add3A_358, %dma_start3A_361] : memref<320000x128xf32, #tpu.memory_space<hbm>> -> memref<80x128xf32, #tpu.memory_space<hbm>>
      tpu.enqueue_dma source(%dma_start3A_362 : memref<80x128xf32, #tpu.memory_space<hbm>>) target(%arg8 : memref<80x128xf32, #tpu.memory_space<vmem>>) target_semaphore(%arg12 : memref<!tpu.dma_semaphore, #tpu.memory_space<semaphore_mem>>)
      %add3A_363 = arith.constant 1 : i32
      %add3A_364 = arith.addi %mul3A_221, %add3A_363 : i32
      %mul3A_365 = arith.constant 80 : i32
      %mul3A_366 = arith.muli %add3A_364, %mul3A_365 : i32
      %add3A_367 = arith.constant 0 : i32
      %add3A_368 = arith.addi %mul3A_366, %add3A_367 : i32
      %get3A_369 = arith.index_cast %add3A_368 : i32 to index
      %get3A_370 = tpu.vector_load %arg6[%get3A_369] {strides = array<i32>} : memref<20000xi32, #tpu.memory_space<vmem>>, vector<16xi32>,
      %get3A_371 = vector.shape_cast %get3A_370 : vector<16xi32> to vector<16xi32>
      %sub3A_372 = vector.broadcast %mul3A_2 : i32 to vector<16xi32>
      %sub3A_373 = arith.subi %get3A_371, %sub3A_372 : vector<16xi32>
      %lt3A_374 = arith.constant 0 : i32
      %lt3A_375 = vector.broadcast %lt3A_374 : i32 to vector<16xi32>
      %lt3A_376 = arith.cmpi slt, %sub3A_373, %lt3A_375 : vector<16xi32>
      %ge3A_377 = arith.constant 5120 : i32
      %ge3A_378 = vector.broadcast %ge3A_377 : i32 to vector<16xi32>
      %ge3A_379 = arith.cmpi sge, %sub3A_373, %ge3A_378 : vector<16xi32>
      %or3A_380 = arith.ori %lt3A_376, %ge3A_379 : vector<16xi1>
      %jit3A_381 = arith.constant 5120 : i32
      %broadcast_in_dim3A_382 = vector.broadcast %jit3A_381 : i32 to vector<16xi32>
      %select_n3A_383 = arith.select %or3A_380, %broadcast_in_dim3A_382, %sub3A_373 : vector<16xi1>, vector<16xi32>
      %swap3A_384 = arith.constant 0 : index
      %swap3A_385 = tpu.vector_load %arg7[%swap3A_384] {strides = array<i32>} : memref<80xi32, #tpu.memory_space<vmem>>, vector<16xi32>,
      %swap3A_386 = vector.shape_cast %swap3A_385 : vector<16xi32> to vector<16xi32>
      %swap3A_387 = vector.shape_cast %select_n3A_383 : vector<16xi32> to vector<16xi32>
      tpu.vector_store %arg7[%swap3A_384], %swap3A_387 {strides = array<i32>} : memref<80xi32, #tpu.memory_space<vmem>>, vector<16xi32>,
      %mul3A_388 = arith.constant 80 : i32
      %mul3A_389 = arith.muli %add3A_364, %mul3A_388 : i32
      %add3A_390 = arith.constant 16 : i32
      %add3A_391 = arith.addi %mul3A_389, %add3A_390 : i32
      %get3A_392 = arith.index_cast %add3A_391 : i32 to index
      %get3A_393 = tpu.vector_load %arg6[%get3A_392] {strides = array<i32>} : memref<20000xi32, #tpu.memory_space<vmem>>, vector<16xi32>,
      %get3A_394 = vector.shape_cast %get3A_393 : vector<16xi32> to vector<16xi32>
      %sub3A_395 = vector.broadcast %mul3A_2 : i32 to vector<16xi32>
      %sub3A_396 = arith.subi %get3A_394, %sub3A_395 : vector<16xi32>
      %lt3A_397 = arith.constant 0 : i32
      %lt3A_398 = vector.broadcast %lt3A_397 : i32 to vector<16xi32>
      %lt3A_399 = arith.cmpi slt, %sub3A_396, %lt3A_398 : vector<16xi32>
      %ge3A_400 = arith.constant 5120 : i32
      %ge3A_401 = vector.broadcast %ge3A_400 : i32 to vector<16xi32>
      %ge3A_402 = arith.cmpi sge, %sub3A_396, %ge3A_401 : vector<16xi32>
      %or3A_403 = arith.ori %lt3A_399, %ge3A_402 : vector<16xi1>
      %jit3A_404 = arith.constant 5120 : i32
      %broadcast_in_dim3A_405 = vector.broadcast %jit3A_404 : i32 to vector<16xi32>
      %select_n3A_406 = arith.select %or3A_403, %broadcast_in_dim3A_405, %sub3A_396 : vector<16xi1>, vector<16xi32>
      %swap3A_407 = arith.constant 16 : index
      %swap3A_408 = tpu.vector_load %arg7[%swap3A_407] {strides = array<i32>} : memref<80xi32, #tpu.memory_space<vmem>>, vector<16xi32>,
      %swap3A_409 = vector.shape_cast %swap3A_408 : vector<16xi32> to vector<16xi32>
      %swap3A_410 = vector.shape_cast %select_n3A_406 : vector<16xi32> to vector<16xi32>
      tpu.vector_store %arg7[%swap3A_407], %swap3A_410 {strides = array<i32>} : memref<80xi32, #tpu.memory_space<vmem>>, vector<16xi32>,
      %mul3A_411 = arith.constant 80 : i32
      %mul3A_412 = arith.muli %add3A_364, %mul3A_411 : i32
      %add3A_413 = arith.constant 32 : i32
      %add3A_414 = arith.addi %mul3A_412, %add3A_413 : i32
      %get3A_415 = arith.index_cast %add3A_414 : i32 to index
      %get3A_416 = tpu.vector_load %arg6[%get3A_415] {strides = array<i32>} : memref<20000xi32, #tpu.memory_space<vmem>>, vector<16xi32>,
      %get3A_417 = vector.shape_cast %get3A_416 : vector<16xi32> to vector<16xi32>
      %sub3A_418 = vector.broadcast %mul3A_2 : i32 to vector<16xi32>
      %sub3A_419 = arith.subi %get3A_417, %sub3A_418 : vector<16xi32>
      %lt3A_420 = arith.constant 0 : i32
      %lt3A_421 = vector.broadcast %lt3A_420 : i32 to vector<16xi32>
      %lt3A_422 = arith.cmpi slt, %sub3A_419, %lt3A_421 : vector<16xi32>
      %ge3A_423 = arith.constant 5120 : i32
      %ge3A_424 = vector.broadcast %ge3A_423 : i32 to vector<16xi32>
      %ge3A_425 = arith.cmpi sge, %sub3A_419, %ge3A_424 : vector<16xi32>
      %or3A_426 = arith.ori %lt3A_422, %ge3A_425 : vector<16xi1>
      %jit3A_427 = arith.constant 5120 : i32
      %broadcast_in_dim3A_428 = vector.broadcast %jit3A_427 : i32 to vector<16xi32>
      %select_n3A_429 = arith.select %or3A_426, %broadcast_in_dim3A_428, %sub3A_419 : vector<16xi1>, vector<16xi32>
      %swap3A_430 = arith.constant 32 : index
      %swap3A_431 = tpu.vector_load %arg7[%swap3A_430] {strides = array<i32>} : memref<80xi32, #tpu.memory_space<vmem>>, vector<16xi32>,
      %swap3A_432 = vector.shape_cast %swap3A_431 : vector<16xi32> to vector<16xi32>
      %swap3A_433 = vector.shape_cast %select_n3A_429 : vector<16xi32> to vector<16xi32>
      tpu.vector_store %arg7[%swap3A_430], %swap3A_433 {strides = array<i32>} : memref<80xi32, #tpu.memory_space<vmem>>, vector<16xi32>,
      %mul3A_434 = arith.constant 80 : i32
      %mul3A_435 = arith.muli %add3A_364, %mul3A_434 : i32
      %add3A_436 = arith.constant 48 : i32
      %add3A_437 = arith.addi %mul3A_435, %add3A_436 : i32
      %get3A_438 = arith.index_cast %add3A_437 : i32 to index
      %get3A_439 = tpu.vector_load %arg6[%get3A_438] {strides = array<i32>} : memref<20000xi32, #tpu.memory_space<vmem>>, vector<16xi32>,
      %get3A_440 = vector.shape_cast %get3A_439 : vector<16xi32> to vector<16xi32>
      %sub3A_441 = vector.broadcast %mul3A_2 : i32 to vector<16xi32>
      %sub3A_442 = arith.subi %get3A_440, %sub3A_441 : vector<16xi32>
      %lt3A_443 = arith.constant 0 : i32
      %lt3A_444 = vector.broadcast %lt3A_443 : i32 to vector<16xi32>
      %lt3A_445 = arith.cmpi slt, %sub3A_442, %lt3A_444 : vector<16xi32>
      %ge3A_446 = arith.constant 5120 : i32
      %ge3A_447 = vector.broadcast %ge3A_446 : i32 to vector<16xi32>
      %ge3A_448 = arith.cmpi sge, %sub3A_442, %ge3A_447 : vector<16xi32>
      %or3A_449 = arith.ori %lt3A_445, %ge3A_448 : vector<16xi1>
      %jit3A_450 = arith.constant 5120 : i32
      %broadcast_in_dim3A_451 = vector.broadcast %jit3A_450 : i32 to vector<16xi32>
      %select_n3A_452 = arith.select %or3A_449, %broadcast_in_dim3A_451, %sub3A_442 : vector<16xi1>, vector<16xi32>
      %swap3A_453 = arith.constant 48 : index
      %swap3A_454 = tpu.vector_load %arg7[%swap3A_453] {strides = array<i32>} : memref<80xi32, #tpu.memory_space<vmem>>, vector<16xi32>,
      %swap3A_455 = vector.shape_cast %swap3A_454 : vector<16xi32> to vector<16xi32>
      %swap3A_456 = vector.shape_cast %select_n3A_452 : vector<16xi32> to vector<16xi32>
      tpu.vector_store %arg7[%swap3A_453], %swap3A_456 {strides = array<i32>} : memref<80xi32, #tpu.memory_space<vmem>>, vector<16xi32>,
      %mul3A_457 = arith.constant 80 : i32
      %mul3A_458 = arith.muli %add3A_364, %mul3A_457 : i32
      %add3A_459 = arith.constant 64 : i32
      %add3A_460 = arith.addi %mul3A_458, %add3A_459 : i32
      %get3A_461 = arith.index_cast %add3A_460 : i32 to index
      %get3A_462 = tpu.vector_load %arg6[%get3A_461] {strides = array<i32>} : memref<20000xi32, #tpu.memory_space<vmem>>, vector<16xi32>,
      %get3A_463 = vector.shape_cast %get3A_462 : vector<16xi32> to vector<16xi32>
      %sub3A_464 = vector.broadcast %mul3A_2 : i32 to vector<16xi32>
      %sub3A_465 = arith.subi %get3A_463, %sub3A_464 : vector<16xi32>
      %lt3A_466 = arith.constant 0 : i32
      %lt3A_467 = vector.broadcast %lt3A_466 : i32 to vector<16xi32>
      %lt3A_468 = arith.cmpi slt, %sub3A_465, %lt3A_467 : vector<16xi32>
      %ge3A_469 = arith.constant 5120 : i32
      %ge3A_470 = vector.broadcast %ge3A_469 : i32 to vector<16xi32>
      %ge3A_471 = arith.cmpi sge, %sub3A_465, %ge3A_470 : vector<16xi32>
      %or3A_472 = arith.ori %lt3A_468, %ge3A_471 : vector<16xi1>
      %jit3A_473 = arith.constant 5120 : i32
      %broadcast_in_dim3A_474 = vector.broadcast %jit3A_473 : i32 to vector<16xi32>
      %select_n3A_475 = arith.select %or3A_472, %broadcast_in_dim3A_474, %sub3A_465 : vector<16xi1>, vector<16xi32>
      %swap3A_476 = arith.constant 64 : index
      %swap3A_477 = tpu.vector_load %arg7[%swap3A_476] {strides = array<i32>} : memref<80xi32, #tpu.memory_space<vmem>>, vector<16xi32>,
      %swap3A_478 = vector.shape_cast %swap3A_477 : vector<16xi32> to vector<16xi32>
      %swap3A_479 = vector.shape_cast %select_n3A_475 : vector<16xi32> to vector<16xi32>
      tpu.vector_store %arg7[%swap3A_476], %swap3A_479 {strides = array<i32>} : memref<80xi32, #tpu.memory_space<vmem>>, vector<16xi32>,
      "tpu.region"() ({
        %run_scoped3A = tpu.sem_alloc : memref<!tpu.dma_semaphore, #tpu.memory_space<semaphore_mem>>
        %dma_start3A_480 = arith.constant 0 : i32
        %dma_start3A_481 = arith.constant 0 : i32
        %dma_start3A_482 = tpu.memref_slice %arg11[%dma_start3A_480, %dma_start3A_481] : memref<6144x128xf32, #tpu.memory_space<vmem_shared>> -> memref<6144x128xf32, #tpu.memory_space<vmem_shared>>
        tpu.enqueue_indirect_dma source(%arg9 : memref<80x128xf32, #tpu.memory_space<vmem>>) target(%dma_start3A_482 : memref<6144x128xf32, #tpu.memory_space<vmem_shared>>) offsets(%arg7 : memref<80xi32, #tpu.memory_space<vmem>>) semaphore(%run_scoped3A : memref<!tpu.dma_semaphore, #tpu.memory_space<semaphore_mem>>) {add = true}
        %dma_wait3A_483 = arith.constant 0 : i32
        %dma_wait3A_484 = arith.constant 0 : i32
        %dma_wait3A_485 = tpu.memref_slice %arg11[%dma_wait3A_483, %dma_wait3A_484] : memref<6144x128xf32, #tpu.memory_space<vmem_shared>> -> memref<6144x128xf32, #tpu.memory_space<vmem_shared>>
        tpu.wait_indirect_dma semaphore(%run_scoped3A : memref<!tpu.dma_semaphore, #tpu.memory_space<semaphore_mem>>) src(%arg9 : memref<80x128xf32, #tpu.memory_space<vmem>>) dst(%dma_wait3A_485 : memref<6144x128xf32, #tpu.memory_space<vmem_shared>>)
        tpu.yield
      }) : () -> ()
    }
    %scan3A_17 = arith.constant 124 : i32
    %dma_wait3A = arith.constant 0 : i32
    %dma_wait3A_18 = tpu.memref_slice %arg2[%mul3A_0, %dma_wait3A] : memref<320000x128xf32, #tpu.memory_space<hbm>> -> memref<80x128xf32, #tpu.memory_space<hbm>>
    %dma_wait3A_19 = arith.constant 0 : i32
    %dma_wait3A_20 = tpu.memref_slice %arg2[%mul3A_0, %dma_wait3A_19] : memref<320000x128xf32, #tpu.memory_space<hbm>> -> memref<80x128xf32, #tpu.memory_space<hbm>>
    tpu.wait_dma2 semaphore(%arg12 : memref<!tpu.dma_semaphore, #tpu.memory_space<semaphore_mem>>) src(%dma_wait3A_20 : memref<80x128xf32, #tpu.memory_space<hbm>>) dst(%arg8 : memref<80x128xf32, #tpu.memory_space<vmem>>)
    %add3A_21 = arith.constant 19920 : i32
    %add3A_22 = arith.addi %mul3A_0, %add3A_21 : i32
    %dma_start3A_23 = arith.constant 0 : i32
    %dma_start3A_24 = tpu.memref_slice %arg2[%add3A_22, %dma_start3A_23] : memref<320000x128xf32, #tpu.memory_space<hbm>> -> memref<80x128xf32, #tpu.memory_space<hbm>>
    %dma_start3A_25 = arith.constant 0 : i32
    %dma_start3A_26 = tpu.memref_slice %arg2[%add3A_22, %dma_start3A_25] : memref<320000x128xf32, #tpu.memory_space<hbm>> -> memref<80x128xf32, #tpu.memory_space<hbm>>
    tpu.enqueue_dma source(%dma_start3A_26 : memref<80x128xf32, #tpu.memory_space<hbm>>) target(%arg9 : memref<80x128xf32, #tpu.memory_space<vmem>>) target_semaphore(%arg13 : memref<!tpu.dma_semaphore, #tpu.memory_space<semaphore_mem>>)
    %get3A = arith.constant 19840 : index
    %get3A_27 = tpu.vector_load %arg6[%get3A] {strides = array<i32>} : memref<20000xi32, #tpu.memory_space<vmem>>, vector<16xi32>,
    %get3A_28 = vector.shape_cast %get3A_27 : vector<16xi32> to vector<16xi32>
    %sub3A = vector.broadcast %mul3A_2 : i32 to vector<16xi32>
    %sub3A_29 = arith.subi %get3A_28, %sub3A : vector<16xi32>
    %lt3A = arith.constant 0 : i32
    %lt3A_30 = vector.broadcast %lt3A : i32 to vector<16xi32>
    %lt3A_31 = arith.cmpi slt, %sub3A_29, %lt3A_30 : vector<16xi32>
    %ge3A = arith.constant 5120 : i32
    %ge3A_32 = vector.broadcast %ge3A : i32 to vector<16xi32>
    %ge3A_33 = arith.cmpi sge, %sub3A_29, %ge3A_32 : vector<16xi32>
    %or3A = arith.ori %lt3A_31, %ge3A_33 : vector<16xi1>
    %jit3A = arith.constant 5120 : i32
    %broadcast_in_dim3A = vector.broadcast %jit3A : i32 to vector<16xi32>
    %select_n3A = arith.select %or3A, %broadcast_in_dim3A, %sub3A_29 : vector<16xi1>, vector<16xi32>
    %swap3A = arith.constant 0 : index
    %swap3A_34 = tpu.vector_load %arg7[%swap3A] {strides = array<i32>} : memref<80xi32, #tpu.memory_space<vmem>>, vector<16xi32>,
    %swap3A_35 = vector.shape_cast %swap3A_34 : vector<16xi32> to vector<16xi32>
    %swap3A_36 = vector.shape_cast %select_n3A : vector<16xi32> to vector<16xi32>
    tpu.vector_store %arg7[%swap3A], %swap3A_36 {strides = array<i32>} : memref<80xi32, #tpu.memory_space<vmem>>, vector<16xi32>,
    %get3A_37 = arith.constant 19856 : index
    %get3A_38 = tpu.vector_load %arg6[%get3A_37] {strides = array<i32>} : memref<20000xi32, #tpu.memory_space<vmem>>, vector<16xi32>,
    %get3A_39 = vector.shape_cast %get3A_38 : vector<16xi32> to vector<16xi32>
    %sub3A_40 = vector.broadcast %mul3A_2 : i32 to vector<16xi32>
    %sub3A_41 = arith.subi %get3A_39, %sub3A_40 : vector<16xi32>
    %lt3A_42 = arith.constant 0 : i32
    %lt3A_43 = vector.broadcast %lt3A_42 : i32 to vector<16xi32>
    %lt3A_44 = arith.cmpi slt, %sub3A_41, %lt3A_43 : vector<16xi32>
    %ge3A_45 = arith.constant 5120 : i32
    %ge3A_46 = vector.broadcast %ge3A_45 : i32 to vector<16xi32>
    %ge3A_47 = arith.cmpi sge, %sub3A_41, %ge3A_46 : vector<16xi32>
    %or3A_48 = arith.ori %lt3A_44, %ge3A_47 : vector<16xi1>
    %jit3A_49 = arith.constant 5120 : i32
    %broadcast_in_dim3A_50 = vector.broadcast %jit3A_49 : i32 to vector<16xi32>
    %select_n3A_51 = arith.select %or3A_48, %broadcast_in_dim3A_50, %sub3A_41 : vector<16xi1>, vector<16xi32>
    %swap3A_52 = arith.constant 16 : index
    %swap3A_53 = tpu.vector_load %arg7[%swap3A_52] {strides = array<i32>} : memref<80xi32, #tpu.memory_space<vmem>>, vector<16xi32>,
    %swap3A_54 = vector.shape_cast %swap3A_53 : vector<16xi32> to vector<16xi32>
    %swap3A_55 = vector.shape_cast %select_n3A_51 : vector<16xi32> to vector<16xi32>
    tpu.vector_store %arg7[%swap3A_52], %swap3A_55 {strides = array<i32>} : memref<80xi32, #tpu.memory_space<vmem>>, vector<16xi32>,
    %get3A_56 = arith.constant 19872 : index
    %get3A_57 = tpu.vector_load %arg6[%get3A_56] {strides = array<i32>} : memref<20000xi32, #tpu.memory_space<vmem>>, vector<16xi32>,
    %get3A_58 = vector.shape_cast %get3A_57 : vector<16xi32> to vector<16xi32>
    %sub3A_59 = vector.broadcast %mul3A_2 : i32 to vector<16xi32>
    %sub3A_60 = arith.subi %get3A_58, %sub3A_59 : vector<16xi32>
    %lt3A_61 = arith.constant 0 : i32
    %lt3A_62 = vector.broadcast %lt3A_61 : i32 to vector<16xi32>
    %lt3A_63 = arith.cmpi slt, %sub3A_60, %lt3A_62 : vector<16xi32>
    %ge3A_64 = arith.constant 5120 : i32
    %ge3A_65 = vector.broadcast %ge3A_64 : i32 to vector<16xi32>
    %ge3A_66 = arith.cmpi sge, %sub3A_60, %ge3A_65 : vector<16xi32>
    %or3A_67 = arith.ori %lt3A_63, %ge3A_66 : vector<16xi1>
    %jit3A_68 = arith.constant 5120 : i32
    %broadcast_in_dim3A_69 = vector.broadcast %jit3A_68 : i32 to vector<16xi32>
    %select_n3A_70 = arith.select %or3A_67, %broadcast_in_dim3A_69, %sub3A_60 : vector<16xi1>, vector<16xi32>
    %swap3A_71 = arith.constant 32 : index
    %swap3A_72 = tpu.vector_load %arg7[%swap3A_71] {strides = array<i32>} : memref<80xi32, #tpu.memory_space<vmem>>, vector<16xi32>,
    %swap3A_73 = vector.shape_cast %swap3A_72 : vector<16xi32> to vector<16xi32>
    %swap3A_74 = vector.shape_cast %select_n3A_70 : vector<16xi32> to vector<16xi32>
    tpu.vector_store %arg7[%swap3A_71], %swap3A_74 {strides = array<i32>} : memref<80xi32, #tpu.memory_space<vmem>>, vector<16xi32>,
    %get3A_75 = arith.constant 19888 : index
    %get3A_76 = tpu.vector_load %arg6[%get3A_75] {strides = array<i32>} : memref<20000xi32, #tpu.memory_space<vmem>>, vector<16xi32>,
    %get3A_77 = vector.shape_cast %get3A_76 : vector<16xi32> to vector<16xi32>
    %sub3A_78 = vector.broadcast %mul3A_2 : i32 to vector<16xi32>
    %sub3A_79 = arith.subi %get3A_77, %sub3A_78 : vector<16xi32>
    %lt3A_80 = arith.constant 0 : i32
    %lt3A_81 = vector.broadcast %lt3A_80 : i32 to vector<16xi32>
    %lt3A_82 = arith.cmpi slt, %sub3A_79, %lt3A_81 : vector<16xi32>
    %ge3A_83 = arith.constant 5120 : i32
    %ge3A_84 = vector.broadcast %ge3A_83 : i32 to vector<16xi32>
    %ge3A_85 = arith.cmpi sge, %sub3A_79, %ge3A_84 : vector<16xi32>
    %or3A_86 = arith.ori %lt3A_82, %ge3A_85 : vector<16xi1>
    %jit3A_87 = arith.constant 5120 : i32
    %broadcast_in_dim3A_88 = vector.broadcast %jit3A_87 : i32 to vector<16xi32>
    %select_n3A_89 = arith.select %or3A_86, %broadcast_in_dim3A_88, %sub3A_79 : vector<16xi1>, vector<16xi32>
    %swap3A_90 = arith.constant 48 : index
    %swap3A_91 = tpu.vector_load %arg7[%swap3A_90] {strides = array<i32>} : memref<80xi32, #tpu.memory_space<vmem>>, vector<16xi32>,
    %swap3A_92 = vector.shape_cast %swap3A_91 : vector<16xi32> to vector<16xi32>
    %swap3A_93 = vector.shape_cast %select_n3A_89 : vector<16xi32> to vector<16xi32>
    tpu.vector_store %arg7[%swap3A_90], %swap3A_93 {strides = array<i32>} : memref<80xi32, #tpu.memory_space<vmem>>, vector<16xi32>,
    %get3A_94 = arith.constant 19904 : index
    %get3A_95 = tpu.vector_load %arg6[%get3A_94] {strides = array<i32>} : memref<20000xi32, #tpu.memory_space<vmem>>, vector<16xi32>,
    %get3A_96 = vector.shape_cast %get3A_95 : vector<16xi32> to vector<16xi32>
    %sub3A_97 = vector.broadcast %mul3A_2 : i32 to vector<16xi32>
    %sub3A_98 = arith.subi %get3A_96, %sub3A_97 : vector<16xi32>
    %lt3A_99 = arith.constant 0 : i32
    %lt3A_100 = vector.broadcast %lt3A_99 : i32 to vector<16xi32>
    %lt3A_101 = arith.cmpi slt, %sub3A_98, %lt3A_100 : vector<16xi32>
    %ge3A_102 = arith.constant 5120 : i32
    %ge3A_103 = vector.broadcast %ge3A_102 : i32 to vector<16xi32>
    %ge3A_104 = arith.cmpi sge, %sub3A_98, %ge3A_103 : vector<16xi32>
    %or3A_105 = arith.ori %lt3A_101, %ge3A_104 : vector<16xi1>
    %jit3A_106 = arith.constant 5120 : i32
    %broadcast_in_dim3A_107 = vector.broadcast %jit3A_106 : i32 to vector<16xi32>
    %select_n3A_108 = arith.select %or3A_105, %broadcast_in_dim3A_107, %sub3A_98 : vector<16xi1>, vector<16xi32>
    %swap3A_109 = arith.constant 64 : index
    %swap3A_110 = tpu.vector_load %arg7[%swap3A_109] {strides = array<i32>} : memref<80xi32, #tpu.memory_space<vmem>>, vector<16xi32>,
    %swap3A_111 = vector.shape_cast %swap3A_110 : vector<16xi32> to vector<16xi32>
    %swap3A_112 = vector.shape_cast %select_n3A_108 : vector<16xi32> to vector<16xi32>
    tpu.vector_store %arg7[%swap3A_109], %swap3A_112 {strides = array<i32>} : memref<80xi32, #tpu.memory_space<vmem>>, vector<16xi32>,
    "tpu.region"() ({
      %run_scoped3A = tpu.sem_alloc : memref<!tpu.dma_semaphore, #tpu.memory_space<semaphore_mem>>
      %dma_start3A_219 = arith.constant 0 : i32
      %dma_start3A_220 = arith.constant 0 : i32
      %dma_start3A_221 = tpu.memref_slice %arg11[%dma_start3A_219, %dma_start3A_220] : memref<6144x128xf32, #tpu.memory_space<vmem_shared>> -> memref<6144x128xf32, #tpu.memory_space<vmem_shared>>
      tpu.enqueue_indirect_dma source(%arg8 : memref<80x128xf32, #tpu.memory_space<vmem>>) target(%dma_start3A_221 : memref<6144x128xf32, #tpu.memory_space<vmem_shared>>) offsets(%arg7 : memref<80xi32, #tpu.memory_space<vmem>>) semaphore(%run_scoped3A : memref<!tpu.dma_semaphore, #tpu.memory_space<semaphore_mem>>) {add = true}
      %dma_wait3A_222 = arith.constant 0 : i32
      %dma_wait3A_223 = arith.constant 0 : i32
      %dma_wait3A_224 = tpu.memref_slice %arg11[%dma_wait3A_222, %dma_wait3A_223] : memref<6144x128xf32, #tpu.memory_space<vmem_shared>> -> memref<6144x128xf32, #tpu.memory_space<vmem_shared>>
      tpu.wait_indirect_dma semaphore(%run_scoped3A : memref<!tpu.dma_semaphore, #tpu.memory_space<semaphore_mem>>) src(%arg8 : memref<80x128xf32, #tpu.memory_space<vmem>>) dst(%dma_wait3A_224 : memref<6144x128xf32, #tpu.memory_space<vmem_shared>>)
      tpu.yield
    }) : () -> ()
    %dma_wait3A_113 = arith.constant 0 : i32
    %dma_wait3A_114 = tpu.memref_slice %arg2[%mul3A_0, %dma_wait3A_113] : memref<320000x128xf32, #tpu.memory_space<hbm>> -> memref<80x128xf32, #tpu.memory_space<hbm>>
    %dma_wait3A_115 = arith.constant 0 : i32
    %dma_wait3A_116 = tpu.memref_slice %arg2[%mul3A_0, %dma_wait3A_115] : memref<320000x128xf32, #tpu.memory_space<hbm>> -> memref<80x128xf32, #tpu.memory_space<hbm>>
    tpu.wait_dma2 semaphore(%arg13 : memref<!tpu.dma_semaphore, #tpu.memory_space<semaphore_mem>>) src(%dma_wait3A_116 : memref<80x128xf32, #tpu.memory_space<hbm>>) dst(%arg9 : memref<80x128xf32, #tpu.memory_space<vmem>>)
    %get3A_117 = arith.constant 19920 : index
    %get3A_118 = tpu.vector_load %arg6[%get3A_117] {strides = array<i32>} : memref<20000xi32, #tpu.memory_space<vmem>>, vector<16xi32>,
    %get3A_119 = vector.shape_cast %get3A_118 : vector<16xi32> to vector<16xi32>
    %sub3A_120 = vector.broadcast %mul3A_2 : i32 to vector<16xi32>
    %sub3A_121 = arith.subi %get3A_119, %sub3A_120 : vector<16xi32>
    %lt3A_122 = arith.constant 0 : i32
    %lt3A_123 = vector.broadcast %lt3A_122 : i32 to vector<16xi32>
    %lt3A_124 = arith.cmpi slt, %sub3A_121, %lt3A_123 : vector<16xi32>
    %ge3A_125 = arith.constant 5120 : i32
    %ge3A_126 = vector.broadcast %ge3A_125 : i32 to vector<16xi32>
    %ge3A_127 = arith.cmpi sge, %sub3A_121, %ge3A_126 : vector<16xi32>
    %or3A_128 = arith.ori %lt3A_124, %ge3A_127 : vector<16xi1>
    %jit3A_129 = arith.constant 5120 : i32
    %broadcast_in_dim3A_130 = vector.broadcast %jit3A_129 : i32 to vector<16xi32>
    %select_n3A_131 = arith.select %or3A_128, %broadcast_in_dim3A_130, %sub3A_121 : vector<16xi1>, vector<16xi32>
    %swap3A_132 = arith.constant 0 : index
    %swap3A_133 = tpu.vector_load %arg7[%swap3A_132] {strides = array<i32>} : memref<80xi32, #tpu.memory_space<vmem>>, vector<16xi32>,
    %swap3A_134 = vector.shape_cast %swap3A_133 : vector<16xi32> to vector<16xi32>
    %swap3A_135 = vector.shape_cast %select_n3A_131 : vector<16xi32> to vector<16xi32>
    tpu.vector_store %arg7[%swap3A_132], %swap3A_135 {strides = array<i32>} : memref<80xi32, #tpu.memory_space<vmem>>, vector<16xi32>,
    %get3A_136 = arith.constant 19936 : index
    %get3A_137 = tpu.vector_load %arg6[%get3A_136] {strides = array<i32>} : memref<20000xi32, #tpu.memory_space<vmem>>, vector<16xi32>,
    %get3A_138 = vector.shape_cast %get3A_137 : vector<16xi32> to vector<16xi32>
    %sub3A_139 = vector.broadcast %mul3A_2 : i32 to vector<16xi32>
    %sub3A_140 = arith.subi %get3A_138, %sub3A_139 : vector<16xi32>
    %lt3A_141 = arith.constant 0 : i32
    %lt3A_142 = vector.broadcast %lt3A_141 : i32 to vector<16xi32>
    %lt3A_143 = arith.cmpi slt, %sub3A_140, %lt3A_142 : vector<16xi32>
    %ge3A_144 = arith.constant 5120 : i32
    %ge3A_145 = vector.broadcast %ge3A_144 : i32 to vector<16xi32>
    %ge3A_146 = arith.cmpi sge, %sub3A_140, %ge3A_145 : vector<16xi32>
    %or3A_147 = arith.ori %lt3A_143, %ge3A_146 : vector<16xi1>
    %jit3A_148 = arith.constant 5120 : i32
    %broadcast_in_dim3A_149 = vector.broadcast %jit3A_148 : i32 to vector<16xi32>
    %select_n3A_150 = arith.select %or3A_147, %broadcast_in_dim3A_149, %sub3A_140 : vector<16xi1>, vector<16xi32>
    %swap3A_151 = arith.constant 16 : index
    %swap3A_152 = tpu.vector_load %arg7[%swap3A_151] {strides = array<i32>} : memref<80xi32, #tpu.memory_space<vmem>>, vector<16xi32>,
    %swap3A_153 = vector.shape_cast %swap3A_152 : vector<16xi32> to vector<16xi32>
    %swap3A_154 = vector.shape_cast %select_n3A_150 : vector<16xi32> to vector<16xi32>
    tpu.vector_store %arg7[%swap3A_151], %swap3A_154 {strides = array<i32>} : memref<80xi32, #tpu.memory_space<vmem>>, vector<16xi32>,
    %get3A_155 = arith.constant 19952 : index
    %get3A_156 = tpu.vector_load %arg6[%get3A_155] {strides = array<i32>} : memref<20000xi32, #tpu.memory_space<vmem>>, vector<16xi32>,
    %get3A_157 = vector.shape_cast %get3A_156 : vector<16xi32> to vector<16xi32>
    %sub3A_158 = vector.broadcast %mul3A_2 : i32 to vector<16xi32>
    %sub3A_159 = arith.subi %get3A_157, %sub3A_158 : vector<16xi32>
    %lt3A_160 = arith.constant 0 : i32
    %lt3A_161 = vector.broadcast %lt3A_160 : i32 to vector<16xi32>
    %lt3A_162 = arith.cmpi slt, %sub3A_159, %lt3A_161 : vector<16xi32>
    %ge3A_163 = arith.constant 5120 : i32
    %ge3A_164 = vector.broadcast %ge3A_163 : i32 to vector<16xi32>
    %ge3A_165 = arith.cmpi sge, %sub3A_159, %ge3A_164 : vector<16xi32>
    %or3A_166 = arith.ori %lt3A_162, %ge3A_165 : vector<16xi1>
    %jit3A_167 = arith.constant 5120 : i32
    %broadcast_in_dim3A_168 = vector.broadcast %jit3A_167 : i32 to vector<16xi32>
    %select_n3A_169 = arith.select %or3A_166, %broadcast_in_dim3A_168, %sub3A_159 : vector<16xi1>, vector<16xi32>
    %swap3A_170 = arith.constant 32 : index
    %swap3A_171 = tpu.vector_load %arg7[%swap3A_170] {strides = array<i32>} : memref<80xi32, #tpu.memory_space<vmem>>, vector<16xi32>,
    %swap3A_172 = vector.shape_cast %swap3A_171 : vector<16xi32> to vector<16xi32>
    %swap3A_173 = vector.shape_cast %select_n3A_169 : vector<16xi32> to vector<16xi32>
    tpu.vector_store %arg7[%swap3A_170], %swap3A_173 {strides = array<i32>} : memref<80xi32, #tpu.memory_space<vmem>>, vector<16xi32>,
    %get3A_174 = arith.constant 19968 : index
    %get3A_175 = tpu.vector_load %arg6[%get3A_174] {strides = array<i32>} : memref<20000xi32, #tpu.memory_space<vmem>>, vector<16xi32>,
    %get3A_176 = vector.shape_cast %get3A_175 : vector<16xi32> to vector<16xi32>
    %sub3A_177 = vector.broadcast %mul3A_2 : i32 to vector<16xi32>
    %sub3A_178 = arith.subi %get3A_176, %sub3A_177 : vector<16xi32>
    %lt3A_179 = arith.constant 0 : i32
    %lt3A_180 = vector.broadcast %lt3A_179 : i32 to vector<16xi32>
    %lt3A_181 = arith.cmpi slt, %sub3A_178, %lt3A_180 : vector<16xi32>
    %ge3A_182 = arith.constant 5120 : i32
    %ge3A_183 = vector.broadcast %ge3A_182 : i32 to vector<16xi32>
    %ge3A_184 = arith.cmpi sge, %sub3A_178, %ge3A_183 : vector<16xi32>
    %or3A_185 = arith.ori %lt3A_181, %ge3A_184 : vector<16xi1>
    %jit3A_186 = arith.constant 5120 : i32
    %broadcast_in_dim3A_187 = vector.broadcast %jit3A_186 : i32 to vector<16xi32>
    %select_n3A_188 = arith.select %or3A_185, %broadcast_in_dim3A_187, %sub3A_178 : vector<16xi1>, vector<16xi32>
    %swap3A_189 = arith.constant 48 : index
    %swap3A_190 = tpu.vector_load %arg7[%swap3A_189] {strides = array<i32>} : memref<80xi32, #tpu.memory_space<vmem>>, vector<16xi32>,
    %swap3A_191 = vector.shape_cast %swap3A_190 : vector<16xi32> to vector<16xi32>
    %swap3A_192 = vector.shape_cast %select_n3A_188 : vector<16xi32> to vector<16xi32>
    tpu.vector_store %arg7[%swap3A_189], %swap3A_192 {strides = array<i32>} : memref<80xi32, #tpu.memory_space<vmem>>, vector<16xi32>,
    %get3A_193 = arith.constant 19984 : index
    %get3A_194 = tpu.vector_load %arg6[%get3A_193] {strides = array<i32>} : memref<20000xi32, #tpu.memory_space<vmem>>, vector<16xi32>,
    %get3A_195 = vector.shape_cast %get3A_194 : vector<16xi32> to vector<16xi32>
    %sub3A_196 = vector.broadcast %mul3A_2 : i32 to vector<16xi32>
    %sub3A_197 = arith.subi %get3A_195, %sub3A_196 : vector<16xi32>
    %lt3A_198 = arith.constant 0 : i32
    %lt3A_199 = vector.broadcast %lt3A_198 : i32 to vector<16xi32>
    %lt3A_200 = arith.cmpi slt, %sub3A_197, %lt3A_199 : vector<16xi32>
    %ge3A_201 = arith.constant 5120 : i32
    %ge3A_202 = vector.broadcast %ge3A_201 : i32 to vector<16xi32>
    %ge3A_203 = arith.cmpi sge, %sub3A_197, %ge3A_202 : vector<16xi32>
    %or3A_204 = arith.ori %lt3A_200, %ge3A_203 : vector<16xi1>
    %jit3A_205 = arith.constant 5120 : i32
    %broadcast_in_dim3A_206 = vector.broadcast %jit3A_205 : i32 to vector<16xi32>
    %select_n3A_207 = arith.select %or3A_204, %broadcast_in_dim3A_206, %sub3A_197 : vector<16xi1>, vector<16xi32>
    %swap3A_208 = arith.constant 64 : index
    %swap3A_209 = tpu.vector_load %arg7[%swap3A_208] {strides = array<i32>} : memref<80xi32, #tpu.memory_space<vmem>>, vector<16xi32>,
    %swap3A_210 = vector.shape_cast %swap3A_209 : vector<16xi32> to vector<16xi32>
    %swap3A_211 = vector.shape_cast %select_n3A_207 : vector<16xi32> to vector<16xi32>
    tpu.vector_store %arg7[%swap3A_208], %swap3A_211 {strides = array<i32>} : memref<80xi32, #tpu.memory_space<vmem>>, vector<16xi32>,
    "tpu.region"() ({
      %run_scoped3A = tpu.sem_alloc : memref<!tpu.dma_semaphore, #tpu.memory_space<semaphore_mem>>
      %dma_start3A_219 = arith.constant 0 : i32
      %dma_start3A_220 = arith.constant 0 : i32
      %dma_start3A_221 = tpu.memref_slice %arg11[%dma_start3A_219, %dma_start3A_220] : memref<6144x128xf32, #tpu.memory_space<vmem_shared>> -> memref<6144x128xf32, #tpu.memory_space<vmem_shared>>
      tpu.enqueue_indirect_dma source(%arg9 : memref<80x128xf32, #tpu.memory_space<vmem>>) target(%dma_start3A_221 : memref<6144x128xf32, #tpu.memory_space<vmem_shared>>) offsets(%arg7 : memref<80xi32, #tpu.memory_space<vmem>>) semaphore(%run_scoped3A : memref<!tpu.dma_semaphore, #tpu.memory_space<semaphore_mem>>) {add = true}
      %dma_wait3A_222 = arith.constant 0 : i32
      %dma_wait3A_223 = arith.constant 0 : i32
      %dma_wait3A_224 = tpu.memref_slice %arg11[%dma_wait3A_222, %dma_wait3A_223] : memref<6144x128xf32, #tpu.memory_space<vmem_shared>> -> memref<6144x128xf32, #tpu.memory_space<vmem_shared>>
      tpu.wait_indirect_dma semaphore(%run_scoped3A : memref<!tpu.dma_semaphore, #tpu.memory_space<semaphore_mem>>) src(%arg9 : memref<80x128xf32, #tpu.memory_space<vmem>>) dst(%dma_wait3A_224 : memref<6144x128xf32, #tpu.memory_space<vmem_shared>>)
      tpu.yield
    }) : () -> ()
    %barrier3A_212 = arith.constant 0 : index
    tpu.barrier barrier_id(%barrier3A_212)
    %scan3A_213 = arith.constant 0 : i32
    %scan3A_214 = arith.constant 0 : i32
    %scan3A_215 = arith.constant 4 : i32
    %scan3A_216 = arith.addi %scan3A_214, %scan3A_215 : i32
    %scan3A_217 = arith.constant 1 : i32
    scf.for %scan3A_219 = %scan3A_214 to %scan3A_216 step %scan3A_217  : i32 {
      %mul3A_220 = arith.constant 320 : i32
      %mul3A_221 = arith.muli %arg1, %mul3A_220 : i32
      %mul3A_222 = arith.constant 80 : i32
      %mul3A_223 = arith.muli %scan3A_219, %mul3A_222 : i32
      %add3A_224 = arith.addi %mul3A_221, %mul3A_223 : i32
      "tpu.region"() ({
        %run_scoped3A = tpu.sem_alloc : memref<!tpu.dma_semaphore, #tpu.memory_space<semaphore_mem>>
        %dma_start3A_228 = arith.constant 0 : i32
        %dma_start3A_229 = tpu.memref_slice %arg11[%add3A_224, %dma_start3A_228] : memref<6144x128xf32, #tpu.memory_space<vmem_shared>> -> memref<80x128xf32, #tpu.memory_space<vmem_shared>>
        %dma_start3A_230 = arith.constant 0 : i32
        %dma_start3A_231 = tpu.memref_slice %arg11[%add3A_224, %dma_start3A_230] : memref<6144x128xf32, #tpu.memory_space<vmem_shared>> -> memref<80x128xf32, #tpu.memory_space<vmem_shared>>
        tpu.enqueue_dma source(%dma_start3A_231 : memref<80x128xf32, #tpu.memory_space<vmem_shared>>) target(%arg8 : memref<80x128xf32, #tpu.memory_space<vmem>>) target_semaphore(%run_scoped3A : memref<!tpu.dma_semaphore, #tpu.memory_space<semaphore_mem>>)
        %dma_wait3A_232 = arith.constant 0 : i32
        %dma_wait3A_233 = tpu.memref_slice %arg11[%add3A_224, %dma_wait3A_232] : memref<6144x128xf32, #tpu.memory_space<vmem_shared>> -> memref<80x128xf32, #tpu.memory_space<vmem_shared>>
        %dma_wait3A_234 = arith.constant 0 : i32
        %dma_wait3A_235 = tpu.memref_slice %arg11[%add3A_224, %dma_wait3A_234] : memref<6144x128xf32, #tpu.memory_space<vmem_shared>> -> memref<80x128xf32, #tpu.memory_space<vmem_shared>>
        tpu.wait_dma2 semaphore(%run_scoped3A : memref<!tpu.dma_semaphore, #tpu.memory_space<semaphore_mem>>) src(%dma_wait3A_235 : memref<80x128xf32, #tpu.memory_space<vmem_shared>>) dst(%arg8 : memref<80x128xf32, #tpu.memory_space<vmem>>)
        tpu.yield
      }) : () -> ()
      %mul3A_225 = arith.constant 5120 : i32
      %mul3A_226 = arith.muli %arg0, %mul3A_225 : i32
      %add3A_227 = arith.addi %mul3A_226, %add3A_224 : i32
      "tpu.region"() ({
        %run_scoped3A = tpu.sem_alloc : memref<!tpu.dma_semaphore, #tpu.memory_space<semaphore_mem>>
        %dma_start3A_228 = arith.constant 0 : i32
        %dma_start3A_229 = tpu.memref_slice %arg5[%add3A_227, %dma_start3A_228] : memref<10240x128xf32, #tpu.memory_space<hbm>> -> memref<80x128xf32, #tpu.memory_space<hbm>>
        %dma_start3A_230 = arith.constant 0 : i32
        %dma_start3A_231 = tpu.memref_slice %arg5[%add3A_227, %dma_start3A_230] : memref<10240x128xf32, #tpu.memory_space<hbm>> -> memref<80x128xf32, #tpu.memory_space<hbm>>
        tpu.enqueue_dma source(%arg8 : memref<80x128xf32, #tpu.memory_space<vmem>>) target(%dma_start3A_231 : memref<80x128xf32, #tpu.memory_space<hbm>>) target_semaphore(%run_scoped3A : memref<!tpu.dma_semaphore, #tpu.memory_space<semaphore_mem>>)
        %dma_wait3A_232 = arith.constant 0 : i32
        %dma_wait3A_233 = tpu.memref_slice %arg5[%add3A_227, %dma_wait3A_232] : memref<10240x128xf32, #tpu.memory_space<hbm>> -> memref<80x128xf32, #tpu.memory_space<hbm>>
        %dma_wait3A_234 = arith.constant 0 : i32
        %dma_wait3A_235 = tpu.memref_slice %arg5[%add3A_227, %dma_wait3A_234] : memref<10240x128xf32, #tpu.memory_space<hbm>> -> memref<80x128xf32, #tpu.memory_space<hbm>>
        tpu.wait_dma2 semaphore(%run_scoped3A : memref<!tpu.dma_semaphore, #tpu.memory_space<semaphore_mem>>) src(%arg8 : memref<80x128xf32, #tpu.memory_space<vmem>>) dst(%dma_wait3A_235 : memref<80x128xf32, #tpu.memory_space<hbm>>)
        tpu.yield
      }) : () -> ()
    }
    %scan3A_218 = arith.constant 4 : i32
    return
  }
}

#map = affine_map<(d0, d1) -> (0, 0)>
#map1 = affine_map<(d0, d1) -> (0)>
module attributes {stable_mosaic.version = 14 : i64} {
  func.func @gk(%arg0: i32, %arg1: i32, %arg2: memref<10000x128xf32, #tpu.memory_space<hbm>>, %arg3: memref<10000x128xi32, #tpu.memory_space<hbm>>, %arg4: memref<320000xi32, #tpu.memory_space<hbm>>, %arg5: memref<320000xi32, #tpu.memory_space<hbm>>, %arg6: memref<320000x128xf32, #tpu.memory_space<hbm>>, %arg7: memref<320000x128xi32, #tpu.memory_space<hbm>>, %arg8: memref<10000xi32, #tpu.memory_space<vmem>>, %arg9: memref<10000xi32, #tpu.memory_space<vmem>>, %arg10: memref<80x128xf32, #tpu.memory_space<vmem>>, %arg11: memref<80x128xf32, #tpu.memory_space<vmem>>, %arg12: memref<80x128xi32, #tpu.memory_space<vmem>>, %arg13: memref<80x128xi32, #tpu.memory_space<vmem>>, %arg14: memref<!tpu.dma_semaphore, #tpu.memory_space<semaphore_mem>>, %arg15: memref<!tpu.dma_semaphore, #tpu.memory_space<semaphore_mem>>, %arg16: memref<!tpu.dma_semaphore, #tpu.memory_space<semaphore_mem>>, %arg17: memref<!tpu.dma_semaphore, #tpu.memory_space<semaphore_mem>>, %arg18: memref<!tpu.dma_semaphore, #tpu.memory_space<semaphore_mem>>, %arg19: memref<!tpu.dma_semaphore, #tpu.memory_space<semaphore_mem>>, %arg20: memref<!tpu.dma_semaphore, #tpu.memory_space<semaphore_mem>>, %arg21: memref<!tpu.dma_semaphore, #tpu.memory_space<semaphore_mem>>) attributes {dimension_semantics = [#tpu.dimension_semantics<core_parallel>, #tpu.dimension_semantics<subcore_parallel>], iteration_bounds = array<i64: 2, 16>, scalar_prefetch = 0 : i64, scratch_operands = 14 : i64, tpu.core_type = #tpu.core_type<sc_vector_subcore>, window_params = [{transform_indices = #map}, {transform_indices = #map}, {transform_indices = #map1}, {transform_indices = #map1}, {transform_indices = #map}, {transform_indices = #map}]} {
    %mul3A = arith.constant 2 : i32
    %mul3A_0 = arith.muli %arg1, %mul3A : i32
    %add3A = arith.addi %mul3A_0, %arg0 : i32
    %mul3A_1 = arith.constant 10000 : i32
    %mul3A_2 = arith.muli %add3A, %mul3A_1 : i32
    "tpu.region"() ({
      %run_scoped3A = tpu.sem_alloc : memref<!tpu.dma_semaphore, #tpu.memory_space<semaphore_mem>>
      %dma_start3A_126 = tpu.memref_slice %arg4[%mul3A_2] : memref<320000xi32, #tpu.memory_space<hbm>> -> memref<10000xi32, #tpu.memory_space<hbm>>
      %dma_start3A_127 = tpu.memref_slice %arg4[%mul3A_2] : memref<320000xi32, #tpu.memory_space<hbm>> -> memref<10000xi32, #tpu.memory_space<hbm>>
      tpu.enqueue_dma source(%dma_start3A_127 : memref<10000xi32, #tpu.memory_space<hbm>>) target(%arg8 : memref<10000xi32, #tpu.memory_space<vmem>>) target_semaphore(%run_scoped3A : memref<!tpu.dma_semaphore, #tpu.memory_space<semaphore_mem>>)
      %dma_wait3A_128 = tpu.memref_slice %arg4[%mul3A_2] : memref<320000xi32, #tpu.memory_space<hbm>> -> memref<10000xi32, #tpu.memory_space<hbm>>
      %dma_wait3A_129 = tpu.memref_slice %arg4[%mul3A_2] : memref<320000xi32, #tpu.memory_space<hbm>> -> memref<10000xi32, #tpu.memory_space<hbm>>
      tpu.wait_dma2 semaphore(%run_scoped3A : memref<!tpu.dma_semaphore, #tpu.memory_space<semaphore_mem>>) src(%dma_wait3A_129 : memref<10000xi32, #tpu.memory_space<hbm>>) dst(%arg8 : memref<10000xi32, #tpu.memory_space<vmem>>)
      tpu.yield
    }) : () -> ()
    "tpu.region"() ({
      %run_scoped3A = tpu.sem_alloc : memref<!tpu.dma_semaphore, #tpu.memory_space<semaphore_mem>>
      %dma_start3A_126 = tpu.memref_slice %arg5[%mul3A_2] : memref<320000xi32, #tpu.memory_space<hbm>> -> memref<10000xi32, #tpu.memory_space<hbm>>
      %dma_start3A_127 = tpu.memref_slice %arg5[%mul3A_2] : memref<320000xi32, #tpu.memory_space<hbm>> -> memref<10000xi32, #tpu.memory_space<hbm>>
      tpu.enqueue_dma source(%dma_start3A_127 : memref<10000xi32, #tpu.memory_space<hbm>>) target(%arg9 : memref<10000xi32, #tpu.memory_space<vmem>>) target_semaphore(%run_scoped3A : memref<!tpu.dma_semaphore, #tpu.memory_space<semaphore_mem>>)
      %dma_wait3A_128 = tpu.memref_slice %arg5[%mul3A_2] : memref<320000xi32, #tpu.memory_space<hbm>> -> memref<10000xi32, #tpu.memory_space<hbm>>
      %dma_wait3A_129 = tpu.memref_slice %arg5[%mul3A_2] : memref<320000xi32, #tpu.memory_space<hbm>> -> memref<10000xi32, #tpu.memory_space<hbm>>
      tpu.wait_dma2 semaphore(%run_scoped3A : memref<!tpu.dma_semaphore, #tpu.memory_space<semaphore_mem>>) src(%dma_wait3A_129 : memref<10000xi32, #tpu.memory_space<hbm>>) dst(%arg9 : memref<10000xi32, #tpu.memory_space<vmem>>)
      tpu.yield
    }) : () -> ()
    %dma_start3A = arith.constant 0 : i32
    %dma_start3A_3 = tpu.memref_slice %arg8[%dma_start3A] : memref<10000xi32, #tpu.memory_space<vmem>> -> memref<80xi32, #tpu.memory_space<vmem>>
    %dma_start3A_4 = arith.constant 0 : i32
    %dma_start3A_5 = arith.constant 0 : i32
    %dma_start3A_6 = tpu.memref_slice %arg2[%dma_start3A_4, %dma_start3A_5] : memref<10000x128xf32, #tpu.memory_space<hbm>> -> memref<10000x128xf32, #tpu.memory_space<hbm>>
    tpu.enqueue_indirect_dma source(%dma_start3A_6 : memref<10000x128xf32, #tpu.memory_space<hbm>>) target(%arg10 : memref<80x128xf32, #tpu.memory_space<vmem>>) offsets(%dma_start3A_3 : memref<80xi32, #tpu.memory_space<vmem>>) semaphore(%arg14 : memref<!tpu.dma_semaphore, #tpu.memory_space<semaphore_mem>>)
    %dma_start3A_7 = arith.constant 0 : i32
    %dma_start3A_8 = tpu.memref_slice %arg9[%dma_start3A_7] : memref<10000xi32, #tpu.memory_space<vmem>> -> memref<80xi32, #tpu.memory_space<vmem>>
    %dma_start3A_9 = arith.constant 0 : i32
    %dma_start3A_10 = arith.constant 0 : i32
    %dma_start3A_11 = tpu.memref_slice %arg3[%dma_start3A_9, %dma_start3A_10] : memref<10000x128xi32, #tpu.memory_space<hbm>> -> memref<10000x128xi32, #tpu.memory_space<hbm>>
    tpu.enqueue_indirect_dma source(%dma_start3A_11 : memref<10000x128xi32, #tpu.memory_space<hbm>>) target(%arg12 : memref<80x128xi32, #tpu.memory_space<vmem>>) offsets(%dma_start3A_8 : memref<80xi32, #tpu.memory_space<vmem>>) semaphore(%arg16 : memref<!tpu.dma_semaphore, #tpu.memory_space<semaphore_mem>>)
    %dma_start3A_12 = arith.constant 80 : i32
    %dma_start3A_13 = tpu.memref_slice %arg8[%dma_start3A_12] : memref<10000xi32, #tpu.memory_space<vmem>> -> memref<80xi32, #tpu.memory_space<vmem>>
    %dma_start3A_14 = arith.constant 0 : i32
    %dma_start3A_15 = arith.constant 0 : i32
    %dma_start3A_16 = tpu.memref_slice %arg2[%dma_start3A_14, %dma_start3A_15] : memref<10000x128xf32, #tpu.memory_space<hbm>> -> memref<10000x128xf32, #tpu.memory_space<hbm>>
    tpu.enqueue_indirect_dma source(%dma_start3A_16 : memref<10000x128xf32, #tpu.memory_space<hbm>>) target(%arg11 : memref<80x128xf32, #tpu.memory_space<vmem>>) offsets(%dma_start3A_13 : memref<80xi32, #tpu.memory_space<vmem>>) semaphore(%arg15 : memref<!tpu.dma_semaphore, #tpu.memory_space<semaphore_mem>>)
    %dma_start3A_17 = arith.constant 80 : i32
    %dma_start3A_18 = tpu.memref_slice %arg9[%dma_start3A_17] : memref<10000xi32, #tpu.memory_space<vmem>> -> memref<80xi32, #tpu.memory_space<vmem>>
    %dma_start3A_19 = arith.constant 0 : i32
    %dma_start3A_20 = arith.constant 0 : i32
    %dma_start3A_21 = tpu.memref_slice %arg3[%dma_start3A_19, %dma_start3A_20] : memref<10000x128xi32, #tpu.memory_space<hbm>> -> memref<10000x128xi32, #tpu.memory_space<hbm>>
    tpu.enqueue_indirect_dma source(%dma_start3A_21 : memref<10000x128xi32, #tpu.memory_space<hbm>>) target(%arg13 : memref<80x128xi32, #tpu.memory_space<vmem>>) offsets(%dma_start3A_18 : memref<80xi32, #tpu.memory_space<vmem>>) semaphore(%arg17 : memref<!tpu.dma_semaphore, #tpu.memory_space<semaphore_mem>>)
    %scan3A = arith.constant 0 : i32
    %scan3A_22 = arith.constant 0 : i32
    %scan3A_23 = arith.constant 61 : i32
    %scan3A_24 = arith.addi %scan3A_22, %scan3A_23 : i32
    %scan3A_25 = arith.constant 1 : i32
    scf.for %scan3A_126 = %scan3A_22 to %scan3A_24 step %scan3A_25  : i32 {
      %mul3A_127 = arith.constant 2 : i32
      %mul3A_128 = arith.muli %scan3A_126, %mul3A_127 : i32
      %dma_wait3A_129 = arith.constant 0 : i32
      %dma_wait3A_130 = tpu.memref_slice %arg8[%dma_wait3A_129] : memref<10000xi32, #tpu.memory_space<vmem>> -> memref<80xi32, #tpu.memory_space<vmem>>
      %dma_wait3A_131 = arith.constant 0 : i32
      %dma_wait3A_132 = arith.constant 0 : i32
      %dma_wait3A_133 = tpu.memref_slice %arg2[%dma_wait3A_131, %dma_wait3A_132] : memref<10000x128xf32, #tpu.memory_space<hbm>> -> memref<10000x128xf32, #tpu.memory_space<hbm>>
      tpu.wait_indirect_dma semaphore(%arg14 : memref<!tpu.dma_semaphore, #tpu.memory_space<semaphore_mem>>) src(%dma_wait3A_133 : memref<10000x128xf32, #tpu.memory_space<hbm>>) dst(%arg10 : memref<80x128xf32, #tpu.memory_space<vmem>>)
      %dma_wait3A_134 = arith.constant 0 : i32
      %dma_wait3A_135 = tpu.memref_slice %arg9[%dma_wait3A_134] : memref<10000xi32, #tpu.memory_space<vmem>> -> memref<80xi32, #tpu.memory_space<vmem>>
      %dma_wait3A_136 = arith.constant 0 : i32
      %dma_wait3A_137 = arith.constant 0 : i32
      %dma_wait3A_138 = tpu.memref_slice %arg3[%dma_wait3A_136, %dma_wait3A_137] : memref<10000x128xi32, #tpu.memory_space<hbm>> -> memref<10000x128xi32, #tpu.memory_space<hbm>>
      tpu.wait_indirect_dma semaphore(%arg16 : memref<!tpu.dma_semaphore, #tpu.memory_space<semaphore_mem>>) src(%dma_wait3A_138 : memref<10000x128xi32, #tpu.memory_space<hbm>>) dst(%arg12 : memref<80x128xi32, #tpu.memory_space<vmem>>)
      %mul3A_139 = arith.constant 80 : i32
      %mul3A_140 = arith.muli %mul3A_128, %mul3A_139 : i32
      %add3A_141 = arith.addi %mul3A_2, %mul3A_140 : i32
      %dma_start3A_142 = arith.constant 0 : i32
      %dma_start3A_143 = tpu.memref_slice %arg6[%add3A_141, %dma_start3A_142] : memref<320000x128xf32, #tpu.memory_space<hbm>> -> memref<80x128xf32, #tpu.memory_space<hbm>>
      %dma_start3A_144 = arith.constant 0 : i32
      %dma_start3A_145 = tpu.memref_slice %arg6[%add3A_141, %dma_start3A_144] : memref<320000x128xf32, #tpu.memory_space<hbm>> -> memref<80x128xf32, #tpu.memory_space<hbm>>
      tpu.enqueue_dma source(%arg10 : memref<80x128xf32, #tpu.memory_space<vmem>>) target(%dma_start3A_145 : memref<80x128xf32, #tpu.memory_space<hbm>>) target_semaphore(%arg18 : memref<!tpu.dma_semaphore, #tpu.memory_space<semaphore_mem>>)
      %mul3A_146 = arith.constant 80 : i32
      %mul3A_147 = arith.muli %mul3A_128, %mul3A_146 : i32
      %add3A_148 = arith.addi %mul3A_2, %mul3A_147 : i32
      %dma_start3A_149 = arith.constant 0 : i32
      %dma_start3A_150 = tpu.memref_slice %arg7[%add3A_148, %dma_start3A_149] : memref<320000x128xi32, #tpu.memory_space<hbm>> -> memref<80x128xi32, #tpu.memory_space<hbm>>
      %dma_start3A_151 = arith.constant 0 : i32
      %dma_start3A_152 = tpu.memref_slice %arg7[%add3A_148, %dma_start3A_151] : memref<320000x128xi32, #tpu.memory_space<hbm>> -> memref<80x128xi32, #tpu.memory_space<hbm>>
      tpu.enqueue_dma source(%arg12 : memref<80x128xi32, #tpu.memory_space<vmem>>) target(%dma_start3A_152 : memref<80x128xi32, #tpu.memory_space<hbm>>) target_semaphore(%arg20 : memref<!tpu.dma_semaphore, #tpu.memory_space<semaphore_mem>>)
      %dma_wait3A_153 = arith.constant 0 : i32
      %dma_wait3A_154 = tpu.memref_slice %arg8[%dma_wait3A_153] : memref<10000xi32, #tpu.memory_space<vmem>> -> memref<80xi32, #tpu.memory_space<vmem>>
      %dma_wait3A_155 = arith.constant 0 : i32
      %dma_wait3A_156 = arith.constant 0 : i32
      %dma_wait3A_157 = tpu.memref_slice %arg2[%dma_wait3A_155, %dma_wait3A_156] : memref<10000x128xf32, #tpu.memory_space<hbm>> -> memref<10000x128xf32, #tpu.memory_space<hbm>>
      tpu.wait_indirect_dma semaphore(%arg15 : memref<!tpu.dma_semaphore, #tpu.memory_space<semaphore_mem>>) src(%dma_wait3A_157 : memref<10000x128xf32, #tpu.memory_space<hbm>>) dst(%arg11 : memref<80x128xf32, #tpu.memory_space<vmem>>)
      %dma_wait3A_158 = arith.constant 0 : i32
      %dma_wait3A_159 = tpu.memref_slice %arg9[%dma_wait3A_158] : memref<10000xi32, #tpu.memory_space<vmem>> -> memref<80xi32, #tpu.memory_space<vmem>>
      %dma_wait3A_160 = arith.constant 0 : i32
      %dma_wait3A_161 = arith.constant 0 : i32
      %dma_wait3A_162 = tpu.memref_slice %arg3[%dma_wait3A_160, %dma_wait3A_161] : memref<10000x128xi32, #tpu.memory_space<hbm>> -> memref<10000x128xi32, #tpu.memory_space<hbm>>
      tpu.wait_indirect_dma semaphore(%arg17 : memref<!tpu.dma_semaphore, #tpu.memory_space<semaphore_mem>>) src(%dma_wait3A_162 : memref<10000x128xi32, #tpu.memory_space<hbm>>) dst(%arg13 : memref<80x128xi32, #tpu.memory_space<vmem>>)
      %add3A_163 = arith.constant 1 : i32
      %add3A_164 = arith.addi %mul3A_128, %add3A_163 : i32
      %mul3A_165 = arith.constant 80 : i32
      %mul3A_166 = arith.muli %add3A_164, %mul3A_165 : i32
      %add3A_167 = arith.addi %mul3A_2, %mul3A_166 : i32
      %dma_start3A_168 = arith.constant 0 : i32
      %dma_start3A_169 = tpu.memref_slice %arg6[%add3A_167, %dma_start3A_168] : memref<320000x128xf32, #tpu.memory_space<hbm>> -> memref<80x128xf32, #tpu.memory_space<hbm>>
      %dma_start3A_170 = arith.constant 0 : i32
      %dma_start3A_171 = tpu.memref_slice %arg6[%add3A_167, %dma_start3A_170] : memref<320000x128xf32, #tpu.memory_space<hbm>> -> memref<80x128xf32, #tpu.memory_space<hbm>>
      tpu.enqueue_dma source(%arg11 : memref<80x128xf32, #tpu.memory_space<vmem>>) target(%dma_start3A_171 : memref<80x128xf32, #tpu.memory_space<hbm>>) target_semaphore(%arg19 : memref<!tpu.dma_semaphore, #tpu.memory_space<semaphore_mem>>)
      %mul3A_172 = arith.constant 80 : i32
      %mul3A_173 = arith.muli %add3A_164, %mul3A_172 : i32
      %add3A_174 = arith.addi %mul3A_2, %mul3A_173 : i32
      %dma_start3A_175 = arith.constant 0 : i32
      %dma_start3A_176 = tpu.memref_slice %arg7[%add3A_174, %dma_start3A_175] : memref<320000x128xi32, #tpu.memory_space<hbm>> -> memref<80x128xi32, #tpu.memory_space<hbm>>
      %dma_start3A_177 = arith.constant 0 : i32
      %dma_start3A_178 = tpu.memref_slice %arg7[%add3A_174, %dma_start3A_177] : memref<320000x128xi32, #tpu.memory_space<hbm>> -> memref<80x128xi32, #tpu.memory_space<hbm>>
      tpu.enqueue_dma source(%arg13 : memref<80x128xi32, #tpu.memory_space<vmem>>) target(%dma_start3A_178 : memref<80x128xi32, #tpu.memory_space<hbm>>) target_semaphore(%arg21 : memref<!tpu.dma_semaphore, #tpu.memory_space<semaphore_mem>>)
      %dma_wait3A_179 = arith.constant 0 : i32
      %dma_wait3A_180 = tpu.memref_slice %arg6[%mul3A_2, %dma_wait3A_179] : memref<320000x128xf32, #tpu.memory_space<hbm>> -> memref<80x128xf32, #tpu.memory_space<hbm>>
      %dma_wait3A_181 = arith.constant 0 : i32
      %dma_wait3A_182 = tpu.memref_slice %arg6[%mul3A_2, %dma_wait3A_181] : memref<320000x128xf32, #tpu.memory_space<hbm>> -> memref<80x128xf32, #tpu.memory_space<hbm>>
      tpu.wait_dma2 semaphore(%arg18 : memref<!tpu.dma_semaphore, #tpu.memory_space<semaphore_mem>>) src(%arg10 : memref<80x128xf32, #tpu.memory_space<vmem>>) dst(%dma_wait3A_182 : memref<80x128xf32, #tpu.memory_space<hbm>>)
      %dma_wait3A_183 = arith.constant 0 : i32
      %dma_wait3A_184 = tpu.memref_slice %arg7[%mul3A_2, %dma_wait3A_183] : memref<320000x128xi32, #tpu.memory_space<hbm>> -> memref<80x128xi32, #tpu.memory_space<hbm>>
      %dma_wait3A_185 = arith.constant 0 : i32
      %dma_wait3A_186 = tpu.memref_slice %arg7[%mul3A_2, %dma_wait3A_185] : memref<320000x128xi32, #tpu.memory_space<hbm>> -> memref<80x128xi32, #tpu.memory_space<hbm>>
      tpu.wait_dma2 semaphore(%arg20 : memref<!tpu.dma_semaphore, #tpu.memory_space<semaphore_mem>>) src(%arg12 : memref<80x128xi32, #tpu.memory_space<vmem>>) dst(%dma_wait3A_186 : memref<80x128xi32, #tpu.memory_space<hbm>>)
      %add3A_187 = arith.constant 2 : i32
      %add3A_188 = arith.addi %mul3A_128, %add3A_187 : i32
      %mul3A_189 = arith.constant 80 : i32
      %mul3A_190 = arith.muli %add3A_188, %mul3A_189 : i32
      %dma_start3A_191 = tpu.memref_slice %arg8[%mul3A_190] : memref<10000xi32, #tpu.memory_space<vmem>> -> memref<80xi32, #tpu.memory_space<vmem>>
      %dma_start3A_192 = arith.constant 0 : i32
      %dma_start3A_193 = arith.constant 0 : i32
      %dma_start3A_194 = tpu.memref_slice %arg2[%dma_start3A_192, %dma_start3A_193] : memref<10000x128xf32, #tpu.memory_space<hbm>> -> memref<10000x128xf32, #tpu.memory_space<hbm>>
      tpu.enqueue_indirect_dma source(%dma_start3A_194 : memref<10000x128xf32, #tpu.memory_space<hbm>>) target(%arg10 : memref<80x128xf32, #tpu.memory_space<vmem>>) offsets(%dma_start3A_191 : memref<80xi32, #tpu.memory_space<vmem>>) semaphore(%arg14 : memref<!tpu.dma_semaphore, #tpu.memory_space<semaphore_mem>>)
      %mul3A_195 = arith.constant 80 : i32
      %mul3A_196 = arith.muli %add3A_188, %mul3A_195 : i32
      %dma_start3A_197 = tpu.memref_slice %arg9[%mul3A_196] : memref<10000xi32, #tpu.memory_space<vmem>> -> memref<80xi32, #tpu.memory_space<vmem>>
      %dma_start3A_198 = arith.constant 0 : i32
      %dma_start3A_199 = arith.constant 0 : i32
      %dma_start3A_200 = tpu.memref_slice %arg3[%dma_start3A_198, %dma_start3A_199] : memref<10000x128xi32, #tpu.memory_space<hbm>> -> memref<10000x128xi32, #tpu.memory_space<hbm>>
      tpu.enqueue_indirect_dma source(%dma_start3A_200 : memref<10000x128xi32, #tpu.memory_space<hbm>>) target(%arg12 : memref<80x128xi32, #tpu.memory_space<vmem>>) offsets(%dma_start3A_197 : memref<80xi32, #tpu.memory_space<vmem>>) semaphore(%arg16 : memref<!tpu.dma_semaphore, #tpu.memory_space<semaphore_mem>>)
      %dma_wait3A_201 = arith.constant 0 : i32
      %dma_wait3A_202 = tpu.memref_slice %arg6[%mul3A_2, %dma_wait3A_201] : memref<320000x128xf32, #tpu.memory_space<hbm>> -> memref<80x128xf32, #tpu.memory_space<hbm>>
      %dma_wait3A_203 = arith.constant 0 : i32
      %dma_wait3A_204 = tpu.memref_slice %arg6[%mul3A_2, %dma_wait3A_203] : memref<320000x128xf32, #tpu.memory_space<hbm>> -> memref<80x128xf32, #tpu.memory_space<hbm>>
      tpu.wait_dma2 semaphore(%arg19 : memref<!tpu.dma_semaphore, #tpu.memory_space<semaphore_mem>>) src(%arg11 : memref<80x128xf32, #tpu.memory_space<vmem>>) dst(%dma_wait3A_204 : memref<80x128xf32, #tpu.memory_space<hbm>>)
      %dma_wait3A_205 = arith.constant 0 : i32
      %dma_wait3A_206 = tpu.memref_slice %arg7[%mul3A_2, %dma_wait3A_205] : memref<320000x128xi32, #tpu.memory_space<hbm>> -> memref<80x128xi32, #tpu.memory_space<hbm>>
      %dma_wait3A_207 = arith.constant 0 : i32
      %dma_wait3A_208 = tpu.memref_slice %arg7[%mul3A_2, %dma_wait3A_207] : memref<320000x128xi32, #tpu.memory_space<hbm>> -> memref<80x128xi32, #tpu.memory_space<hbm>>
      tpu.wait_dma2 semaphore(%arg21 : memref<!tpu.dma_semaphore, #tpu.memory_space<semaphore_mem>>) src(%arg13 : memref<80x128xi32, #tpu.memory_space<vmem>>) dst(%dma_wait3A_208 : memref<80x128xi32, #tpu.memory_space<hbm>>)
      %add3A_209 = arith.constant 3 : i32
      %add3A_210 = arith.addi %mul3A_128, %add3A_209 : i32
      %mul3A_211 = arith.constant 80 : i32
      %mul3A_212 = arith.muli %add3A_210, %mul3A_211 : i32
      %dma_start3A_213 = tpu.memref_slice %arg8[%mul3A_212] : memref<10000xi32, #tpu.memory_space<vmem>> -> memref<80xi32, #tpu.memory_space<vmem>>
      %dma_start3A_214 = arith.constant 0 : i32
      %dma_start3A_215 = arith.constant 0 : i32
      %dma_start3A_216 = tpu.memref_slice %arg2[%dma_start3A_214, %dma_start3A_215] : memref<10000x128xf32, #tpu.memory_space<hbm>> -> memref<10000x128xf32, #tpu.memory_space<hbm>>
      tpu.enqueue_indirect_dma source(%dma_start3A_216 : memref<10000x128xf32, #tpu.memory_space<hbm>>) target(%arg11 : memref<80x128xf32, #tpu.memory_space<vmem>>) offsets(%dma_start3A_213 : memref<80xi32, #tpu.memory_space<vmem>>) semaphore(%arg15 : memref<!tpu.dma_semaphore, #tpu.memory_space<semaphore_mem>>)
      %mul3A_217 = arith.constant 80 : i32
      %mul3A_218 = arith.muli %add3A_210, %mul3A_217 : i32
      %dma_start3A_219 = tpu.memref_slice %arg9[%mul3A_218] : memref<10000xi32, #tpu.memory_space<vmem>> -> memref<80xi32, #tpu.memory_space<vmem>>
      %dma_start3A_220 = arith.constant 0 : i32
      %dma_start3A_221 = arith.constant 0 : i32
      %dma_start3A_222 = tpu.memref_slice %arg3[%dma_start3A_220, %dma_start3A_221] : memref<10000x128xi32, #tpu.memory_space<hbm>> -> memref<10000x128xi32, #tpu.memory_space<hbm>>
      tpu.enqueue_indirect_dma source(%dma_start3A_222 : memref<10000x128xi32, #tpu.memory_space<hbm>>) target(%arg13 : memref<80x128xi32, #tpu.memory_space<vmem>>) offsets(%dma_start3A_219 : memref<80xi32, #tpu.memory_space<vmem>>) semaphore(%arg17 : memref<!tpu.dma_semaphore, #tpu.memory_space<semaphore_mem>>)
    }
    %scan3A_26 = arith.constant 61 : i32
    %dma_wait3A = arith.constant 0 : i32
    %dma_wait3A_27 = tpu.memref_slice %arg8[%dma_wait3A] : memref<10000xi32, #tpu.memory_space<vmem>> -> memref<80xi32, #tpu.memory_space<vmem>>
    %dma_wait3A_28 = arith.constant 0 : i32
    %dma_wait3A_29 = arith.constant 0 : i32
    %dma_wait3A_30 = tpu.memref_slice %arg2[%dma_wait3A_28, %dma_wait3A_29] : memref<10000x128xf32, #tpu.memory_space<hbm>> -> memref<10000x128xf32, #tpu.memory_space<hbm>>
    tpu.wait_indirect_dma semaphore(%arg14 : memref<!tpu.dma_semaphore, #tpu.memory_space<semaphore_mem>>) src(%dma_wait3A_30 : memref<10000x128xf32, #tpu.memory_space<hbm>>) dst(%arg10 : memref<80x128xf32, #tpu.memory_space<vmem>>)
    %dma_wait3A_31 = arith.constant 0 : i32
    %dma_wait3A_32 = tpu.memref_slice %arg9[%dma_wait3A_31] : memref<10000xi32, #tpu.memory_space<vmem>> -> memref<80xi32, #tpu.memory_space<vmem>>
    %dma_wait3A_33 = arith.constant 0 : i32
    %dma_wait3A_34 = arith.constant 0 : i32
    %dma_wait3A_35 = tpu.memref_slice %arg3[%dma_wait3A_33, %dma_wait3A_34] : memref<10000x128xi32, #tpu.memory_space<hbm>> -> memref<10000x128xi32, #tpu.memory_space<hbm>>
    tpu.wait_indirect_dma semaphore(%arg16 : memref<!tpu.dma_semaphore, #tpu.memory_space<semaphore_mem>>) src(%dma_wait3A_35 : memref<10000x128xi32, #tpu.memory_space<hbm>>) dst(%arg12 : memref<80x128xi32, #tpu.memory_space<vmem>>)
    %add3A_36 = arith.constant 9760 : i32
    %add3A_37 = arith.addi %mul3A_2, %add3A_36 : i32
    %dma_start3A_38 = arith.constant 0 : i32
    %dma_start3A_39 = tpu.memref_slice %arg6[%add3A_37, %dma_start3A_38] : memref<320000x128xf32, #tpu.memory_space<hbm>> -> memref<80x128xf32, #tpu.memory_space<hbm>>
    %dma_start3A_40 = arith.constant 0 : i32
    %dma_start3A_41 = tpu.memref_slice %arg6[%add3A_37, %dma_start3A_40] : memref<320000x128xf32, #tpu.memory_space<hbm>> -> memref<80x128xf32, #tpu.memory_space<hbm>>
    tpu.enqueue_dma source(%arg10 : memref<80x128xf32, #tpu.memory_space<vmem>>) target(%dma_start3A_41 : memref<80x128xf32, #tpu.memory_space<hbm>>) target_semaphore(%arg18 : memref<!tpu.dma_semaphore, #tpu.memory_space<semaphore_mem>>)
    %add3A_42 = arith.constant 9760 : i32
    %add3A_43 = arith.addi %mul3A_2, %add3A_42 : i32
    %dma_start3A_44 = arith.constant 0 : i32
    %dma_start3A_45 = tpu.memref_slice %arg7[%add3A_43, %dma_start3A_44] : memref<320000x128xi32, #tpu.memory_space<hbm>> -> memref<80x128xi32, #tpu.memory_space<hbm>>
    %dma_start3A_46 = arith.constant 0 : i32
    %dma_start3A_47 = tpu.memref_slice %arg7[%add3A_43, %dma_start3A_46] : memref<320000x128xi32, #tpu.memory_space<hbm>> -> memref<80x128xi32, #tpu.memory_space<hbm>>
    tpu.enqueue_dma source(%arg12 : memref<80x128xi32, #tpu.memory_space<vmem>>) target(%dma_start3A_47 : memref<80x128xi32, #tpu.memory_space<hbm>>) target_semaphore(%arg20 : memref<!tpu.dma_semaphore, #tpu.memory_space<semaphore_mem>>)
    %dma_wait3A_48 = arith.constant 0 : i32
    %dma_wait3A_49 = tpu.memref_slice %arg8[%dma_wait3A_48] : memref<10000xi32, #tpu.memory_space<vmem>> -> memref<80xi32, #tpu.memory_space<vmem>>
    %dma_wait3A_50 = arith.constant 0 : i32
    %dma_wait3A_51 = arith.constant 0 : i32
    %dma_wait3A_52 = tpu.memref_slice %arg2[%dma_wait3A_50, %dma_wait3A_51] : memref<10000x128xf32, #tpu.memory_space<hbm>> -> memref<10000x128xf32, #tpu.memory_space<hbm>>
    tpu.wait_indirect_dma semaphore(%arg15 : memref<!tpu.dma_semaphore, #tpu.memory_space<semaphore_mem>>) src(%dma_wait3A_52 : memref<10000x128xf32, #tpu.memory_space<hbm>>) dst(%arg11 : memref<80x128xf32, #tpu.memory_space<vmem>>)
    %dma_wait3A_53 = arith.constant 0 : i32
    %dma_wait3A_54 = tpu.memref_slice %arg9[%dma_wait3A_53] : memref<10000xi32, #tpu.memory_space<vmem>> -> memref<80xi32, #tpu.memory_space<vmem>>
    %dma_wait3A_55 = arith.constant 0 : i32
    %dma_wait3A_56 = arith.constant 0 : i32
    %dma_wait3A_57 = tpu.memref_slice %arg3[%dma_wait3A_55, %dma_wait3A_56] : memref<10000x128xi32, #tpu.memory_space<hbm>> -> memref<10000x128xi32, #tpu.memory_space<hbm>>
    tpu.wait_indirect_dma semaphore(%arg17 : memref<!tpu.dma_semaphore, #tpu.memory_space<semaphore_mem>>) src(%dma_wait3A_57 : memref<10000x128xi32, #tpu.memory_space<hbm>>) dst(%arg13 : memref<80x128xi32, #tpu.memory_space<vmem>>)
    %add3A_58 = arith.constant 9840 : i32
    %add3A_59 = arith.addi %mul3A_2, %add3A_58 : i32
    %dma_start3A_60 = arith.constant 0 : i32
    %dma_start3A_61 = tpu.memref_slice %arg6[%add3A_59, %dma_start3A_60] : memref<320000x128xf32, #tpu.memory_space<hbm>> -> memref<80x128xf32, #tpu.memory_space<hbm>>
    %dma_start3A_62 = arith.constant 0 : i32
    %dma_start3A_63 = tpu.memref_slice %arg6[%add3A_59, %dma_start3A_62] : memref<320000x128xf32, #tpu.memory_space<hbm>> -> memref<80x128xf32, #tpu.memory_space<hbm>>
    tpu.enqueue_dma source(%arg11 : memref<80x128xf32, #tpu.memory_space<vmem>>) target(%dma_start3A_63 : memref<80x128xf32, #tpu.memory_space<hbm>>) target_semaphore(%arg19 : memref<!tpu.dma_semaphore, #tpu.memory_space<semaphore_mem>>)
    %add3A_64 = arith.constant 9840 : i32
    %add3A_65 = arith.addi %mul3A_2, %add3A_64 : i32
    %dma_start3A_66 = arith.constant 0 : i32
    %dma_start3A_67 = tpu.memref_slice %arg7[%add3A_65, %dma_start3A_66] : memref<320000x128xi32, #tpu.memory_space<hbm>> -> memref<80x128xi32, #tpu.memory_space<hbm>>
    %dma_start3A_68 = arith.constant 0 : i32
    %dma_start3A_69 = tpu.memref_slice %arg7[%add3A_65, %dma_start3A_68] : memref<320000x128xi32, #tpu.memory_space<hbm>> -> memref<80x128xi32, #tpu.memory_space<hbm>>
    tpu.enqueue_dma source(%arg13 : memref<80x128xi32, #tpu.memory_space<vmem>>) target(%dma_start3A_69 : memref<80x128xi32, #tpu.memory_space<hbm>>) target_semaphore(%arg21 : memref<!tpu.dma_semaphore, #tpu.memory_space<semaphore_mem>>)
    %dma_wait3A_70 = arith.constant 0 : i32
    %dma_wait3A_71 = tpu.memref_slice %arg6[%mul3A_2, %dma_wait3A_70] : memref<320000x128xf32, #tpu.memory_space<hbm>> -> memref<80x128xf32, #tpu.memory_space<hbm>>
    %dma_wait3A_72 = arith.constant 0 : i32
    %dma_wait3A_73 = tpu.memref_slice %arg6[%mul3A_2, %dma_wait3A_72] : memref<320000x128xf32, #tpu.memory_space<hbm>> -> memref<80x128xf32, #tpu.memory_space<hbm>>
    tpu.wait_dma2 semaphore(%arg18 : memref<!tpu.dma_semaphore, #tpu.memory_space<semaphore_mem>>) src(%arg10 : memref<80x128xf32, #tpu.memory_space<vmem>>) dst(%dma_wait3A_73 : memref<80x128xf32, #tpu.memory_space<hbm>>)
    %dma_wait3A_74 = arith.constant 0 : i32
    %dma_wait3A_75 = tpu.memref_slice %arg7[%mul3A_2, %dma_wait3A_74] : memref<320000x128xi32, #tpu.memory_space<hbm>> -> memref<80x128xi32, #tpu.memory_space<hbm>>
    %dma_wait3A_76 = arith.constant 0 : i32
    %dma_wait3A_77 = tpu.memref_slice %arg7[%mul3A_2, %dma_wait3A_76] : memref<320000x128xi32, #tpu.memory_space<hbm>> -> memref<80x128xi32, #tpu.memory_space<hbm>>
    tpu.wait_dma2 semaphore(%arg20 : memref<!tpu.dma_semaphore, #tpu.memory_space<semaphore_mem>>) src(%arg12 : memref<80x128xi32, #tpu.memory_space<vmem>>) dst(%dma_wait3A_77 : memref<80x128xi32, #tpu.memory_space<hbm>>)
    %dma_start3A_78 = arith.constant 9920 : i32
    %dma_start3A_79 = tpu.memref_slice %arg8[%dma_start3A_78] : memref<10000xi32, #tpu.memory_space<vmem>> -> memref<80xi32, #tpu.memory_space<vmem>>
    %dma_start3A_80 = arith.constant 0 : i32
    %dma_start3A_81 = arith.constant 0 : i32
    %dma_start3A_82 = tpu.memref_slice %arg2[%dma_start3A_80, %dma_start3A_81] : memref<10000x128xf32, #tpu.memory_space<hbm>> -> memref<10000x128xf32, #tpu.memory_space<hbm>>
    tpu.enqueue_indirect_dma source(%dma_start3A_82 : memref<10000x128xf32, #tpu.memory_space<hbm>>) target(%arg10 : memref<80x128xf32, #tpu.memory_space<vmem>>) offsets(%dma_start3A_79 : memref<80xi32, #tpu.memory_space<vmem>>) semaphore(%arg14 : memref<!tpu.dma_semaphore, #tpu.memory_space<semaphore_mem>>)
    %dma_start3A_83 = arith.constant 9920 : i32
    %dma_start3A_84 = tpu.memref_slice %arg9[%dma_start3A_83] : memref<10000xi32, #tpu.memory_space<vmem>> -> memref<80xi32, #tpu.memory_space<vmem>>
    %dma_start3A_85 = arith.constant 0 : i32
    %dma_start3A_86 = arith.constant 0 : i32
    %dma_start3A_87 = tpu.memref_slice %arg3[%dma_start3A_85, %dma_start3A_86] : memref<10000x128xi32, #tpu.memory_space<hbm>> -> memref<10000x128xi32, #tpu.memory_space<hbm>>
    tpu.enqueue_indirect_dma source(%dma_start3A_87 : memref<10000x128xi32, #tpu.memory_space<hbm>>) target(%arg12 : memref<80x128xi32, #tpu.memory_space<vmem>>) offsets(%dma_start3A_84 : memref<80xi32, #tpu.memory_space<vmem>>) semaphore(%arg16 : memref<!tpu.dma_semaphore, #tpu.memory_space<semaphore_mem>>)
    %dma_wait3A_88 = arith.constant 0 : i32
    %dma_wait3A_89 = tpu.memref_slice %arg6[%mul3A_2, %dma_wait3A_88] : memref<320000x128xf32, #tpu.memory_space<hbm>> -> memref<80x128xf32, #tpu.memory_space<hbm>>
    %dma_wait3A_90 = arith.constant 0 : i32
    %dma_wait3A_91 = tpu.memref_slice %arg6[%mul3A_2, %dma_wait3A_90] : memref<320000x128xf32, #tpu.memory_space<hbm>> -> memref<80x128xf32, #tpu.memory_space<hbm>>
    tpu.wait_dma2 semaphore(%arg19 : memref<!tpu.dma_semaphore, #tpu.memory_space<semaphore_mem>>) src(%arg11 : memref<80x128xf32, #tpu.memory_space<vmem>>) dst(%dma_wait3A_91 : memref<80x128xf32, #tpu.memory_space<hbm>>)
    %dma_wait3A_92 = arith.constant 0 : i32
    %dma_wait3A_93 = tpu.memref_slice %arg7[%mul3A_2, %dma_wait3A_92] : memref<320000x128xi32, #tpu.memory_space<hbm>> -> memref<80x128xi32, #tpu.memory_space<hbm>>
    %dma_wait3A_94 = arith.constant 0 : i32
    %dma_wait3A_95 = tpu.memref_slice %arg7[%mul3A_2, %dma_wait3A_94] : memref<320000x128xi32, #tpu.memory_space<hbm>> -> memref<80x128xi32, #tpu.memory_space<hbm>>
    tpu.wait_dma2 semaphore(%arg21 : memref<!tpu.dma_semaphore, #tpu.memory_space<semaphore_mem>>) src(%arg13 : memref<80x128xi32, #tpu.memory_space<vmem>>) dst(%dma_wait3A_95 : memref<80x128xi32, #tpu.memory_space<hbm>>)
    %dma_wait3A_96 = arith.constant 0 : i32
    %dma_wait3A_97 = tpu.memref_slice %arg8[%dma_wait3A_96] : memref<10000xi32, #tpu.memory_space<vmem>> -> memref<80xi32, #tpu.memory_space<vmem>>
    %dma_wait3A_98 = arith.constant 0 : i32
    %dma_wait3A_99 = arith.constant 0 : i32
    %dma_wait3A_100 = tpu.memref_slice %arg2[%dma_wait3A_98, %dma_wait3A_99] : memref<10000x128xf32, #tpu.memory_space<hbm>> -> memref<10000x128xf32, #tpu.memory_space<hbm>>
    tpu.wait_indirect_dma semaphore(%arg14 : memref<!tpu.dma_semaphore, #tpu.memory_space<semaphore_mem>>) src(%dma_wait3A_100 : memref<10000x128xf32, #tpu.memory_space<hbm>>) dst(%arg10 : memref<80x128xf32, #tpu.memory_space<vmem>>)
    %dma_wait3A_101 = arith.constant 0 : i32
    %dma_wait3A_102 = tpu.memref_slice %arg9[%dma_wait3A_101] : memref<10000xi32, #tpu.memory_space<vmem>> -> memref<80xi32, #tpu.memory_space<vmem>>
    %dma_wait3A_103 = arith.constant 0 : i32
    %dma_wait3A_104 = arith.constant 0 : i32
    %dma_wait3A_105 = tpu.memref_slice %arg3[%dma_wait3A_103, %dma_wait3A_104] : memref<10000x128xi32, #tpu.memory_space<hbm>> -> memref<10000x128xi32, #tpu.memory_space<hbm>>
    tpu.wait_indirect_dma semaphore(%arg16 : memref<!tpu.dma_semaphore, #tpu.memory_space<semaphore_mem>>) src(%dma_wait3A_105 : memref<10000x128xi32, #tpu.memory_space<hbm>>) dst(%arg12 : memref<80x128xi32, #tpu.memory_space<vmem>>)
    %add3A_106 = arith.constant 9920 : i32
    %add3A_107 = arith.addi %mul3A_2, %add3A_106 : i32
    %dma_start3A_108 = arith.constant 0 : i32
    %dma_start3A_109 = tpu.memref_slice %arg6[%add3A_107, %dma_start3A_108] : memref<320000x128xf32, #tpu.memory_space<hbm>> -> memref<80x128xf32, #tpu.memory_space<hbm>>
    %dma_start3A_110 = arith.constant 0 : i32
    %dma_start3A_111 = tpu.memref_slice %arg6[%add3A_107, %dma_start3A_110] : memref<320000x128xf32, #tpu.memory_space<hbm>> -> memref<80x128xf32, #tpu.memory_space<hbm>>
    tpu.enqueue_dma source(%arg10 : memref<80x128xf32, #tpu.memory_space<vmem>>) target(%dma_start3A_111 : memref<80x128xf32, #tpu.memory_space<hbm>>) target_semaphore(%arg18 : memref<!tpu.dma_semaphore, #tpu.memory_space<semaphore_mem>>)
    %add3A_112 = arith.constant 9920 : i32
    %add3A_113 = arith.addi %mul3A_2, %add3A_112 : i32
    %dma_start3A_114 = arith.constant 0 : i32
    %dma_start3A_115 = tpu.memref_slice %arg7[%add3A_113, %dma_start3A_114] : memref<320000x128xi32, #tpu.memory_space<hbm>> -> memref<80x128xi32, #tpu.memory_space<hbm>>
    %dma_start3A_116 = arith.constant 0 : i32
    %dma_start3A_117 = tpu.memref_slice %arg7[%add3A_113, %dma_start3A_116] : memref<320000x128xi32, #tpu.memory_space<hbm>> -> memref<80x128xi32, #tpu.memory_space<hbm>>
    tpu.enqueue_dma source(%arg12 : memref<80x128xi32, #tpu.memory_space<vmem>>) target(%dma_start3A_117 : memref<80x128xi32, #tpu.memory_space<hbm>>) target_semaphore(%arg20 : memref<!tpu.dma_semaphore, #tpu.memory_space<semaphore_mem>>)
    %dma_wait3A_118 = arith.constant 0 : i32
    %dma_wait3A_119 = tpu.memref_slice %arg6[%mul3A_2, %dma_wait3A_118] : memref<320000x128xf32, #tpu.memory_space<hbm>> -> memref<80x128xf32, #tpu.memory_space<hbm>>
    %dma_wait3A_120 = arith.constant 0 : i32
    %dma_wait3A_121 = tpu.memref_slice %arg6[%mul3A_2, %dma_wait3A_120] : memref<320000x128xf32, #tpu.memory_space<hbm>> -> memref<80x128xf32, #tpu.memory_space<hbm>>
    tpu.wait_dma2 semaphore(%arg18 : memref<!tpu.dma_semaphore, #tpu.memory_space<semaphore_mem>>) src(%arg10 : memref<80x128xf32, #tpu.memory_space<vmem>>) dst(%dma_wait3A_121 : memref<80x128xf32, #tpu.memory_space<hbm>>)
    %dma_wait3A_122 = arith.constant 0 : i32
    %dma_wait3A_123 = tpu.memref_slice %arg7[%mul3A_2, %dma_wait3A_122] : memref<320000x128xi32, #tpu.memory_space<hbm>> -> memref<80x128xi32, #tpu.memory_space<hbm>>
    %dma_wait3A_124 = arith.constant 0 : i32
    %dma_wait3A_125 = tpu.memref_slice %arg7[%mul3A_2, %dma_wait3A_124] : memref<320000x128xi32, #tpu.memory_space<hbm>> -> memref<80x128xi32, #tpu.memory_space<hbm>>
    tpu.wait_dma2 semaphore(%arg20 : memref<!tpu.dma_semaphore, #tpu.memory_space<semaphore_mem>>) src(%arg12 : memref<80x128xi32, #tpu.memory_space<vmem>>) dst(%dma_wait3A_125 : memref<80x128xi32, #tpu.memory_space<hbm>>)
    return
  }
}

#map = affine_map<(d0, d1) -> (0)>
#map1 = affine_map<(d0, d1) -> (0, 0)>
module attributes {stable_mosaic.version = 14 : i64} {
  func.func @ck(%arg0: i32, %arg1: i32, %arg2: memref<320000xi32, #tpu.memory_space<hbm>>, %arg3: memref<128x128xf32, #tpu.memory_space<hbm>>, %arg4: memref<80x128xf32, #tpu.memory_space<hbm>>, %arg5: memref<10240x128xf32, #tpu.memory_space<hbm>>, %arg6: memref<20000xi32, #tpu.memory_space<vmem>>, %arg7: memref<80xi32, #tpu.memory_space<vmem>>, %arg8: memref<80x128xf32, #tpu.memory_space<vmem>>, %arg9: memref<128x128xf32, #tpu.memory_space<vmem>>, %arg10: memref<6144x128xf32, #tpu.memory_space<vmem_shared>>, %arg11: memref<80x128xf32, #tpu.memory_space<vmem>>) attributes {dimension_semantics = [#tpu.dimension_semantics<core_parallel>, #tpu.dimension_semantics<subcore_parallel>], iteration_bounds = array<i64: 2, 16>, scalar_prefetch = 0 : i64, scratch_operands = 6 : i64, tpu.core_type = #tpu.core_type<sc_vector_subcore>, window_params = [{transform_indices = #map}, {transform_indices = #map1}, {transform_indices = #map1}, {transform_indices = #map1}]} {
    "tpu.region"() ({
      %run_scoped3A = tpu.sem_alloc : memref<!tpu.dma_semaphore, #tpu.memory_space<semaphore_mem>>
      tpu.enqueue_dma source(%arg3 : memref<128x128xf32, #tpu.memory_space<hbm>>) target(%arg9 : memref<128x128xf32, #tpu.memory_space<vmem>>) target_semaphore(%run_scoped3A : memref<!tpu.dma_semaphore, #tpu.memory_space<semaphore_mem>>)
      tpu.wait_dma2 semaphore(%run_scoped3A : memref<!tpu.dma_semaphore, #tpu.memory_space<semaphore_mem>>) src(%arg3 : memref<128x128xf32, #tpu.memory_space<hbm>>) dst(%arg9 : memref<128x128xf32, #tpu.memory_space<vmem>>)
      tpu.yield
    }) : () -> ()
    "tpu.region"() ({
      %run_scoped3A = tpu.sem_alloc : memref<!tpu.dma_semaphore, #tpu.memory_space<semaphore_mem>>
      tpu.enqueue_dma source(%arg4 : memref<80x128xf32, #tpu.memory_space<hbm>>) target(%arg11 : memref<80x128xf32, #tpu.memory_space<vmem>>) target_semaphore(%run_scoped3A : memref<!tpu.dma_semaphore, #tpu.memory_space<semaphore_mem>>)
      tpu.wait_dma2 semaphore(%run_scoped3A : memref<!tpu.dma_semaphore, #tpu.memory_space<semaphore_mem>>) src(%arg4 : memref<80x128xf32, #tpu.memory_space<hbm>>) dst(%arg11 : memref<80x128xf32, #tpu.memory_space<vmem>>)
      tpu.yield
    }) : () -> ()
    %mul3A = arith.constant 20000 : i32
    %mul3A_0 = arith.muli %arg1, %mul3A : i32
    "tpu.region"() ({
      %run_scoped3A = tpu.sem_alloc : memref<!tpu.dma_semaphore, #tpu.memory_space<semaphore_mem>>
      %dma_start3A = tpu.memref_slice %arg2[%mul3A_0] : memref<320000xi32, #tpu.memory_space<hbm>> -> memref<20000xi32, #tpu.memory_space<hbm>>
      %dma_start3A_21 = tpu.memref_slice %arg2[%mul3A_0] : memref<320000xi32, #tpu.memory_space<hbm>> -> memref<20000xi32, #tpu.memory_space<hbm>>
      tpu.enqueue_dma source(%dma_start3A_21 : memref<20000xi32, #tpu.memory_space<hbm>>) target(%arg6 : memref<20000xi32, #tpu.memory_space<vmem>>) target_semaphore(%run_scoped3A : memref<!tpu.dma_semaphore, #tpu.memory_space<semaphore_mem>>)
      %dma_wait3A = tpu.memref_slice %arg2[%mul3A_0] : memref<320000xi32, #tpu.memory_space<hbm>> -> memref<20000xi32, #tpu.memory_space<hbm>>
      %dma_wait3A_22 = tpu.memref_slice %arg2[%mul3A_0] : memref<320000xi32, #tpu.memory_space<hbm>> -> memref<20000xi32, #tpu.memory_space<hbm>>
      tpu.wait_dma2 semaphore(%run_scoped3A : memref<!tpu.dma_semaphore, #tpu.memory_space<semaphore_mem>>) src(%dma_wait3A_22 : memref<20000xi32, #tpu.memory_space<hbm>>) dst(%arg6 : memref<20000xi32, #tpu.memory_space<vmem>>)
      tpu.yield
    }) : () -> ()
    %mul3A_1 = arith.constant 5120 : i32
    %mul3A_2 = arith.muli %arg0, %mul3A_1 : i32
    %scan3A = arith.constant 0 : i32
    %scan3A_3 = arith.constant 0 : i32
    %scan3A_4 = arith.constant 3 : i32
    %scan3A_5 = arith.addi %scan3A_3, %scan3A_4 : i32
    %scan3A_6 = arith.constant 1 : i32
    scf.for %scan3A_21 = %scan3A_3 to %scan3A_5 step %scan3A_6  : i32 {
      %mul3A_22 = arith.constant 384 : i32
      %mul3A_23 = arith.muli %arg1, %mul3A_22 : i32
      %mul3A_24 = arith.constant 128 : i32
      %mul3A_25 = arith.muli %scan3A_21, %mul3A_24 : i32
      %add3A = arith.addi %mul3A_23, %mul3A_25 : i32
      "tpu.region"() ({
        %run_scoped3A = tpu.sem_alloc : memref<!tpu.dma_semaphore, #tpu.memory_space<semaphore_mem>>
        %dma_start3A = arith.constant 0 : i32
        %dma_start3A_26 = tpu.memref_slice %arg10[%add3A, %dma_start3A] : memref<6144x128xf32, #tpu.memory_space<vmem_shared>> -> memref<128x128xf32, #tpu.memory_space<vmem_shared>>
        %dma_start3A_27 = arith.constant 0 : i32
        %dma_start3A_28 = tpu.memref_slice %arg10[%add3A, %dma_start3A_27] : memref<6144x128xf32, #tpu.memory_space<vmem_shared>> -> memref<128x128xf32, #tpu.memory_space<vmem_shared>>
        tpu.enqueue_dma source(%arg9 : memref<128x128xf32, #tpu.memory_space<vmem>>) target(%dma_start3A_28 : memref<128x128xf32, #tpu.memory_space<vmem_shared>>) target_semaphore(%run_scoped3A : memref<!tpu.dma_semaphore, #tpu.memory_space<semaphore_mem>>)
        %dma_wait3A = arith.constant 0 : i32
        %dma_wait3A_29 = tpu.memref_slice %arg10[%add3A, %dma_wait3A] : memref<6144x128xf32, #tpu.memory_space<vmem_shared>> -> memref<128x128xf32, #tpu.memory_space<vmem_shared>>
        %dma_wait3A_30 = arith.constant 0 : i32
        %dma_wait3A_31 = tpu.memref_slice %arg10[%add3A, %dma_wait3A_30] : memref<6144x128xf32, #tpu.memory_space<vmem_shared>> -> memref<128x128xf32, #tpu.memory_space<vmem_shared>>
        tpu.wait_dma2 semaphore(%run_scoped3A : memref<!tpu.dma_semaphore, #tpu.memory_space<semaphore_mem>>) src(%arg9 : memref<128x128xf32, #tpu.memory_space<vmem>>) dst(%dma_wait3A_31 : memref<128x128xf32, #tpu.memory_space<vmem_shared>>)
        tpu.yield
      }) : () -> ()
    }
    %scan3A_7 = arith.constant 3 : i32
    %barrier3A = arith.constant 0 : index
    tpu.barrier barrier_id(%barrier3A)
    %scan3A_8 = arith.constant 0 : i32
    %scan3A_9 = arith.constant 0 : i32
    %scan3A_10 = arith.constant 250 : i32
    %scan3A_11 = arith.addi %scan3A_9, %scan3A_10 : i32
    %scan3A_12 = arith.constant 1 : i32
    scf.for %scan3A_21 = %scan3A_9 to %scan3A_11 step %scan3A_12  : i32 {
      %mul3A_22 = arith.constant 80 : i32
      %mul3A_23 = arith.muli %scan3A_21, %mul3A_22 : i32
      %add3A = arith.constant 0 : i32
      %add3A_24 = arith.addi %mul3A_23, %add3A : i32
      %get3A = arith.index_cast %add3A_24 : i32 to index
      %get3A_25 = tpu.vector_load %arg6[%get3A] {strides = array<i32>} : memref<20000xi32, #tpu.memory_space<vmem>>, vector<16xi32>,
      %get3A_26 = vector.shape_cast %get3A_25 : vector<16xi32> to vector<16xi32>
      %sub3A = vector.broadcast %mul3A_2 : i32 to vector<16xi32>
      %sub3A_27 = arith.subi %get3A_26, %sub3A : vector<16xi32>
      %lt3A = arith.constant 0 : i32
      %lt3A_28 = vector.broadcast %lt3A : i32 to vector<16xi32>
      %lt3A_29 = arith.cmpi slt, %sub3A_27, %lt3A_28 : vector<16xi32>
      %ge3A = arith.constant 5120 : i32
      %ge3A_30 = vector.broadcast %ge3A : i32 to vector<16xi32>
      %ge3A_31 = arith.cmpi sge, %sub3A_27, %ge3A_30 : vector<16xi32>
      %or3A = arith.ori %lt3A_29, %ge3A_31 : vector<16xi1>
      %jit3A = arith.constant 5120 : i32
      %broadcast_in_dim3A = vector.broadcast %jit3A : i32 to vector<16xi32>
      %select_n3A = arith.select %or3A, %broadcast_in_dim3A, %sub3A_27 : vector<16xi1>, vector<16xi32>
      %swap3A = arith.constant 0 : index
      %swap3A_32 = tpu.vector_load %arg7[%swap3A] {strides = array<i32>} : memref<80xi32, #tpu.memory_space<vmem>>, vector<16xi32>,
      %swap3A_33 = vector.shape_cast %swap3A_32 : vector<16xi32> to vector<16xi32>
      %swap3A_34 = vector.shape_cast %select_n3A : vector<16xi32> to vector<16xi32>
      tpu.vector_store %arg7[%swap3A], %swap3A_34 {strides = array<i32>} : memref<80xi32, #tpu.memory_space<vmem>>, vector<16xi32>,
      %mul3A_35 = arith.constant 80 : i32
      %mul3A_36 = arith.muli %scan3A_21, %mul3A_35 : i32
      %add3A_37 = arith.constant 16 : i32
      %add3A_38 = arith.addi %mul3A_36, %add3A_37 : i32
      %get3A_39 = arith.index_cast %add3A_38 : i32 to index
      %get3A_40 = tpu.vector_load %arg6[%get3A_39] {strides = array<i32>} : memref<20000xi32, #tpu.memory_space<vmem>>, vector<16xi32>,
      %get3A_41 = vector.shape_cast %get3A_40 : vector<16xi32> to vector<16xi32>
      %sub3A_42 = vector.broadcast %mul3A_2 : i32 to vector<16xi32>
      %sub3A_43 = arith.subi %get3A_41, %sub3A_42 : vector<16xi32>
      %lt3A_44 = arith.constant 0 : i32
      %lt3A_45 = vector.broadcast %lt3A_44 : i32 to vector<16xi32>
      %lt3A_46 = arith.cmpi slt, %sub3A_43, %lt3A_45 : vector<16xi32>
      %ge3A_47 = arith.constant 5120 : i32
      %ge3A_48 = vector.broadcast %ge3A_47 : i32 to vector<16xi32>
      %ge3A_49 = arith.cmpi sge, %sub3A_43, %ge3A_48 : vector<16xi32>
      %or3A_50 = arith.ori %lt3A_46, %ge3A_49 : vector<16xi1>
      %jit3A_51 = arith.constant 5120 : i32
      %broadcast_in_dim3A_52 = vector.broadcast %jit3A_51 : i32 to vector<16xi32>
      %select_n3A_53 = arith.select %or3A_50, %broadcast_in_dim3A_52, %sub3A_43 : vector<16xi1>, vector<16xi32>
      %swap3A_54 = arith.constant 16 : index
      %swap3A_55 = tpu.vector_load %arg7[%swap3A_54] {strides = array<i32>} : memref<80xi32, #tpu.memory_space<vmem>>, vector<16xi32>,
      %swap3A_56 = vector.shape_cast %swap3A_55 : vector<16xi32> to vector<16xi32>
      %swap3A_57 = vector.shape_cast %select_n3A_53 : vector<16xi32> to vector<16xi32>
      tpu.vector_store %arg7[%swap3A_54], %swap3A_57 {strides = array<i32>} : memref<80xi32, #tpu.memory_space<vmem>>, vector<16xi32>,
      %mul3A_58 = arith.constant 80 : i32
      %mul3A_59 = arith.muli %scan3A_21, %mul3A_58 : i32
      %add3A_60 = arith.constant 32 : i32
      %add3A_61 = arith.addi %mul3A_59, %add3A_60 : i32
      %get3A_62 = arith.index_cast %add3A_61 : i32 to index
      %get3A_63 = tpu.vector_load %arg6[%get3A_62] {strides = array<i32>} : memref<20000xi32, #tpu.memory_space<vmem>>, vector<16xi32>,
      %get3A_64 = vector.shape_cast %get3A_63 : vector<16xi32> to vector<16xi32>
      %sub3A_65 = vector.broadcast %mul3A_2 : i32 to vector<16xi32>
      %sub3A_66 = arith.subi %get3A_64, %sub3A_65 : vector<16xi32>
      %lt3A_67 = arith.constant 0 : i32
      %lt3A_68 = vector.broadcast %lt3A_67 : i32 to vector<16xi32>
      %lt3A_69 = arith.cmpi slt, %sub3A_66, %lt3A_68 : vector<16xi32>
      %ge3A_70 = arith.constant 5120 : i32
      %ge3A_71 = vector.broadcast %ge3A_70 : i32 to vector<16xi32>
      %ge3A_72 = arith.cmpi sge, %sub3A_66, %ge3A_71 : vector<16xi32>
      %or3A_73 = arith.ori %lt3A_69, %ge3A_72 : vector<16xi1>
      %jit3A_74 = arith.constant 5120 : i32
      %broadcast_in_dim3A_75 = vector.broadcast %jit3A_74 : i32 to vector<16xi32>
      %select_n3A_76 = arith.select %or3A_73, %broadcast_in_dim3A_75, %sub3A_66 : vector<16xi1>, vector<16xi32>
      %swap3A_77 = arith.constant 32 : index
      %swap3A_78 = tpu.vector_load %arg7[%swap3A_77] {strides = array<i32>} : memref<80xi32, #tpu.memory_space<vmem>>, vector<16xi32>,
      %swap3A_79 = vector.shape_cast %swap3A_78 : vector<16xi32> to vector<16xi32>
      %swap3A_80 = vector.shape_cast %select_n3A_76 : vector<16xi32> to vector<16xi32>
      tpu.vector_store %arg7[%swap3A_77], %swap3A_80 {strides = array<i32>} : memref<80xi32, #tpu.memory_space<vmem>>, vector<16xi32>,
      %mul3A_81 = arith.constant 80 : i32
      %mul3A_82 = arith.muli %scan3A_21, %mul3A_81 : i32
      %add3A_83 = arith.constant 48 : i32
      %add3A_84 = arith.addi %mul3A_82, %add3A_83 : i32
      %get3A_85 = arith.index_cast %add3A_84 : i32 to index
      %get3A_86 = tpu.vector_load %arg6[%get3A_85] {strides = array<i32>} : memref<20000xi32, #tpu.memory_space<vmem>>, vector<16xi32>,
      %get3A_87 = vector.shape_cast %get3A_86 : vector<16xi32> to vector<16xi32>
      %sub3A_88 = vector.broadcast %mul3A_2 : i32 to vector<16xi32>
      %sub3A_89 = arith.subi %get3A_87, %sub3A_88 : vector<16xi32>
      %lt3A_90 = arith.constant 0 : i32
      %lt3A_91 = vector.broadcast %lt3A_90 : i32 to vector<16xi32>
      %lt3A_92 = arith.cmpi slt, %sub3A_89, %lt3A_91 : vector<16xi32>
      %ge3A_93 = arith.constant 5120 : i32
      %ge3A_94 = vector.broadcast %ge3A_93 : i32 to vector<16xi32>
      %ge3A_95 = arith.cmpi sge, %sub3A_89, %ge3A_94 : vector<16xi32>
      %or3A_96 = arith.ori %lt3A_92, %ge3A_95 : vector<16xi1>
      %jit3A_97 = arith.constant 5120 : i32
      %broadcast_in_dim3A_98 = vector.broadcast %jit3A_97 : i32 to vector<16xi32>
      %select_n3A_99 = arith.select %or3A_96, %broadcast_in_dim3A_98, %sub3A_89 : vector<16xi1>, vector<16xi32>
      %swap3A_100 = arith.constant 48 : index
      %swap3A_101 = tpu.vector_load %arg7[%swap3A_100] {strides = array<i32>} : memref<80xi32, #tpu.memory_space<vmem>>, vector<16xi32>,
      %swap3A_102 = vector.shape_cast %swap3A_101 : vector<16xi32> to vector<16xi32>
      %swap3A_103 = vector.shape_cast %select_n3A_99 : vector<16xi32> to vector<16xi32>
      tpu.vector_store %arg7[%swap3A_100], %swap3A_103 {strides = array<i32>} : memref<80xi32, #tpu.memory_space<vmem>>, vector<16xi32>,
      %mul3A_104 = arith.constant 80 : i32
      %mul3A_105 = arith.muli %scan3A_21, %mul3A_104 : i32
      %add3A_106 = arith.constant 64 : i32
      %add3A_107 = arith.addi %mul3A_105, %add3A_106 : i32
      %get3A_108 = arith.index_cast %add3A_107 : i32 to index
      %get3A_109 = tpu.vector_load %arg6[%get3A_108] {strides = array<i32>} : memref<20000xi32, #tpu.memory_space<vmem>>, vector<16xi32>,
      %get3A_110 = vector.shape_cast %get3A_109 : vector<16xi32> to vector<16xi32>
      %sub3A_111 = vector.broadcast %mul3A_2 : i32 to vector<16xi32>
      %sub3A_112 = arith.subi %get3A_110, %sub3A_111 : vector<16xi32>
      %lt3A_113 = arith.constant 0 : i32
      %lt3A_114 = vector.broadcast %lt3A_113 : i32 to vector<16xi32>
      %lt3A_115 = arith.cmpi slt, %sub3A_112, %lt3A_114 : vector<16xi32>
      %ge3A_116 = arith.constant 5120 : i32
      %ge3A_117 = vector.broadcast %ge3A_116 : i32 to vector<16xi32>
      %ge3A_118 = arith.cmpi sge, %sub3A_112, %ge3A_117 : vector<16xi32>
      %or3A_119 = arith.ori %lt3A_115, %ge3A_118 : vector<16xi1>
      %jit3A_120 = arith.constant 5120 : i32
      %broadcast_in_dim3A_121 = vector.broadcast %jit3A_120 : i32 to vector<16xi32>
      %select_n3A_122 = arith.select %or3A_119, %broadcast_in_dim3A_121, %sub3A_112 : vector<16xi1>, vector<16xi32>
      %swap3A_123 = arith.constant 64 : index
      %swap3A_124 = tpu.vector_load %arg7[%swap3A_123] {strides = array<i32>} : memref<80xi32, #tpu.memory_space<vmem>>, vector<16xi32>,
      %swap3A_125 = vector.shape_cast %swap3A_124 : vector<16xi32> to vector<16xi32>
      %swap3A_126 = vector.shape_cast %select_n3A_122 : vector<16xi32> to vector<16xi32>
      tpu.vector_store %arg7[%swap3A_123], %swap3A_126 {strides = array<i32>} : memref<80xi32, #tpu.memory_space<vmem>>, vector<16xi32>,
      "tpu.region"() ({
        %run_scoped3A = tpu.sem_alloc : memref<!tpu.dma_semaphore, #tpu.memory_space<semaphore_mem>>
        %dma_start3A = arith.constant 0 : i32
        %dma_start3A_127 = arith.constant 0 : i32
        %dma_start3A_128 = tpu.memref_slice %arg10[%dma_start3A, %dma_start3A_127] : memref<6144x128xf32, #tpu.memory_space<vmem_shared>> -> memref<6144x128xf32, #tpu.memory_space<vmem_shared>>
        tpu.enqueue_indirect_dma source(%arg11 : memref<80x128xf32, #tpu.memory_space<vmem>>) target(%dma_start3A_128 : memref<6144x128xf32, #tpu.memory_space<vmem_shared>>) offsets(%arg7 : memref<80xi32, #tpu.memory_space<vmem>>) semaphore(%run_scoped3A : memref<!tpu.dma_semaphore, #tpu.memory_space<semaphore_mem>>) {add = true}
        %dma_wait3A = arith.constant 0 : i32
        %dma_wait3A_129 = arith.constant 0 : i32
        %dma_wait3A_130 = tpu.memref_slice %arg10[%dma_wait3A, %dma_wait3A_129] : memref<6144x128xf32, #tpu.memory_space<vmem_shared>> -> memref<6144x128xf32, #tpu.memory_space<vmem_shared>>
        tpu.wait_indirect_dma semaphore(%run_scoped3A : memref<!tpu.dma_semaphore, #tpu.memory_space<semaphore_mem>>) src(%arg11 : memref<80x128xf32, #tpu.memory_space<vmem>>) dst(%dma_wait3A_130 : memref<6144x128xf32, #tpu.memory_space<vmem_shared>>)
        tpu.yield
      }) : () -> ()
    }
    %scan3A_13 = arith.constant 250 : i32
    %barrier3A_14 = arith.constant 0 : index
    tpu.barrier barrier_id(%barrier3A_14)
    %scan3A_15 = arith.constant 0 : i32
    %scan3A_16 = arith.constant 0 : i32
    %scan3A_17 = arith.constant 4 : i32
    %scan3A_18 = arith.addi %scan3A_16, %scan3A_17 : i32
    %scan3A_19 = arith.constant 1 : i32
    scf.for %scan3A_21 = %scan3A_16 to %scan3A_18 step %scan3A_19  : i32 {
      %mul3A_22 = arith.constant 320 : i32
      %mul3A_23 = arith.muli %arg1, %mul3A_22 : i32
      %mul3A_24 = arith.constant 80 : i32
      %mul3A_25 = arith.muli %scan3A_21, %mul3A_24 : i32
      %add3A = arith.addi %mul3A_23, %mul3A_25 : i32
      "tpu.region"() ({
        %run_scoped3A = tpu.sem_alloc : memref<!tpu.dma_semaphore, #tpu.memory_space<semaphore_mem>>
        %dma_start3A = arith.constant 0 : i32
        %dma_start3A_29 = tpu.memref_slice %arg10[%add3A, %dma_start3A] : memref<6144x128xf32, #tpu.memory_space<vmem_shared>> -> memref<80x128xf32, #tpu.memory_space<vmem_shared>>
        %dma_start3A_30 = arith.constant 0 : i32
        %dma_start3A_31 = tpu.memref_slice %arg10[%add3A, %dma_start3A_30] : memref<6144x128xf32, #tpu.memory_space<vmem_shared>> -> memref<80x128xf32, #tpu.memory_space<vmem_shared>>
        tpu.enqueue_dma source(%dma_start3A_31 : memref<80x128xf32, #tpu.memory_space<vmem_shared>>) target(%arg8 : memref<80x128xf32, #tpu.memory_space<vmem>>) target_semaphore(%run_scoped3A : memref<!tpu.dma_semaphore, #tpu.memory_space<semaphore_mem>>)
        %dma_wait3A = arith.constant 0 : i32
        %dma_wait3A_32 = tpu.memref_slice %arg10[%add3A, %dma_wait3A] : memref<6144x128xf32, #tpu.memory_space<vmem_shared>> -> memref<80x128xf32, #tpu.memory_space<vmem_shared>>
        %dma_wait3A_33 = arith.constant 0 : i32
        %dma_wait3A_34 = tpu.memref_slice %arg10[%add3A, %dma_wait3A_33] : memref<6144x128xf32, #tpu.memory_space<vmem_shared>> -> memref<80x128xf32, #tpu.memory_space<vmem_shared>>
        tpu.wait_dma2 semaphore(%run_scoped3A : memref<!tpu.dma_semaphore, #tpu.memory_space<semaphore_mem>>) src(%dma_wait3A_34 : memref<80x128xf32, #tpu.memory_space<vmem_shared>>) dst(%arg8 : memref<80x128xf32, #tpu.memory_space<vmem>>)
        tpu.yield
      }) : () -> ()
      %mul3A_26 = arith.constant 5120 : i32
      %mul3A_27 = arith.muli %arg0, %mul3A_26 : i32
      %add3A_28 = arith.addi %mul3A_27, %add3A : i32
      "tpu.region"() ({
        %run_scoped3A = tpu.sem_alloc : memref<!tpu.dma_semaphore, #tpu.memory_space<semaphore_mem>>
        %dma_start3A = arith.constant 0 : i32
        %dma_start3A_29 = tpu.memref_slice %arg5[%add3A_28, %dma_start3A] : memref<10240x128xf32, #tpu.memory_space<hbm>> -> memref<80x128xf32, #tpu.memory_space<hbm>>
        %dma_start3A_30 = arith.constant 0 : i32
        %dma_start3A_31 = tpu.memref_slice %arg5[%add3A_28, %dma_start3A_30] : memref<10240x128xf32, #tpu.memory_space<hbm>> -> memref<80x128xf32, #tpu.memory_space<hbm>>
        tpu.enqueue_dma source(%arg8 : memref<80x128xf32, #tpu.memory_space<vmem>>) target(%dma_start3A_31 : memref<80x128xf32, #tpu.memory_space<hbm>>) target_semaphore(%run_scoped3A : memref<!tpu.dma_semaphore, #tpu.memory_space<semaphore_mem>>)
        %dma_wait3A = arith.constant 0 : i32
        %dma_wait3A_32 = tpu.memref_slice %arg5[%add3A_28, %dma_wait3A] : memref<10240x128xf32, #tpu.memory_space<hbm>> -> memref<80x128xf32, #tpu.memory_space<hbm>>
        %dma_wait3A_33 = arith.constant 0 : i32
        %dma_wait3A_34 = tpu.memref_slice %arg5[%add3A_28, %dma_wait3A_33] : memref<10240x128xf32, #tpu.memory_space<hbm>> -> memref<80x128xf32, #tpu.memory_space<hbm>>
        tpu.wait_dma2 semaphore(%run_scoped3A : memref<!tpu.dma_semaphore, #tpu.memory_space<semaphore_mem>>) src(%arg8 : memref<80x128xf32, #tpu.memory_space<vmem>>) dst(%dma_wait3A_34 : memref<80x128xf32, #tpu.memory_space<hbm>>)
        tpu.yield
      }) : () -> ()
    }
    %scan3A_20 = arith.constant 4 : i32
    return
  }
}

module attributes {stable_mosaic.version = 14 : i64} {
  func.func @_pre_body(%arg0: i32, %arg1: memref<2000x128xf32, #tpu.memory_space<vmem>>, %arg2: memref<2000x16xi32, #tpu.memory_space<vmem>>, %arg3: memref<16x128xf32, #tpu.memory_space<vmem>>, %arg4: memref<128x128xf32, #tpu.memory_space<vmem>>, %arg5: memref<128x128xf32, #tpu.memory_space<vmem>>, %arg6: memref<128x128xf32, #tpu.memory_space<vmem>>, %arg7: memref<1x128xf32, #tpu.memory_space<vmem>>, %arg8: memref<128x128xf32, #tpu.memory_space<vmem>>, %arg9: memref<1x128xf32, #tpu.memory_space<vmem>>, %arg10: memref<128x128xf32, #tpu.memory_space<vmem>>, %arg11: memref<1x128xf32, #tpu.memory_space<vmem>>, %arg12: memref<2000x128xf32, #tpu.memory_space<vmem>>, %arg13: memref<2000x128xi32, #tpu.memory_space<vmem>>, %arg14: memref<2000x128xf32, #tpu.memory_space<vmem>>) attributes {dimension_semantics = [#tpu.dimension_semantics<arbitrary>], iteration_bounds = array<i64: 5>, scalar_prefetch = 0 : i64, scratch_operands = 0 : i64, tpu.core_type = #tpu.core_type<tc>, window_params = [{transform_indices = @transform_0, window_bounds = array<i64: 2000, 128>}, {transform_indices = @transform_1, window_bounds = array<i64: 2000, 16>}, {pipeline_mode = #tpu.pipeline_mode<synchronous>, transform_indices = @transform_2, window_bounds = array<i64: 16, 128>}, {pipeline_mode = #tpu.pipeline_mode<synchronous>, transform_indices = @transform_3, window_bounds = array<i64: 128, 128>}, {pipeline_mode = #tpu.pipeline_mode<synchronous>, transform_indices = @transform_4, window_bounds = array<i64: 128, 128>}, {pipeline_mode = #tpu.pipeline_mode<synchronous>, transform_indices = @transform_5, window_bounds = array<i64: 128, 128>}, {pipeline_mode = #tpu.pipeline_mode<synchronous>, transform_indices = @transform_6, window_bounds = array<i64: 1, 128>}, {pipeline_mode = #tpu.pipeline_mode<synchronous>, transform_indices = @transform_7, window_bounds = array<i64: 128, 128>}, {pipeline_mode = #tpu.pipeline_mode<synchronous>, transform_indices = @transform_8, window_bounds = array<i64: 1, 128>}, {pipeline_mode = #tpu.pipeline_mode<synchronous>, transform_indices = @transform_9, window_bounds = array<i64: 128, 128>}, {pipeline_mode = #tpu.pipeline_mode<synchronous>, transform_indices = @transform_10, window_bounds = array<i64: 1, 128>}, {transform_indices = @transform_11, window_bounds = array<i64: 2000, 128>}, {transform_indices = @transform_12, window_bounds = array<i64: 2000, 128>}, {transform_indices = @transform_13, window_bounds = array<i64: 2000, 128>}]} {
    %get3A = arith.constant 0 : index
    %get3A_0 = arith.constant 0 : index
    %get3A_1 = vector.load %arg2[%get3A, %get3A_0] : memref<2000x16xi32, #tpu.memory_space<vmem>>, vector<2000x16xi32>
    %iota3A = tpu.iota {dimensions = array<i32: 1>} : vector<2000x16xi32>
    %eq3A = arith.cmpi eq, %get3A_1, %iota3A : vector<2000x16xi32>
    %convert_element_type3A = arith.extui %eq3A : vector<2000x16xi1> to vector<2000x16xi32>
    %convert_element_type3A_2 = arith.sitofp %convert_element_type3A : vector<2000x16xi32> to vector<2000x16xf32>
    %get3A_3 = arith.constant 0 : index
    %get3A_4 = arith.constant 0 : index
    %get3A_5 = vector.load %arg3[%get3A_3, %get3A_4] : memref<16x128xf32, #tpu.memory_space<vmem>>, vector<16x128xf32>
    %get3A_6 = arith.constant 0 : index
    %get3A_7 = arith.constant 0 : index
    %get3A_8 = vector.load %arg1[%get3A_6, %get3A_7] : memref<2000x128xf32, #tpu.memory_space<vmem>>, vector<2000x128xf32>
    %get3A_9 = arith.constant 0 : index
    %get3A_10 = arith.constant 0 : index
    %get3A_11 = vector.load %arg6[%get3A_9, %get3A_10] : memref<128x128xf32, #tpu.memory_space<vmem>>, vector<128x128xf32>
    %dot_general3A = arith.constant dense<0.000000e+00> : vector<16x128xf32>
    %dot_general3A_12 = tpu.matmul %get3A_5, %get3A_11, %dot_general3A {dimension_numbers = #tpu.dot_dimension_numbers<[1], [0], [0], [1], [0, 0, 1, 1], [], []>, transpose_lhs_hint = false} : vector<16x128xf32>, vector<128x128xf32>, vector<16x128xf32> -> vector<16x128xf32>
    %get3A_13 = arith.constant 0 : index
    %get3A_14 = arith.constant 0 : index
    %get3A_15 = vector.load %arg4[%get3A_13, %get3A_14] : memref<128x128xf32, #tpu.memory_space<vmem>>, vector<128x128xf32>
    %dot_general3A_16 = arith.constant dense<0.000000e+00> : vector<2000x128xf32>
    %dot_general3A_17 = tpu.matmul %get3A_8, %get3A_15, %dot_general3A_16 {dimension_numbers = #tpu.dot_dimension_numbers<[1], [0], [0], [1], [0, 0, 1, 1], [], []>, transpose_lhs_hint = false} : vector<2000x128xf32>, vector<128x128xf32>, vector<2000x128xf32> -> vector<2000x128xf32>
    %dot_general3A_18 = arith.constant dense<0.000000e+00> : vector<2000x128xf32>
    %dot_general3A_19 = tpu.matmul %convert_element_type3A_2, %dot_general3A_12, %dot_general3A_18 {dimension_numbers = #tpu.dot_dimension_numbers<[1], [0], [0], [1], [0, 0, 1, 1], [], []>, transpose_lhs_hint = false} : vector<2000x16xf32>, vector<16x128xf32>, vector<2000x128xf32> -> vector<2000x128xf32>
    %add3A = arith.addf %dot_general3A_17, %dot_general3A_19 : vector<2000x128xf32>
    %get3A_20 = arith.constant 0 : index
    %get3A_21 = arith.constant 0 : index
    %get3A_22 = vector.load %arg7[%get3A_20, %get3A_21] : memref<1x128xf32, #tpu.memory_space<vmem>>, vector<1x128xf32>
    %add3A_23 = vector.broadcast %get3A_22 : vector<1x128xf32> to vector<2000x128xf32>
    %add3A_24 = arith.addf %add3A, %add3A_23 : vector<2000x128xf32>
    %get3A_25 = arith.constant 0 : index
    %get3A_26 = arith.constant 0 : index
    %get3A_27 = vector.load %arg5[%get3A_25, %get3A_26] : memref<128x128xf32, #tpu.memory_space<vmem>>, vector<128x128xf32>
    %dot_general3A_28 = arith.constant dense<0.000000e+00> : vector<2000x128xf32>
    %dot_general3A_29 = tpu.matmul %get3A_8, %get3A_27, %dot_general3A_28 {dimension_numbers = #tpu.dot_dimension_numbers<[1], [0], [0], [1], [0, 0, 1, 1], [], []>, transpose_lhs_hint = false} : vector<2000x128xf32>, vector<128x128xf32>, vector<2000x128xf32> -> vector<2000x128xf32>
    %get3A_30 = arith.constant 0 : index
    %get3A_31 = arith.constant 0 : index
    %get3A_32 = vector.load %arg8[%get3A_30, %get3A_31] : memref<128x128xf32, #tpu.memory_space<vmem>>, vector<128x128xf32>
    %dot_general3A_33 = arith.constant dense<0.000000e+00> : vector<2000x128xf32>
    %dot_general3A_34 = tpu.matmul %get3A_8, %get3A_32, %dot_general3A_33 {dimension_numbers = #tpu.dot_dimension_numbers<[1], [0], [0], [1], [0, 0, 1, 1], [], []>, transpose_lhs_hint = false} : vector<2000x128xf32>, vector<128x128xf32>, vector<2000x128xf32> -> vector<2000x128xf32>
    %get3A_35 = arith.constant 0 : index
    %get3A_36 = arith.constant 0 : index
    %get3A_37 = vector.load %arg9[%get3A_35, %get3A_36] : memref<1x128xf32, #tpu.memory_space<vmem>>, vector<1x128xf32>
    %add3A_38 = vector.broadcast %get3A_37 : vector<1x128xf32> to vector<2000x128xf32>
    %add3A_39 = arith.addf %dot_general3A_34, %add3A_38 : vector<2000x128xf32>
    %swap3A = arith.constant 0 : index
    %swap3A_40 = arith.constant 0 : index
    %swap3A_41 = vector.load %arg12[%swap3A, %swap3A_40] : memref<2000x128xf32, #tpu.memory_space<vmem>>, vector<2000x128xf32>
    tpu.vector_store %arg12[%swap3A, %swap3A_40], %add3A_24 {strides = array<i32>} : memref<2000x128xf32, #tpu.memory_space<vmem>>, vector<2000x128xf32>,
    %concatenate3A = tpu.concatenate %dot_general3A_29, %add3A_39 in 1 : vector<2000x128xf32>, vector<2000x128xf32> -> vector<2000x256xf32>
    %convert_element_type3A_42 = arith.truncf %concatenate3A : vector<2000x256xf32> to vector<2000x256xbf16>
    %bitcast_convert_type3A = tpu.bitcast %convert_element_type3A_42 : vector<2000x256xbf16> -> vector<2000x256xi16>
    %convert_element_type3A_43 = arith.extui %bitcast_convert_type3A : vector<2000x256xi16> to vector<2000x256xi32>
    %slice3A = vector.extract_strided_slice %convert_element_type3A_43 {offsets = [0, 0], sizes = [2000, 128], strides = [1, 1]} : vector<2000x256xi32> to vector<2000x128xi32>
    %slice3A_44 = vector.extract_strided_slice %convert_element_type3A_43 {offsets = [0, 128], sizes = [2000, 128], strides = [1, 1]} : vector<2000x256xi32> to vector<2000x128xi32>
    %shift_left3A = arith.constant 16 : i32
    %shift_left3A_45 = vector.broadcast %shift_left3A : i32 to vector<2000x128xi32>
    %shift_left3A_46 = arith.shli %slice3A_44, %shift_left3A_45 : vector<2000x128xi32>
    %or3A = arith.ori %slice3A, %shift_left3A_46 : vector<2000x128xi32>
    %swap3A_47 = arith.constant 0 : index
    %swap3A_48 = arith.constant 0 : index
    %swap3A_49 = vector.load %arg13[%swap3A_47, %swap3A_48] : memref<2000x128xi32, #tpu.memory_space<vmem>>, vector<2000x128xi32>
    tpu.vector_store %arg13[%swap3A_47, %swap3A_48], %or3A {strides = array<i32>} : memref<2000x128xi32, #tpu.memory_space<vmem>>, vector<2000x128xi32>,
    %get3A_50 = arith.constant 0 : index
    %get3A_51 = arith.constant 0 : index
    %get3A_52 = vector.load %arg10[%get3A_50, %get3A_51] : memref<128x128xf32, #tpu.memory_space<vmem>>, vector<128x128xf32>
    %dot_general3A_53 = arith.constant dense<0.000000e+00> : vector<16x128xf32>
    %dot_general3A_54 = tpu.matmul %get3A_5, %get3A_52, %dot_general3A_53 {dimension_numbers = #tpu.dot_dimension_numbers<[1], [0], [0], [1], [0, 0, 1, 1], [], []>, transpose_lhs_hint = false} : vector<16x128xf32>, vector<128x128xf32>, vector<16x128xf32> -> vector<16x128xf32>
    %dot_general3A_55 = arith.constant dense<0.000000e+00> : vector<2000x128xf32>
    %dot_general3A_56 = tpu.matmul %convert_element_type3A_2, %dot_general3A_54, %dot_general3A_55 {dimension_numbers = #tpu.dot_dimension_numbers<[1], [0], [0], [1], [0, 0, 1, 1], [], []>, transpose_lhs_hint = false} : vector<2000x16xf32>, vector<16x128xf32>, vector<2000x128xf32> -> vector<2000x128xf32>
    %get3A_57 = arith.constant 0 : index
    %get3A_58 = arith.constant 0 : index
    %get3A_59 = vector.load %arg11[%get3A_57, %get3A_58] : memref<1x128xf32, #tpu.memory_space<vmem>>, vector<1x128xf32>
    %add3A_60 = vector.broadcast %get3A_59 : vector<1x128xf32> to vector<2000x128xf32>
    %add3A_61 = arith.addf %dot_general3A_56, %add3A_60 : vector<2000x128xf32>
    %swap3A_62 = arith.constant 0 : index
    %swap3A_63 = arith.constant 0 : index
    %swap3A_64 = vector.load %arg14[%swap3A_62, %swap3A_63] : memref<2000x128xf32, #tpu.memory_space<vmem>>, vector<2000x128xf32>
    tpu.vector_store %arg14[%swap3A_62, %swap3A_63], %add3A_61 {strides = array<i32>} : memref<2000x128xf32, #tpu.memory_space<vmem>>, vector<2000x128xf32>,
    return
  }
  func.func @transform_0(%arg0: i32) -> (i32, i32) {
    %c0_i32 = arith.constant 0 : i32
    %c0_i32_0 = arith.constant 0 : i32
    return %arg0, %c0_i32 : i32, i32
  }
  func.func @transform_1(%arg0: i32) -> (i32, i32) {
    %c0_i32 = arith.constant 0 : i32
    %c0_i32_0 = arith.constant 0 : i32
    return %arg0, %c0_i32 : i32, i32
  }
  func.func @transform_2(%arg0: i32) -> (i32, i32) {
    %c0_i32 = arith.constant 0 : i32
    %c0_i32_0 = arith.constant 0 : i32
    %c0_i32_1 = arith.constant 0 : i32
    return %c0_i32, %c0_i32_0 : i32, i32
  }
  func.func @transform_3(%arg0: i32) -> (i32, i32) {
    %c0_i32 = arith.constant 0 : i32
    %c0_i32_0 = arith.constant 0 : i32
    %c0_i32_1 = arith.constant 0 : i32
    return %c0_i32, %c0_i32_0 : i32, i32
  }
  func.func @transform_4(%arg0: i32) -> (i32, i32) {
    %c0_i32 = arith.constant 0 : i32
    %c0_i32_0 = arith.constant 0 : i32
    %c0_i32_1 = arith.constant 0 : i32
    return %c0_i32, %c0_i32_0 : i32, i32
  }
  func.func @transform_5(%arg0: i32) -> (i32, i32) {
    %c0_i32 = arith.constant 0 : i32
    %c0_i32_0 = arith.constant 0 : i32
    %c0_i32_1 = arith.constant 0 : i32
    return %c0_i32, %c0_i32_0 : i32, i32
  }
  func.func @transform_6(%arg0: i32) -> (i32, i32) {
    %c0_i32 = arith.constant 0 : i32
    %c0_i32_0 = arith.constant 0 : i32
    %c0_i32_1 = arith.constant 0 : i32
    return %c0_i32, %c0_i32_0 : i32, i32
  }
  func.func @transform_7(%arg0: i32) -> (i32, i32) {
    %c0_i32 = arith.constant 0 : i32
    %c0_i32_0 = arith.constant 0 : i32
    %c0_i32_1 = arith.constant 0 : i32
    return %c0_i32, %c0_i32_0 : i32, i32
  }
  func.func @transform_8(%arg0: i32) -> (i32, i32) {
    %c0_i32 = arith.constant 0 : i32
    %c0_i32_0 = arith.constant 0 : i32
    %c0_i32_1 = arith.constant 0 : i32
    return %c0_i32, %c0_i32_0 : i32, i32
  }
  func.func @transform_9(%arg0: i32) -> (i32, i32) {
    %c0_i32 = arith.constant 0 : i32
    %c0_i32_0 = arith.constant 0 : i32
    %c0_i32_1 = arith.constant 0 : i32
    return %c0_i32, %c0_i32_0 : i32, i32
  }
  func.func @transform_10(%arg0: i32) -> (i32, i32) {
    %c0_i32 = arith.constant 0 : i32
    %c0_i32_0 = arith.constant 0 : i32
    %c0_i32_1 = arith.constant 0 : i32
    return %c0_i32, %c0_i32_0 : i32, i32
  }
  func.func @transform_11(%arg0: i32) -> (i32, i32) {
    %c0_i32 = arith.constant 0 : i32
    %c0_i32_0 = arith.constant 0 : i32
    return %arg0, %c0_i32 : i32, i32
  }
  func.func @transform_12(%arg0: i32) -> (i32, i32) {
    %c0_i32 = arith.constant 0 : i32
    %c0_i32_0 = arith.constant 0 : i32
    return %arg0, %c0_i32 : i32, i32
  }
  func.func @transform_13(%arg0: i32) -> (i32, i32) {
    %c0_i32 = arith.constant 0 : i32
    %c0_i32_0 = arith.constant 0 : i32
    return %arg0, %c0_i32 : i32, i32
  }
}

module attributes {stable_mosaic.version = 14 : i64} {
  func.func @_edge_body(%arg0: i32, %arg1: memref<4000x128xf32, #tpu.memory_space<vmem>>, %arg2: memref<4000x128xi32, #tpu.memory_space<vmem>>, %arg3: memref<4000x16xf32, #tpu.memory_space<vmem>>, %arg4: memref<16x128xf32, #tpu.memory_space<vmem>>, %arg5: memref<128x128xf32, #tpu.memory_space<vmem>>, %arg6: memref<1x128xf32, #tpu.memory_space<vmem>>, %arg7: memref<1x128xf32, #tpu.memory_space<vmem>>, %arg8: memref<1x128xf32, #tpu.memory_space<vmem>>, %arg9: memref<128x128xf32, #tpu.memory_space<vmem>>, %arg10: memref<128x128xf32, #tpu.memory_space<vmem>>, %arg11: memref<1x128xf32, #tpu.memory_space<vmem>>, %arg12: memref<1x128xf32, #tpu.memory_space<vmem>>, %arg13: memref<1x128xf32, #tpu.memory_space<vmem>>, %arg14: memref<4000x128xf32, #tpu.memory_space<vmem>>, %arg15: memref<4000x128xf32, #tpu.memory_space<vmem>>) attributes {dimension_semantics = [#tpu.dimension_semantics<arbitrary>], iteration_bounds = array<i64: 80>, scalar_prefetch = 0 : i64, scratch_operands = 0 : i64, tpu.core_type = #tpu.core_type<tc>, window_params = [{transform_indices = @transform_0, window_bounds = array<i64: 4000, 128>}, {transform_indices = @transform_1, window_bounds = array<i64: 4000, 128>}, {transform_indices = @transform_2, window_bounds = array<i64: 4000, 16>}, {pipeline_mode = #tpu.pipeline_mode<synchronous>, transform_indices = @transform_3, window_bounds = array<i64: 16, 128>}, {pipeline_mode = #tpu.pipeline_mode<synchronous>, transform_indices = @transform_4, window_bounds = array<i64: 128, 128>}, {pipeline_mode = #tpu.pipeline_mode<synchronous>, transform_indices = @transform_5, window_bounds = array<i64: 1, 128>}, {pipeline_mode = #tpu.pipeline_mode<synchronous>, transform_indices = @transform_6, window_bounds = array<i64: 1, 128>}, {pipeline_mode = #tpu.pipeline_mode<synchronous>, transform_indices = @transform_7, window_bounds = array<i64: 1, 128>}, {pipeline_mode = #tpu.pipeline_mode<synchronous>, transform_indices = @transform_8, window_bounds = array<i64: 128, 128>}, {pipeline_mode = #tpu.pipeline_mode<synchronous>, transform_indices = @transform_9, window_bounds = array<i64: 128, 128>}, {pipeline_mode = #tpu.pipeline_mode<synchronous>, transform_indices = @transform_10, window_bounds = array<i64: 1, 128>}, {pipeline_mode = #tpu.pipeline_mode<synchronous>, transform_indices = @transform_11, window_bounds = array<i64: 1, 128>}, {pipeline_mode = #tpu.pipeline_mode<synchronous>, transform_indices = @transform_12, window_bounds = array<i64: 1, 128>}, {transform_indices = @transform_13, window_bounds = array<i64: 4000, 128>}, {transform_indices = @transform_14, window_bounds = array<i64: 4000, 128>}]} {
    %get3A = arith.constant 0 : index
    %get3A_0 = arith.constant 0 : index
    %get3A_1 = vector.load %arg2[%get3A, %get3A_0] : memref<4000x128xi32, #tpu.memory_space<vmem>>, vector<4000x128xi32>
    %shift_left3A = arith.constant 16 : i32
    %shift_left3A_2 = vector.broadcast %shift_left3A : i32 to vector<4000x128xi32>
    %shift_left3A_3 = arith.shli %get3A_1, %shift_left3A_2 : vector<4000x128xi32>
    %bitcast_convert_type3A = tpu.bitcast %shift_left3A_3 : vector<4000x128xi32> -> vector<4000x128xf32>
    %and3A = arith.constant -65536 : i32
    %and3A_4 = vector.broadcast %and3A : i32 to vector<4000x128xi32>
    %and3A_5 = arith.andi %get3A_1, %and3A_4 : vector<4000x128xi32>
    %bitcast_convert_type3A_6 = tpu.bitcast %and3A_5 : vector<4000x128xi32> -> vector<4000x128xf32>
    %get3A_7 = arith.constant 0 : index
    %get3A_8 = arith.constant 0 : index
    %get3A_9 = vector.load %arg3[%get3A_7, %get3A_8] : memref<4000x16xf32, #tpu.memory_space<vmem>>, vector<4000x16xf32>
    %get3A_10 = arith.constant 0 : index
    %get3A_11 = arith.constant 0 : index
    %get3A_12 = vector.load %arg4[%get3A_10, %get3A_11] : memref<16x128xf32, #tpu.memory_space<vmem>>, vector<16x128xf32>
    %dot_general3A = arith.constant dense<0.000000e+00> : vector<4000x128xf32>
    %dot_general3A_13 = tpu.matmul %get3A_9, %get3A_12, %dot_general3A {dimension_numbers = #tpu.dot_dimension_numbers<[1], [0], [0], [1], [0, 0, 1, 1], [], []>, transpose_lhs_hint = false} : vector<4000x16xf32>, vector<16x128xf32>, vector<4000x128xf32> -> vector<4000x128xf32>
    %get3A_14 = arith.constant 0 : index
    %get3A_15 = arith.constant 0 : index
    %get3A_16 = vector.load %arg1[%get3A_14, %get3A_15] : memref<4000x128xf32, #tpu.memory_space<vmem>>, vector<4000x128xf32>
    %add3A = arith.addf %get3A_16, %bitcast_convert_type3A : vector<4000x128xf32>
    %add3A_17 = arith.addf %add3A, %dot_general3A_13 : vector<4000x128xf32>
    %integer_pow3A = arith.mulf %add3A_17, %add3A_17 : vector<4000x128xf32>
    %integer_pow3A_18 = arith.mulf %add3A_17, %integer_pow3A : vector<4000x128xf32>
    %mul3A = arith.constant 4.471500e-02 : f32
    %mul3A_19 = vector.broadcast %mul3A : f32 to vector<4000x128xf32>
    %mul3A_20 = arith.mulf %mul3A_19, %integer_pow3A_18 : vector<4000x128xf32>
    %add3A_21 = arith.addf %add3A_17, %mul3A_20 : vector<4000x128xf32>
    %mul3A_22 = arith.constant 0.797884583 : f32
    %mul3A_23 = vector.broadcast %mul3A_22 : f32 to vector<4000x128xf32>
    %mul3A_24 = arith.mulf %mul3A_23, %add3A_21 : vector<4000x128xf32>
    %tanh3A = math.tanh %mul3A_24 : vector<4000x128xf32>
    %add3A_25 = arith.constant 1.000000e+00 : f32
    %add3A_26 = vector.broadcast %add3A_25 : f32 to vector<4000x128xf32>
    %add3A_27 = arith.addf %add3A_26, %tanh3A : vector<4000x128xf32>
    %mul3A_28 = arith.constant 5.000000e-01 : f32
    %mul3A_29 = vector.broadcast %mul3A_28 : f32 to vector<4000x128xf32>
    %mul3A_30 = arith.mulf %mul3A_29, %add3A_27 : vector<4000x128xf32>
    %mul3A_31 = arith.mulf %add3A_17, %mul3A_30 : vector<4000x128xf32>
    %get3A_32 = arith.constant 0 : index
    %get3A_33 = arith.constant 0 : index
    %get3A_34 = vector.load %arg5[%get3A_32, %get3A_33] : memref<128x128xf32, #tpu.memory_space<vmem>>, vector<128x128xf32>
    %dot_general3A_35 = arith.constant dense<0.000000e+00> : vector<4000x128xf32>
    %dot_general3A_36 = tpu.matmul %mul3A_31, %get3A_34, %dot_general3A_35 {dimension_numbers = #tpu.dot_dimension_numbers<[1], [0], [0], [1], [0, 0, 1, 1], [], []>, transpose_lhs_hint = false} : vector<4000x128xf32>, vector<128x128xf32>, vector<4000x128xf32> -> vector<4000x128xf32>
    %get3A_37 = arith.constant 0 : index
    %get3A_38 = arith.constant 0 : index
    %get3A_39 = vector.load %arg6[%get3A_37, %get3A_38] : memref<1x128xf32, #tpu.memory_space<vmem>>, vector<1x128xf32>
    %add3A_40 = vector.broadcast %get3A_39 : vector<1x128xf32> to vector<4000x128xf32>
    %add3A_41 = arith.addf %dot_general3A_36, %add3A_40 : vector<4000x128xf32>
    %integer_pow3A_42 = arith.mulf %add3A_41, %add3A_41 : vector<4000x128xf32>
    %integer_pow3A_43 = arith.mulf %add3A_41, %integer_pow3A_42 : vector<4000x128xf32>
    %mul3A_44 = arith.constant 4.471500e-02 : f32
    %mul3A_45 = vector.broadcast %mul3A_44 : f32 to vector<4000x128xf32>
    %mul3A_46 = arith.mulf %mul3A_45, %integer_pow3A_43 : vector<4000x128xf32>
    %add3A_47 = arith.addf %add3A_41, %mul3A_46 : vector<4000x128xf32>
    %mul3A_48 = arith.constant 0.797884583 : f32
    %mul3A_49 = vector.broadcast %mul3A_48 : f32 to vector<4000x128xf32>
    %mul3A_50 = arith.mulf %mul3A_49, %add3A_47 : vector<4000x128xf32>
    %tanh3A_51 = math.tanh %mul3A_50 : vector<4000x128xf32>
    %add3A_52 = arith.constant 1.000000e+00 : f32
    %add3A_53 = vector.broadcast %add3A_52 : f32 to vector<4000x128xf32>
    %add3A_54 = arith.addf %add3A_53, %tanh3A_51 : vector<4000x128xf32>
    %mul3A_55 = arith.constant 5.000000e-01 : f32
    %mul3A_56 = vector.broadcast %mul3A_55 : f32 to vector<4000x128xf32>
    %mul3A_57 = arith.mulf %mul3A_56, %add3A_54 : vector<4000x128xf32>
    %mul3A_58 = arith.mulf %add3A_41, %mul3A_57 : vector<4000x128xf32>
    %add3A_59 = arith.addf %mul3A_58, %mul3A_31 : vector<4000x128xf32>
    %get3A_60 = arith.constant 0 : index
    %get3A_61 = arith.constant 0 : index
    %get3A_62 = vector.load %arg7[%get3A_60, %get3A_61] : memref<1x128xf32, #tpu.memory_space<vmem>>, vector<1x128xf32>
    %get3A_63 = arith.constant 0 : index
    %get3A_64 = arith.constant 0 : index
    %get3A_65 = vector.load %arg8[%get3A_63, %get3A_64] : memref<1x128xf32, #tpu.memory_space<vmem>>, vector<1x128xf32>
    %reduce_sum3A = arith.constant dense<0.000000e+00> : vector<4000xf32>
    %reduce_sum3A_66 = vector.multi_reduction <add>, %add3A_59, %reduce_sum3A [1] : vector<4000x128xf32> to vector<4000xf32>
    %broadcast_in_dim3A = vector.shape_cast %reduce_sum3A_66 : vector<4000xf32> to vector<4000x1xf32>
    %div3A = arith.constant 1.280000e+02 : f32
    %div3A_67 = vector.broadcast %div3A : f32 to vector<4000x1xf32>
    %div3A_68 = arith.divf %broadcast_in_dim3A, %div3A_67 : vector<4000x1xf32>
    %sub3A = vector.broadcast %div3A_68 : vector<4000x1xf32> to vector<4000x128xf32>
    %sub3A_69 = arith.subf %add3A_59, %sub3A : vector<4000x128xf32>
    %integer_pow3A_70 = arith.mulf %sub3A_69, %sub3A_69 : vector<4000x128xf32>
    %reduce_sum3A_71 = arith.constant dense<0.000000e+00> : vector<4000xf32>
    %reduce_sum3A_72 = vector.multi_reduction <add>, %integer_pow3A_70, %reduce_sum3A_71 [1] : vector<4000x128xf32> to vector<4000xf32>
    %broadcast_in_dim3A_73 = vector.shape_cast %reduce_sum3A_72 : vector<4000xf32> to vector<4000x1xf32>
    %div3A_74 = arith.constant 1.280000e+02 : f32
    %div3A_75 = vector.broadcast %div3A_74 : f32 to vector<4000x1xf32>
    %div3A_76 = arith.divf %broadcast_in_dim3A_73, %div3A_75 : vector<4000x1xf32>
    %sub3A_77 = vector.broadcast %div3A_68 : vector<4000x1xf32> to vector<4000x128xf32>
    %sub3A_78 = arith.subf %add3A_59, %sub3A_77 : vector<4000x128xf32>
    %add3A_79 = arith.constant 9.99999974E-6 : f32
    %add3A_80 = vector.broadcast %add3A_79 : f32 to vector<4000x1xf32>
    %add3A_81 = arith.addf %div3A_76, %add3A_80 : vector<4000x1xf32>
    %rsqrt3A = math.rsqrt %add3A_81 : vector<4000x1xf32>
    %mul3A_82 = vector.broadcast %rsqrt3A : vector<4000x1xf32> to vector<4000x128xf32>
    %mul3A_83 = arith.mulf %sub3A_78, %mul3A_82 : vector<4000x128xf32>
    %mul3A_84 = vector.broadcast %get3A_62 : vector<1x128xf32> to vector<4000x128xf32>
    %mul3A_85 = arith.mulf %mul3A_83, %mul3A_84 : vector<4000x128xf32>
    %add3A_86 = vector.broadcast %get3A_65 : vector<1x128xf32> to vector<4000x128xf32>
    %add3A_87 = arith.addf %mul3A_85, %add3A_86 : vector<4000x128xf32>
    %get3A_88 = arith.constant 0 : index
    %get3A_89 = arith.constant 0 : index
    %get3A_90 = vector.load %arg9[%get3A_88, %get3A_89] : memref<128x128xf32, #tpu.memory_space<vmem>>, vector<128x128xf32>
    %dot_general3A_91 = arith.constant dense<0.000000e+00> : vector<4000x128xf32>
    %dot_general3A_92 = tpu.matmul %add3A_87, %get3A_90, %dot_general3A_91 {dimension_numbers = #tpu.dot_dimension_numbers<[1], [0], [0], [1], [0, 0, 1, 1], [], []>, transpose_lhs_hint = false} : vector<4000x128xf32>, vector<128x128xf32>, vector<4000x128xf32> -> vector<4000x128xf32>
    %add3A_93 = arith.addf %bitcast_convert_type3A_6, %dot_general3A_92 : vector<4000x128xf32>
    %integer_pow3A_94 = arith.mulf %add3A_93, %add3A_93 : vector<4000x128xf32>
    %integer_pow3A_95 = arith.mulf %add3A_93, %integer_pow3A_94 : vector<4000x128xf32>
    %mul3A_96 = arith.constant 4.471500e-02 : f32
    %mul3A_97 = vector.broadcast %mul3A_96 : f32 to vector<4000x128xf32>
    %mul3A_98 = arith.mulf %mul3A_97, %integer_pow3A_95 : vector<4000x128xf32>
    %add3A_99 = arith.addf %add3A_93, %mul3A_98 : vector<4000x128xf32>
    %mul3A_100 = arith.constant 0.797884583 : f32
    %mul3A_101 = vector.broadcast %mul3A_100 : f32 to vector<4000x128xf32>
    %mul3A_102 = arith.mulf %mul3A_101, %add3A_99 : vector<4000x128xf32>
    %tanh3A_103 = math.tanh %mul3A_102 : vector<4000x128xf32>
    %add3A_104 = arith.constant 1.000000e+00 : f32
    %add3A_105 = vector.broadcast %add3A_104 : f32 to vector<4000x128xf32>
    %add3A_106 = arith.addf %add3A_105, %tanh3A_103 : vector<4000x128xf32>
    %mul3A_107 = arith.constant 5.000000e-01 : f32
    %mul3A_108 = vector.broadcast %mul3A_107 : f32 to vector<4000x128xf32>
    %mul3A_109 = arith.mulf %mul3A_108, %add3A_106 : vector<4000x128xf32>
    %mul3A_110 = arith.mulf %add3A_93, %mul3A_109 : vector<4000x128xf32>
    %get3A_111 = arith.constant 0 : index
    %get3A_112 = arith.constant 0 : index
    %get3A_113 = vector.load %arg10[%get3A_111, %get3A_112] : memref<128x128xf32, #tpu.memory_space<vmem>>, vector<128x128xf32>
    %dot_general3A_114 = arith.constant dense<0.000000e+00> : vector<4000x128xf32>
    %dot_general3A_115 = tpu.matmul %mul3A_110, %get3A_113, %dot_general3A_114 {dimension_numbers = #tpu.dot_dimension_numbers<[1], [0], [0], [1], [0, 0, 1, 1], [], []>, transpose_lhs_hint = false} : vector<4000x128xf32>, vector<128x128xf32>, vector<4000x128xf32> -> vector<4000x128xf32>
    %get3A_116 = arith.constant 0 : index
    %get3A_117 = arith.constant 0 : index
    %get3A_118 = vector.load %arg11[%get3A_116, %get3A_117] : memref<1x128xf32, #tpu.memory_space<vmem>>, vector<1x128xf32>
    %add3A_119 = vector.broadcast %get3A_118 : vector<1x128xf32> to vector<4000x128xf32>
    %add3A_120 = arith.addf %dot_general3A_115, %add3A_119 : vector<4000x128xf32>
    %integer_pow3A_121 = arith.mulf %add3A_120, %add3A_120 : vector<4000x128xf32>
    %integer_pow3A_122 = arith.mulf %add3A_120, %integer_pow3A_121 : vector<4000x128xf32>
    %mul3A_123 = arith.constant 4.471500e-02 : f32
    %mul3A_124 = vector.broadcast %mul3A_123 : f32 to vector<4000x128xf32>
    %mul3A_125 = arith.mulf %mul3A_124, %integer_pow3A_122 : vector<4000x128xf32>
    %add3A_126 = arith.addf %add3A_120, %mul3A_125 : vector<4000x128xf32>
    %mul3A_127 = arith.constant 0.797884583 : f32
    %mul3A_128 = vector.broadcast %mul3A_127 : f32 to vector<4000x128xf32>
    %mul3A_129 = arith.mulf %mul3A_128, %add3A_126 : vector<4000x128xf32>
    %tanh3A_130 = math.tanh %mul3A_129 : vector<4000x128xf32>
    %add3A_131 = arith.constant 1.000000e+00 : f32
    %add3A_132 = vector.broadcast %add3A_131 : f32 to vector<4000x128xf32>
    %add3A_133 = arith.addf %add3A_132, %tanh3A_130 : vector<4000x128xf32>
    %mul3A_134 = arith.constant 5.000000e-01 : f32
    %mul3A_135 = vector.broadcast %mul3A_134 : f32 to vector<4000x128xf32>
    %mul3A_136 = arith.mulf %mul3A_135, %add3A_133 : vector<4000x128xf32>
    %mul3A_137 = arith.mulf %add3A_120, %mul3A_136 : vector<4000x128xf32>
    %swap3A = arith.constant 0 : index
    %swap3A_138 = arith.constant 0 : index
    %swap3A_139 = vector.load %arg14[%swap3A, %swap3A_138] : memref<4000x128xf32, #tpu.memory_space<vmem>>, vector<4000x128xf32>
    tpu.vector_store %arg14[%swap3A, %swap3A_138], %add3A_87 {strides = array<i32>} : memref<4000x128xf32, #tpu.memory_space<vmem>>, vector<4000x128xf32>,
    %add3A_140 = arith.addf %mul3A_137, %mul3A_110 : vector<4000x128xf32>
    %get3A_141 = arith.constant 0 : index
    %get3A_142 = arith.constant 0 : index
    %get3A_143 = vector.load %arg12[%get3A_141, %get3A_142] : memref<1x128xf32, #tpu.memory_space<vmem>>, vector<1x128xf32>
    %get3A_144 = arith.constant 0 : index
    %get3A_145 = arith.constant 0 : index
    %get3A_146 = vector.load %arg13[%get3A_144, %get3A_145] : memref<1x128xf32, #tpu.memory_space<vmem>>, vector<1x128xf32>
    %reduce_sum3A_147 = arith.constant dense<0.000000e+00> : vector<4000xf32>
    %reduce_sum3A_148 = vector.multi_reduction <add>, %add3A_140, %reduce_sum3A_147 [1] : vector<4000x128xf32> to vector<4000xf32>
    %broadcast_in_dim3A_149 = vector.shape_cast %reduce_sum3A_148 : vector<4000xf32> to vector<4000x1xf32>
    %div3A_150 = arith.constant 1.280000e+02 : f32
    %div3A_151 = vector.broadcast %div3A_150 : f32 to vector<4000x1xf32>
    %div3A_152 = arith.divf %broadcast_in_dim3A_149, %div3A_151 : vector<4000x1xf32>
    %sub3A_153 = vector.broadcast %div3A_152 : vector<4000x1xf32> to vector<4000x128xf32>
    %sub3A_154 = arith.subf %add3A_140, %sub3A_153 : vector<4000x128xf32>
    %integer_pow3A_155 = arith.mulf %sub3A_154, %sub3A_154 : vector<4000x128xf32>
    %reduce_sum3A_156 = arith.constant dense<0.000000e+00> : vector<4000xf32>
    %reduce_sum3A_157 = vector.multi_reduction <add>, %integer_pow3A_155, %reduce_sum3A_156 [1] : vector<4000x128xf32> to vector<4000xf32>
    %broadcast_in_dim3A_158 = vector.shape_cast %reduce_sum3A_157 : vector<4000xf32> to vector<4000x1xf32>
    %div3A_159 = arith.constant 1.280000e+02 : f32
    %div3A_160 = vector.broadcast %div3A_159 : f32 to vector<4000x1xf32>
    %div3A_161 = arith.divf %broadcast_in_dim3A_158, %div3A_160 : vector<4000x1xf32>
    %sub3A_162 = vector.broadcast %div3A_152 : vector<4000x1xf32> to vector<4000x128xf32>
    %sub3A_163 = arith.subf %add3A_140, %sub3A_162 : vector<4000x128xf32>
    %add3A_164 = arith.constant 9.99999974E-6 : f32
    %add3A_165 = vector.broadcast %add3A_164 : f32 to vector<4000x1xf32>
    %add3A_166 = arith.addf %div3A_161, %add3A_165 : vector<4000x1xf32>
    %rsqrt3A_167 = math.rsqrt %add3A_166 : vector<4000x1xf32>
    %mul3A_168 = vector.broadcast %rsqrt3A_167 : vector<4000x1xf32> to vector<4000x128xf32>
    %mul3A_169 = arith.mulf %sub3A_163, %mul3A_168 : vector<4000x128xf32>
    %mul3A_170 = vector.broadcast %get3A_143 : vector<1x128xf32> to vector<4000x128xf32>
    %mul3A_171 = arith.mulf %mul3A_169, %mul3A_170 : vector<4000x128xf32>
    %add3A_172 = vector.broadcast %get3A_146 : vector<1x128xf32> to vector<4000x128xf32>
    %add3A_173 = arith.addf %mul3A_171, %add3A_172 : vector<4000x128xf32>
    %swap3A_174 = arith.constant 0 : index
    %swap3A_175 = arith.constant 0 : index
    %swap3A_176 = vector.load %arg15[%swap3A_174, %swap3A_175] : memref<4000x128xf32, #tpu.memory_space<vmem>>, vector<4000x128xf32>
    tpu.vector_store %arg15[%swap3A_174, %swap3A_175], %add3A_173 {strides = array<i32>} : memref<4000x128xf32, #tpu.memory_space<vmem>>, vector<4000x128xf32>,
    return
  }
  func.func @transform_0(%arg0: i32) -> (i32, i32) {
    %c0_i32 = arith.constant 0 : i32
    %c0_i32_0 = arith.constant 0 : i32
    return %arg0, %c0_i32 : i32, i32
  }
  func.func @transform_1(%arg0: i32) -> (i32, i32) {
    %c0_i32 = arith.constant 0 : i32
    %c0_i32_0 = arith.constant 0 : i32
    return %arg0, %c0_i32 : i32, i32
  }
  func.func @transform_2(%arg0: i32) -> (i32, i32) {
    %c0_i32 = arith.constant 0 : i32
    %c0_i32_0 = arith.constant 0 : i32
    return %arg0, %c0_i32 : i32, i32
  }
  func.func @transform_3(%arg0: i32) -> (i32, i32) {
    %c0_i32 = arith.constant 0 : i32
    %c0_i32_0 = arith.constant 0 : i32
    %c0_i32_1 = arith.constant 0 : i32
    return %c0_i32, %c0_i32_0 : i32, i32
  }
  func.func @transform_4(%arg0: i32) -> (i32, i32) {
    %c0_i32 = arith.constant 0 : i32
    %c0_i32_0 = arith.constant 0 : i32
    %c0_i32_1 = arith.constant 0 : i32
    return %c0_i32, %c0_i32_0 : i32, i32
  }
  func.func @transform_5(%arg0: i32) -> (i32, i32) {
    %c0_i32 = arith.constant 0 : i32
    %c0_i32_0 = arith.constant 0 : i32
    %c0_i32_1 = arith.constant 0 : i32
    return %c0_i32, %c0_i32_0 : i32, i32
  }
  func.func @transform_6(%arg0: i32) -> (i32, i32) {
    %c0_i32 = arith.constant 0 : i32
    %c0_i32_0 = arith.constant 0 : i32
    %c0_i32_1 = arith.constant 0 : i32
    return %c0_i32, %c0_i32_0 : i32, i32
  }
  func.func @transform_7(%arg0: i32) -> (i32, i32) {
    %c0_i32 = arith.constant 0 : i32
    %c0_i32_0 = arith.constant 0 : i32
    %c0_i32_1 = arith.constant 0 : i32
    return %c0_i32, %c0_i32_0 : i32, i32
  }
  func.func @transform_8(%arg0: i32) -> (i32, i32) {
    %c0_i32 = arith.constant 0 : i32
    %c0_i32_0 = arith.constant 0 : i32
    %c0_i32_1 = arith.constant 0 : i32
    return %c0_i32, %c0_i32_0 : i32, i32
  }
  func.func @transform_9(%arg0: i32) -> (i32, i32) {
    %c0_i32 = arith.constant 0 : i32
    %c0_i32_0 = arith.constant 0 : i32
    %c0_i32_1 = arith.constant 0 : i32
    return %c0_i32, %c0_i32_0 : i32, i32
  }
  func.func @transform_10(%arg0: i32) -> (i32, i32) {
    %c0_i32 = arith.constant 0 : i32
    %c0_i32_0 = arith.constant 0 : i32
    %c0_i32_1 = arith.constant 0 : i32
    return %c0_i32, %c0_i32_0 : i32, i32
  }
  func.func @transform_11(%arg0: i32) -> (i32, i32) {
    %c0_i32 = arith.constant 0 : i32
    %c0_i32_0 = arith.constant 0 : i32
    %c0_i32_1 = arith.constant 0 : i32
    return %c0_i32, %c0_i32_0 : i32, i32
  }
  func.func @transform_12(%arg0: i32) -> (i32, i32) {
    %c0_i32 = arith.constant 0 : i32
    %c0_i32_0 = arith.constant 0 : i32
    %c0_i32_1 = arith.constant 0 : i32
    return %c0_i32, %c0_i32_0 : i32, i32
  }
  func.func @transform_13(%arg0: i32) -> (i32, i32) {
    %c0_i32 = arith.constant 0 : i32
    %c0_i32_0 = arith.constant 0 : i32
    return %arg0, %c0_i32 : i32, i32
  }
  func.func @transform_14(%arg0: i32) -> (i32, i32) {
    %c0_i32 = arith.constant 0 : i32
    %c0_i32_0 = arith.constant 0 : i32
    return %arg0, %c0_i32 : i32, i32
  }
}

module attributes {stable_mosaic.version = 14 : i64} {
  func.func @_post_body(%arg0: memref<10240x128xf32, #tpu.memory_space<vmem>>, %arg1: memref<10240x128xf32, #tpu.memory_space<vmem>>, %arg2: memref<10000x128xf32, #tpu.memory_space<vmem>>, %arg3: memref<10000x16xi32, #tpu.memory_space<vmem>>, %arg4: memref<16x128xf32, #tpu.memory_space<vmem>>, %arg5: memref<128x128xf32, #tpu.memory_space<vmem>>, %arg6: memref<128x128xf32, #tpu.memory_space<vmem>>, %arg7: memref<1x128xf32, #tpu.memory_space<vmem>>, %arg8: memref<1x128xf32, #tpu.memory_space<vmem>>, %arg9: memref<1x128xf32, #tpu.memory_space<vmem>>, %arg10: memref<128x128xf32, #tpu.memory_space<vmem>>, %arg11: memref<128x128xf32, #tpu.memory_space<vmem>>, %arg12: memref<1x128xf32, #tpu.memory_space<vmem>>, %arg13: memref<128x128xf32, #tpu.memory_space<vmem>>, %arg14: memref<1x128xf32, #tpu.memory_space<vmem>>, %arg15: memref<1x128xf32, #tpu.memory_space<vmem>>, %arg16: memref<1x128xf32, #tpu.memory_space<vmem>>, %arg17: memref<10000x128xf32, #tpu.memory_space<vmem>>, %arg18: memref<16x128xf32, #tpu.memory_space<vmem>>) attributes {dimension_semantics = [], scalar_prefetch = 0 : i64, scratch_operands = 0 : i64, tpu.core_type = #tpu.core_type<tc>} {
    %get3A = arith.constant 0 : index
    %get3A_0 = arith.constant 0 : index
    %get3A_1 = vector.load %arg0[%get3A, %get3A_0] : memref<10240x128xf32, #tpu.memory_space<vmem>>, vector<10000x128xf32>
    %get3A_2 = arith.constant 0 : index
    %get3A_3 = arith.constant 0 : index
    %get3A_4 = vector.load %arg1[%get3A_2, %get3A_3] : memref<10240x128xf32, #tpu.memory_space<vmem>>, vector<10000x1xf32>
    %max3A = arith.constant 1.000000e+00 : f32
    %max3A_5 = vector.broadcast %max3A : f32 to vector<10000x1xf32>
    %max3A_6 = arith.maximumf %get3A_4, %max3A_5 : vector<10000x1xf32>
    %div3A = arith.constant 1.000000e+00 : f32
    %div3A_7 = vector.broadcast %div3A : f32 to vector<10000x1xf32>
    %div3A_8 = arith.divf %div3A_7, %max3A_6 : vector<10000x1xf32>
    %mul3A = vector.broadcast %div3A_8 : vector<10000x1xf32> to vector<10000x128xf32>
    %mul3A_9 = arith.mulf %get3A_1, %mul3A : vector<10000x128xf32>
    %get3A_10 = arith.constant 0 : index
    %get3A_11 = arith.constant 0 : index
    %get3A_12 = vector.load %arg5[%get3A_10, %get3A_11] : memref<128x128xf32, #tpu.memory_space<vmem>>, vector<128x128xf32>
    %dot_general3A = arith.constant dense<0.000000e+00> : vector<10000x128xf32>
    %dot_general3A_13 = tpu.matmul %mul3A_9, %get3A_12, %dot_general3A {dimension_numbers = #tpu.dot_dimension_numbers<[1], [0], [0], [1], [0, 0, 1, 1], [], []>, transpose_lhs_hint = false} : vector<10000x128xf32>, vector<128x128xf32>, vector<10000x128xf32> -> vector<10000x128xf32>
    %get3A_14 = arith.constant 0 : index
    %get3A_15 = arith.constant 0 : index
    %get3A_16 = vector.load %arg2[%get3A_14, %get3A_15] : memref<10000x128xf32, #tpu.memory_space<vmem>>, vector<10000x128xf32>
    %add3A = arith.addf %dot_general3A_13, %get3A_16 : vector<10000x128xf32>
    %integer_pow3A = arith.mulf %add3A, %add3A : vector<10000x128xf32>
    %integer_pow3A_17 = arith.mulf %add3A, %integer_pow3A : vector<10000x128xf32>
    %mul3A_18 = arith.constant 4.471500e-02 : f32
    %mul3A_19 = vector.broadcast %mul3A_18 : f32 to vector<10000x128xf32>
    %mul3A_20 = arith.mulf %mul3A_19, %integer_pow3A_17 : vector<10000x128xf32>
    %add3A_21 = arith.addf %add3A, %mul3A_20 : vector<10000x128xf32>
    %mul3A_22 = arith.constant 0.797884583 : f32
    %mul3A_23 = vector.broadcast %mul3A_22 : f32 to vector<10000x128xf32>
    %mul3A_24 = arith.mulf %mul3A_23, %add3A_21 : vector<10000x128xf32>
    %tanh3A = math.tanh %mul3A_24 : vector<10000x128xf32>
    %add3A_25 = arith.constant 1.000000e+00 : f32
    %add3A_26 = vector.broadcast %add3A_25 : f32 to vector<10000x128xf32>
    %add3A_27 = arith.addf %add3A_26, %tanh3A : vector<10000x128xf32>
    %mul3A_28 = arith.constant 5.000000e-01 : f32
    %mul3A_29 = vector.broadcast %mul3A_28 : f32 to vector<10000x128xf32>
    %mul3A_30 = arith.mulf %mul3A_29, %add3A_27 : vector<10000x128xf32>
    %mul3A_31 = arith.mulf %add3A, %mul3A_30 : vector<10000x128xf32>
    %get3A_32 = arith.constant 0 : index
    %get3A_33 = arith.constant 0 : index
    %get3A_34 = vector.load %arg6[%get3A_32, %get3A_33] : memref<128x128xf32, #tpu.memory_space<vmem>>, vector<128x128xf32>
    %dot_general3A_35 = arith.constant dense<0.000000e+00> : vector<10000x128xf32>
    %dot_general3A_36 = tpu.matmul %mul3A_31, %get3A_34, %dot_general3A_35 {dimension_numbers = #tpu.dot_dimension_numbers<[1], [0], [0], [1], [0, 0, 1, 1], [], []>, transpose_lhs_hint = false} : vector<10000x128xf32>, vector<128x128xf32>, vector<10000x128xf32> -> vector<10000x128xf32>
    %get3A_37 = arith.constant 0 : index
    %get3A_38 = arith.constant 0 : index
    %get3A_39 = vector.load %arg7[%get3A_37, %get3A_38] : memref<1x128xf32, #tpu.memory_space<vmem>>, vector<1x128xf32>
    %add3A_40 = vector.broadcast %get3A_39 : vector<1x128xf32> to vector<10000x128xf32>
    %add3A_41 = arith.addf %dot_general3A_36, %add3A_40 : vector<10000x128xf32>
    %integer_pow3A_42 = arith.mulf %add3A_41, %add3A_41 : vector<10000x128xf32>
    %integer_pow3A_43 = arith.mulf %add3A_41, %integer_pow3A_42 : vector<10000x128xf32>
    %mul3A_44 = arith.constant 4.471500e-02 : f32
    %mul3A_45 = vector.broadcast %mul3A_44 : f32 to vector<10000x128xf32>
    %mul3A_46 = arith.mulf %mul3A_45, %integer_pow3A_43 : vector<10000x128xf32>
    %add3A_47 = arith.addf %add3A_41, %mul3A_46 : vector<10000x128xf32>
    %mul3A_48 = arith.constant 0.797884583 : f32
    %mul3A_49 = vector.broadcast %mul3A_48 : f32 to vector<10000x128xf32>
    %mul3A_50 = arith.mulf %mul3A_49, %add3A_47 : vector<10000x128xf32>
    %tanh3A_51 = math.tanh %mul3A_50 : vector<10000x128xf32>
    %add3A_52 = arith.constant 1.000000e+00 : f32
    %add3A_53 = vector.broadcast %add3A_52 : f32 to vector<10000x128xf32>
    %add3A_54 = arith.addf %add3A_53, %tanh3A_51 : vector<10000x128xf32>
    %mul3A_55 = arith.constant 5.000000e-01 : f32
    %mul3A_56 = vector.broadcast %mul3A_55 : f32 to vector<10000x128xf32>
    %mul3A_57 = arith.mulf %mul3A_56, %add3A_54 : vector<10000x128xf32>
    %mul3A_58 = arith.mulf %add3A_41, %mul3A_57 : vector<10000x128xf32>
    %add3A_59 = arith.addf %mul3A_58, %mul3A_31 : vector<10000x128xf32>
    %get3A_60 = arith.constant 0 : index
    %get3A_61 = arith.constant 0 : index
    %get3A_62 = vector.load %arg8[%get3A_60, %get3A_61] : memref<1x128xf32, #tpu.memory_space<vmem>>, vector<1x128xf32>
    %get3A_63 = arith.constant 0 : index
    %get3A_64 = arith.constant 0 : index
    %get3A_65 = vector.load %arg9[%get3A_63, %get3A_64] : memref<1x128xf32, #tpu.memory_space<vmem>>, vector<1x128xf32>
    %reduce_sum3A = arith.constant dense<0.000000e+00> : vector<10000xf32>
    %reduce_sum3A_66 = vector.multi_reduction <add>, %add3A_59, %reduce_sum3A [1] : vector<10000x128xf32> to vector<10000xf32>
    %broadcast_in_dim3A = vector.shape_cast %reduce_sum3A_66 : vector<10000xf32> to vector<10000x1xf32>
    %div3A_67 = arith.constant 1.280000e+02 : f32
    %div3A_68 = vector.broadcast %div3A_67 : f32 to vector<10000x1xf32>
    %div3A_69 = arith.divf %broadcast_in_dim3A, %div3A_68 : vector<10000x1xf32>
    %sub3A = vector.broadcast %div3A_69 : vector<10000x1xf32> to vector<10000x128xf32>
    %sub3A_70 = arith.subf %add3A_59, %sub3A : vector<10000x128xf32>
    %integer_pow3A_71 = arith.mulf %sub3A_70, %sub3A_70 : vector<10000x128xf32>
    %reduce_sum3A_72 = arith.constant dense<0.000000e+00> : vector<10000xf32>
    %reduce_sum3A_73 = vector.multi_reduction <add>, %integer_pow3A_71, %reduce_sum3A_72 [1] : vector<10000x128xf32> to vector<10000xf32>
    %broadcast_in_dim3A_74 = vector.shape_cast %reduce_sum3A_73 : vector<10000xf32> to vector<10000x1xf32>
    %div3A_75 = arith.constant 1.280000e+02 : f32
    %div3A_76 = vector.broadcast %div3A_75 : f32 to vector<10000x1xf32>
    %div3A_77 = arith.divf %broadcast_in_dim3A_74, %div3A_76 : vector<10000x1xf32>
    %sub3A_78 = vector.broadcast %div3A_69 : vector<10000x1xf32> to vector<10000x128xf32>
    %sub3A_79 = arith.subf %add3A_59, %sub3A_78 : vector<10000x128xf32>
    %add3A_80 = arith.constant 9.99999974E-6 : f32
    %add3A_81 = vector.broadcast %add3A_80 : f32 to vector<10000x1xf32>
    %add3A_82 = arith.addf %div3A_77, %add3A_81 : vector<10000x1xf32>
    %rsqrt3A = math.rsqrt %add3A_82 : vector<10000x1xf32>
    %mul3A_83 = vector.broadcast %rsqrt3A : vector<10000x1xf32> to vector<10000x128xf32>
    %mul3A_84 = arith.mulf %sub3A_79, %mul3A_83 : vector<10000x128xf32>
    %mul3A_85 = vector.broadcast %get3A_62 : vector<1x128xf32> to vector<10000x128xf32>
    %mul3A_86 = arith.mulf %mul3A_84, %mul3A_85 : vector<10000x128xf32>
    %add3A_87 = vector.broadcast %get3A_65 : vector<1x128xf32> to vector<10000x128xf32>
    %add3A_88 = arith.addf %mul3A_86, %add3A_87 : vector<10000x128xf32>
    %swap3A = arith.constant 0 : index
    %swap3A_89 = arith.constant 0 : index
    %swap3A_90 = vector.load %arg17[%swap3A, %swap3A_89] : memref<10000x128xf32, #tpu.memory_space<vmem>>, vector<10000x128xf32>
    tpu.vector_store %arg17[%swap3A, %swap3A_89], %add3A_88 {strides = array<i32>} : memref<10000x128xf32, #tpu.memory_space<vmem>>, vector<10000x128xf32>,
    %get3A_91 = arith.constant 0 : index
    %get3A_92 = arith.constant 0 : index
    %get3A_93 = vector.load %arg3[%get3A_91, %get3A_92] : memref<10000x16xi32, #tpu.memory_space<vmem>>, vector<10000x16xi32>
    %iota3A = tpu.iota {dimensions = array<i32: 1>} : vector<10000x16xi32>
    %eq3A = arith.cmpi eq, %get3A_93, %iota3A : vector<10000x16xi32>
    %convert_element_type3A = arith.extui %eq3A : vector<10000x16xi1> to vector<10000x16xi32>
    %convert_element_type3A_94 = arith.sitofp %convert_element_type3A : vector<10000x16xi32> to vector<10000x16xf32>
    %reduce_sum3A_95 = arith.constant dense<0.000000e+00> : vector<16xf32>
    %reduce_sum3A_96 = vector.multi_reduction <add>, %convert_element_type3A_94, %reduce_sum3A_95 [0] : vector<10000x16xf32> to vector<16xf32>
    %broadcast_in_dim3A_97 = vector.shape_cast %reduce_sum3A_96 : vector<16xf32> to vector<1x16xf32>
    %max3A_98 = arith.constant 1.000000e+00 : f32
    %max3A_99 = vector.broadcast %max3A_98 : f32 to vector<1x16xf32>
    %max3A_100 = arith.maximumf %broadcast_in_dim3A_97, %max3A_99 : vector<1x16xf32>
    %div3A_101 = arith.constant 1.000000e+00 : f32
    %div3A_102 = vector.broadcast %div3A_101 : f32 to vector<1x16xf32>
    %div3A_103 = arith.divf %div3A_102, %max3A_100 : vector<1x16xf32>
    %mul3A_104 = vector.broadcast %div3A_103 : vector<1x16xf32> to vector<10000x16xf32>
    %mul3A_105 = arith.mulf %convert_element_type3A_94, %mul3A_104 : vector<10000x16xf32>
    %dot_general3A_106 = arith.constant dense<0.000000e+00> : vector<16x128xf32>
    %dot_general3A_107 = tpu.matmul %mul3A_105, %add3A_88, %dot_general3A_106 {dimension_numbers = #tpu.dot_dimension_numbers<[0], [0], [1], [1], [0, 1, 1, 1], [], []>, transpose_lhs_hint = false} : vector<10000x16xf32>, vector<10000x128xf32>, vector<16x128xf32> -> vector<16x128xf32>
    %get3A_108 = arith.constant 0 : index
    %get3A_109 = arith.constant 0 : index
    %get3A_110 = vector.load %arg4[%get3A_108, %get3A_109] : memref<16x128xf32, #tpu.memory_space<vmem>>, vector<16x128xf32>
    %get3A_111 = arith.constant 0 : index
    %get3A_112 = arith.constant 0 : index
    %get3A_113 = vector.load %arg10[%get3A_111, %get3A_112] : memref<128x128xf32, #tpu.memory_space<vmem>>, vector<128x128xf32>
    %dot_general3A_114 = arith.constant dense<0.000000e+00> : vector<16x128xf32>
    %dot_general3A_115 = tpu.matmul %get3A_110, %get3A_113, %dot_general3A_114 {dimension_numbers = #tpu.dot_dimension_numbers<[1], [0], [0], [1], [0, 0, 1, 1], [], []>, transpose_lhs_hint = false} : vector<16x128xf32>, vector<128x128xf32>, vector<16x128xf32> -> vector<16x128xf32>
    %get3A_116 = arith.constant 0 : index
    %get3A_117 = arith.constant 0 : index
    %get3A_118 = vector.load %arg11[%get3A_116, %get3A_117] : memref<128x128xf32, #tpu.memory_space<vmem>>, vector<128x128xf32>
    %dot_general3A_119 = arith.constant dense<0.000000e+00> : vector<16x128xf32>
    %dot_general3A_120 = tpu.matmul %dot_general3A_107, %get3A_118, %dot_general3A_119 {dimension_numbers = #tpu.dot_dimension_numbers<[1], [0], [0], [1], [0, 0, 1, 1], [], []>, transpose_lhs_hint = false} : vector<16x128xf32>, vector<128x128xf32>, vector<16x128xf32> -> vector<16x128xf32>
    %add3A_121 = arith.addf %dot_general3A_115, %dot_general3A_120 : vector<16x128xf32>
    %get3A_122 = arith.constant 0 : index
    %get3A_123 = arith.constant 0 : index
    %get3A_124 = vector.load %arg12[%get3A_122, %get3A_123] : memref<1x128xf32, #tpu.memory_space<vmem>>, vector<1x128xf32>
    %add3A_125 = vector.broadcast %get3A_124 : vector<1x128xf32> to vector<16x128xf32>
    %add3A_126 = arith.addf %add3A_121, %add3A_125 : vector<16x128xf32>
    %integer_pow3A_127 = arith.mulf %add3A_126, %add3A_126 : vector<16x128xf32>
    %integer_pow3A_128 = arith.mulf %add3A_126, %integer_pow3A_127 : vector<16x128xf32>
    %mul3A_129 = arith.constant 4.471500e-02 : f32
    %mul3A_130 = vector.broadcast %mul3A_129 : f32 to vector<16x128xf32>
    %mul3A_131 = arith.mulf %mul3A_130, %integer_pow3A_128 : vector<16x128xf32>
    %add3A_132 = arith.addf %add3A_126, %mul3A_131 : vector<16x128xf32>
    %mul3A_133 = arith.constant 0.797884583 : f32
    %mul3A_134 = vector.broadcast %mul3A_133 : f32 to vector<16x128xf32>
    %mul3A_135 = arith.mulf %mul3A_134, %add3A_132 : vector<16x128xf32>
    %tanh3A_136 = math.tanh %mul3A_135 : vector<16x128xf32>
    %add3A_137 = arith.constant 1.000000e+00 : f32
    %add3A_138 = vector.broadcast %add3A_137 : f32 to vector<16x128xf32>
    %add3A_139 = arith.addf %add3A_138, %tanh3A_136 : vector<16x128xf32>
    %mul3A_140 = arith.constant 5.000000e-01 : f32
    %mul3A_141 = vector.broadcast %mul3A_140 : f32 to vector<16x128xf32>
    %mul3A_142 = arith.mulf %mul3A_141, %add3A_139 : vector<16x128xf32>
    %mul3A_143 = arith.mulf %add3A_126, %mul3A_142 : vector<16x128xf32>
    %get3A_144 = arith.constant 0 : index
    %get3A_145 = arith.constant 0 : index
    %get3A_146 = vector.load %arg13[%get3A_144, %get3A_145] : memref<128x128xf32, #tpu.memory_space<vmem>>, vector<128x128xf32>
    %dot_general3A_147 = arith.constant dense<0.000000e+00> : vector<16x128xf32>
    %dot_general3A_148 = tpu.matmul %mul3A_143, %get3A_146, %dot_general3A_147 {dimension_numbers = #tpu.dot_dimension_numbers<[1], [0], [0], [1], [0, 0, 1, 1], [], []>, transpose_lhs_hint = false} : vector<16x128xf32>, vector<128x128xf32>, vector<16x128xf32> -> vector<16x128xf32>
    %get3A_149 = arith.constant 0 : index
    %get3A_150 = arith.constant 0 : index
    %get3A_151 = vector.load %arg14[%get3A_149, %get3A_150] : memref<1x128xf32, #tpu.memory_space<vmem>>, vector<1x128xf32>
    %add3A_152 = vector.broadcast %get3A_151 : vector<1x128xf32> to vector<16x128xf32>
    %add3A_153 = arith.addf %dot_general3A_148, %add3A_152 : vector<16x128xf32>
    %integer_pow3A_154 = arith.mulf %add3A_153, %add3A_153 : vector<16x128xf32>
    %integer_pow3A_155 = arith.mulf %add3A_153, %integer_pow3A_154 : vector<16x128xf32>
    %mul3A_156 = arith.constant 4.471500e-02 : f32
    %mul3A_157 = vector.broadcast %mul3A_156 : f32 to vector<16x128xf32>
    %mul3A_158 = arith.mulf %mul3A_157, %integer_pow3A_155 : vector<16x128xf32>
    %add3A_159 = arith.addf %add3A_153, %mul3A_158 : vector<16x128xf32>
    %mul3A_160 = arith.constant 0.797884583 : f32
    %mul3A_161 = vector.broadcast %mul3A_160 : f32 to vector<16x128xf32>
    %mul3A_162 = arith.mulf %mul3A_161, %add3A_159 : vector<16x128xf32>
    %tanh3A_163 = math.tanh %mul3A_162 : vector<16x128xf32>
    %add3A_164 = arith.constant 1.000000e+00 : f32
    %add3A_165 = vector.broadcast %add3A_164 : f32 to vector<16x128xf32>
    %add3A_166 = arith.addf %add3A_165, %tanh3A_163 : vector<16x128xf32>
    %mul3A_167 = arith.constant 5.000000e-01 : f32
    %mul3A_168 = vector.broadcast %mul3A_167 : f32 to vector<16x128xf32>
    %mul3A_169 = arith.mulf %mul3A_168, %add3A_166 : vector<16x128xf32>
    %mul3A_170 = arith.mulf %add3A_153, %mul3A_169 : vector<16x128xf32>
    %add3A_171 = arith.addf %mul3A_170, %mul3A_143 : vector<16x128xf32>
    %get3A_172 = arith.constant 0 : index
    %get3A_173 = arith.constant 0 : index
    %get3A_174 = vector.load %arg15[%get3A_172, %get3A_173] : memref<1x128xf32, #tpu.memory_space<vmem>>, vector<1x128xf32>
    %get3A_175 = arith.constant 0 : index
    %get3A_176 = arith.constant 0 : index
    %get3A_177 = vector.load %arg16[%get3A_175, %get3A_176] : memref<1x128xf32, #tpu.memory_space<vmem>>, vector<1x128xf32>
    %reduce_sum3A_178 = arith.constant dense<0.000000e+00> : vector<16xf32>
    %reduce_sum3A_179 = vector.multi_reduction <add>, %add3A_171, %reduce_sum3A_178 [1] : vector<16x128xf32> to vector<16xf32>
    %broadcast_in_dim3A_180 = vector.shape_cast %reduce_sum3A_179 : vector<16xf32> to vector<16x1xf32>
    %div3A_181 = arith.constant 1.280000e+02 : f32
    %div3A_182 = vector.broadcast %div3A_181 : f32 to vector<16x1xf32>
    %div3A_183 = arith.divf %broadcast_in_dim3A_180, %div3A_182 : vector<16x1xf32>
    %sub3A_184 = vector.broadcast %div3A_183 : vector<16x1xf32> to vector<16x128xf32>
    %sub3A_185 = arith.subf %add3A_171, %sub3A_184 : vector<16x128xf32>
    %integer_pow3A_186 = arith.mulf %sub3A_185, %sub3A_185 : vector<16x128xf32>
    %reduce_sum3A_187 = arith.constant dense<0.000000e+00> : vector<16xf32>
    %reduce_sum3A_188 = vector.multi_reduction <add>, %integer_pow3A_186, %reduce_sum3A_187 [1] : vector<16x128xf32> to vector<16xf32>
    %broadcast_in_dim3A_189 = vector.shape_cast %reduce_sum3A_188 : vector<16xf32> to vector<16x1xf32>
    %div3A_190 = arith.constant 1.280000e+02 : f32
    %div3A_191 = vector.broadcast %div3A_190 : f32 to vector<16x1xf32>
    %div3A_192 = arith.divf %broadcast_in_dim3A_189, %div3A_191 : vector<16x1xf32>
    %sub3A_193 = vector.broadcast %div3A_183 : vector<16x1xf32> to vector<16x128xf32>
    %sub3A_194 = arith.subf %add3A_171, %sub3A_193 : vector<16x128xf32>
    %add3A_195 = arith.constant 9.99999974E-6 : f32
    %add3A_196 = vector.broadcast %add3A_195 : f32 to vector<16x1xf32>
    %add3A_197 = arith.addf %div3A_192, %add3A_196 : vector<16x1xf32>
    %rsqrt3A_198 = math.rsqrt %add3A_197 : vector<16x1xf32>
    %mul3A_199 = vector.broadcast %rsqrt3A_198 : vector<16x1xf32> to vector<16x128xf32>
    %mul3A_200 = arith.mulf %sub3A_194, %mul3A_199 : vector<16x128xf32>
    %mul3A_201 = vector.broadcast %get3A_174 : vector<1x128xf32> to vector<16x128xf32>
    %mul3A_202 = arith.mulf %mul3A_200, %mul3A_201 : vector<16x128xf32>
    %add3A_203 = vector.broadcast %get3A_177 : vector<1x128xf32> to vector<16x128xf32>
    %add3A_204 = arith.addf %mul3A_202, %add3A_203 : vector<16x128xf32>
    %swap3A_205 = arith.constant 0 : index
    %swap3A_206 = arith.constant 0 : index
    %swap3A_207 = vector.load %arg18[%swap3A_205, %swap3A_206] : memref<16x128xf32, #tpu.memory_space<vmem>>, vector<16x128xf32>
    tpu.vector_store %arg18[%swap3A_205, %swap3A_206], %add3A_204 {strides = array<i32>} : memref<16x128xf32, #tpu.memory_space<vmem>>, vector<16x128xf32>,
    return
  }
}

</mosaic_0001>

<sc_bundles>
// kernel: kernel.11.cloned.1.call-start
scs
__scs_entry_jumppad:
0x0: {  	(pc) =	sbr.rel $0x88, $3  }
0x1: {  	(tag) =	ssettag $0x0;
	lr =	simm.s32 $0x1  }
0x2: {  	[smem:$0x3F84] =	sst lr;
	_ =	strace $0xD0000000  }
0x3: {  	_ = 	snop  }
0x4: {  	_ = 	snop  }
0x5: {  	_ = 	snop  }
0x6: {  	_ = 	snop  }
0x7: {  	_ = 	snop  }
__scs_overlays_trampoline_lowered:
0x8: {  	[smem:$0x3F93] =	sst s0  }
0x9: {  	[smem:$0x3F94] =	sst s1  }
0xa: {  	[smem:$0x3F95] =	sst s2  }
0xb: {  	[smem:$0x3F96] =	sst s3  }
0xc: {  	[smem:$0x3F97] =	sst s4  }
0xd: {  	[smem:$0x3F98] =	sst s5  }
0xe: {  	[smem:$0x3F99] =	sst s6  }
0xf: {  	[smem:$0x3F9A] =	sst s7  }
0x10: {  	[smem:$0x3F9B] =	sst s8  }
0x11: {  	[smem:$0x3F9C] =	sst s9;
	s0 =	simm.s32 @!p0 $0x0  }
0x12: {  	s1 =	sld [smem:$0x3F82];
	s0 =	simm.s32 @p0 $0x1  }
0x13: {  	[smem:$0x3F9D] =	sst s0;
	s0 =	simm.s32 @!p1 $0x0  }
0x14: {  	s2 =	sld [smem:$0x3F81];
	s0 =	simm.s32 @p1 $0x1  }
0x15: {  	[smem:$0x3F9E] =	sst s0;
	s0 =	simm.s32 @!p2 $0x0  }
0x16: {  	s3 =	sld [smem:$0x3FDB];
	s0 =	simm.s32 @p2 $0x1  }
0x17: {  	s4 =	simm.s32 $0x1BF5;
	[smem:$0x3FA0] =	sst s0  }
0x18: {  	s0 =	sld [smem:$0x3F83];
	_ =	swait.ge [sflag:s4], $0x0  }
0x19: {  	s7 =	sld [smem:$0x3F84]  }
0x1a: {  	s8 =	sadd.s32 $0xFFFFE003, lr  }
0x1b: {  	s9 =	sadd.s32 $0xFFFFFEF7, lr;
	s5 =	simm.s32 $0xFFFFFFFF;
	p2 =	slt.u32 s8, $0xFFFFF086  }
0x1c: {  	p1 =	slt.u32 s9, $0xF7A;
	s5 =	simm.s32 @!p2 $0x0  }
0x1d: {  	s5 =	simm.s32 @p1 $0x1;
	p0 =	seq.s32 s7, s2  }
0x1e: {  	s7 =	smul.u32 @!p0 $0xF7A, s2;
	p2 =	seq.s32 @!p0 s5, $0x0  }
0x1f: {  	s9 =	smul.u32 $0xF7A, s1;
	s8 =	simm.s32 @!p0 $0x1BF5;
	p2 =	por !p2, p0  }
0x20: {  	[sflag:s8] =	ssyncset.s32 @!p0 $0xFFFFF086;
	s6 =	sadd.s32 @!p0 s3, s7;
	s7 =	simm.s32 @!p0 $0x108  }
0x21: {  	s3 =	sadd.s32 s3, s9;
	s6 =	sadd.s32 @!p0 $0x88, s6;
	s7 =	simm.s32 @p2 $0x1082  }
0x22: {  	[simem:s7], [sflag:s8] =	dma.local @!p0 [hbm:s6], $0xF7A  }
0x23: {  	s9 =	sor.u32 $0xD0000000, s2;
	s6 =	simm.s32 $0x108;
	_ =	swait.ge @!p0 [sflag:s8], $0x0  }
0x24: {  	s3 =	sadd.s32 $0x88, s3;
	s6 =	simm.s32 @!p1 $0x1082;
	[sflag:s4] =	ssyncset.s32 $0xFFFFF086  }
0x25: {  	[simem:s6], [sflag:s4] =	dma.local [hbm:s3], $0xF7A  }
0x26: {  	[smem:$0x3F84] =	sst s1;
	(tag) =	ssettag s2;
	_ =	strace s9  }
0x27: {  	s1 =	sld [smem:$0x3F94]  }
0x28: {  	s2 =	sld [smem:$0x3F95]  }
0x29: {  	s4 =	sld [smem:$0x3F97]  }
0x2a: {  	p0 =	seq.s32 s5, $0x0;
	s5 =	sld [smem:$0x3F98]  }
0x2b: {  	s6 =	sld [smem:$0x3F99]  }
0x2c: {  	s7 =	sld [smem:$0x3F9A]  }
0x2d: {  	s3 =	simm.s32 $0x108;
	s8 =	sld [smem:$0x3F9B]  }
0x2e: {  	s3 =	simm.s32 @!p0 $0x1082;
	s9 =	sld [smem:$0x3F9C]  }
0x2f: {  	lr =	sadd.s32 s0, s3;
	s0 =	sld [smem:$0x3F93]  }
0x30: {  	s3 =	sld [smem:$0x3F96]  }
0x31: {  	[smem:$0x3F9F] =	sst s10  }
0x32: {  	s10 =	sld [smem:$0x3F9D];
	_ =	sdelay $0x3  }
0x33: {  	p0 =	seq.s32 s10, $0x1;
	s10 =	sld [smem:$0x3F9F];
	_ =	sdelay $0x3  }
0x34: {  	[smem:$0x3F9F] =	sst s10  }
0x35: {  	s10 =	sld [smem:$0x3F9E];
	_ =	sdelay $0x3  }
0x36: {  	p1 =	seq.s32 s10, $0x1;
	s10 =	sld [smem:$0x3F9F];
	_ =	sdelay $0x3  }
0x37: {  	[smem:$0x3F9F] =	sst s10  }
0x38: {  	s10 =	sld [smem:$0x3FA0]  }
0x39: {  	_ = 	snop;
	(pc) =	sbr.ind lr, $3  }
0x3a: {  	_ = 	snop  }
0x3b: {  	_ = 	snop  }
0x3c: {  	p2 =	seq.s32 s10, $0x1;
	s10 =	sld [smem:$0x3F9F]  }
0x3d: {  	_ =	shalt  }
0x3e: {  	_ =	shalt  }
0x3f: {  	_ =	shalt  }
0x40: {  	_ =	shalt  }
0x41: {  	_ =	shalt  }
0x42: {  	_ =	shalt  }
0x43: {  	_ =	shalt  }
0x44: {  	_ =	shalt  }
0x45: {  	_ =	shalt  }
0x46: {  	_ =	shalt  }
0x47: {  	_ =	shalt  }
0x48: {  	_ =	shalt  }
0x49: {  	_ =	shalt  }
0x4a: {  	_ =	shalt  }
0x4b: {  	_ =	shalt  }
0x4c: {  	_ =	shalt  }
0x4d: {  	_ =	shalt  }
0x4e: {  	_ =	shalt  }
0x4f: {  	_ =	shalt  }
0x50: {  	_ =	shalt  }
0x51: {  	_ =	shalt  }
0x52: {  	_ =	shalt  }
0x53: {  	_ =	shalt  }
0x54: {  	_ =	shalt  }
0x55: {  	_ =	shalt  }
0x56: {  	_ =	shalt  }
0x57: {  	_ =	shalt  }
0x58: {  	_ =	shalt  }
0x59: {  	_ =	shalt  }
0x5a: {  	_ =	shalt  }
0x5b: {  	_ =	shalt  }
0x5c: {  	_ =	shalt  }
0x5d: {  	_ =	shalt  }
0x5e: {  	_ =	shalt  }
0x5f: {  	_ =	shalt  }
0x60: {  	_ =	shalt  }
0x61: {  	_ =	shalt  }
0x62: {  	_ =	shalt  }
0x63: {  	_ =	shalt  }
0x64: {  	_ =	shalt  }
0x65: {  	_ =	shalt  }
0x66: {  	_ =	shalt  }
0x67: {  	_ =	shalt  }
0x68: {  	_ =	shalt  }
0x69: {  	_ =	shalt  }
0x6a: {  	_ =	shalt  }
0x6b: {  	_ =	shalt  }
0x6c: {  	_ =	shalt  }
0x6d: {  	_ =	shalt  }
0x6e: {  	_ =	shalt  }
0x6f: {  	_ =	shalt  }
0x70: {  	_ =	shalt  }
0x71: {  	_ =	shalt  }
0x72: {  	_ =	shalt  }
0x73: {  	_ =	shalt  }
0x74: {  	_ =	shalt  }
0x75: {  	_ =	shalt  }
0x76: {  	_ =	shalt  }
0x77: {  	_ =	shalt  }
0x78: {  	_ =	shalt  }
0x79: {  	_ =	shalt  }
0x7a: {  	_ =	shalt  }
0x7b: {  	_ =	shalt  }
0x7c: {  	_ =	shalt  }
0x7d: {  	_ =	shalt  }
0x7e: {  	_ =	shalt  }
0x7f: {  	_ =	shalt  }
0x80: {  	_ =	shalt  }
0x81: {  	_ =	shalt  }
0x82: {  	_ =	shalt  }
0x83: {  	_ =	shalt  }
0x84: {  	_ =	shalt  }
0x85: {  	_ =	shalt  }
0x86: {  	_ =	shalt  }
0x87: {  	_ =	shalt  }
.Lfunc_end0:
.L_simem_size_0:
called_computation.1_lowered:
.L_overlay_start_0:
0x88: {  	s2 =	sld [smem:$0x3FD9]  }
0x89: {  	s3 =	sld [smem:$0x3FFE];
	_ =	sdelay $0x1  }
0x8a: {  	s1 =	srdreg.scid  }
0x8b: {  	s0 =	sand.u32 $0x1, s1  }
0x8c: {  	s14 =	sshll.u32 s0, $0xA;
	s2 =	sadd.s32 s3, s2  }
0x8d: {  	s2 =	sadd.s32 s2, s14  }
0x8e: {  	[smem:$0x3FAB] =	sst s2  }
0x8f: {  	_ = 	snop  }
0x90: {  	s2 =	sld [smem:$0x3FD0];
	_ =	sdelay $0x2  }
0x91: {  	s15 =	simm.s32 $0xB;
	s4 =	simm.s32 $0x10  }
0x92: {  	[smem:s4], [sflag:s15] =	dma.local [hbm:s2], $0x1  }
0x93: {  	_ =	swait.eq [sflag:s15], $0x1  }
0x94: {  	[sflag:s15] =	ssyncset.done $0x0  }
0x95: {  	[sflag:s15] =	ssyncadd.s32 $0xFFFFFFFF  }
0x96: {  	s16 =	sld [smem:$0x11];
	(tm) =	ssettm $0x1  }
0x97: {  	s17 =	sld [smem:$0x3FFB];
	_ =	sdelay $0x3  }
0x98: {  	_ =	strace s17  }
0x99: {  	s3 =	sld [smem:$0x3FFC];
	_ =	sdelay $0x3  }
0x9a: {  	_ =	strace s3  }
0x9b: {  	s3 =	sld [smem:$0x3FFD];
	_ =	sdelay $0x3  }
0x9c: {  	_ =	strace s3  }
0x9d: {  	_ =	strace $0x8FFFFFFF  }
0x9e: {  	s18 =	sld [smem:$0x3FDB];
	_ =	sdelay $0x1  }
0x9f: {  	s19 =	simm.s32 $_scs_section_size  }
0xa0: {  	s5 =	simm.s32 $_size__tile_overlayer_lowered;
	s6 =	simm.s32 $_tile_overlayer_lowered  }
0xa1: {  	s22 =	simm.s32 $0x1BFF;
	s21 =	sshll.u32 s6, $0x1;
	s3 =	sadd.s32 s19, s18  }
0xa2: {  	s7 =	simm.s32 $0x0;
	s20 =	sshll.u32 s5, $0x1;
	s5 =	sadd.s32 s21, s3  }
0xa3: {  	[timem:s7], [sflag:s22] =	dma.local [hbm:s5], s20  }
0xa4: {  	_ =	swait.ge [sflag:s22], s20  }
0xa5: {  	s4 =	ssub.s32 $0x0, s20;
	[sflag:s22] =	ssyncset.done $0x0  }
0xa6: {  	[sflag:s22] =	ssyncadd.s32 s4;
	_ =	sdelay $0x1  }
0xa7: {  	s23 =	simm.s32 $0x1B8B  }
0xa8: {  	_ =	swait.ge [sflag:s23], $0x1  }
0xa9: {  	[sflag:s23] =	ssyncset.done $0x0  }
0xaa: {  	s25 =	simm.s32 $0x1B8E;
	s24 =	sld [smem:$0x3FFE];
	[sflag:s23] =	ssyncadd.s32 $0xFFFFFFFF  }
0xab: {  	s26 =	simm.s32 $execute0_lowered;
	[smem:$0x3FD2] =	sst s25  }
0xac: {  	s5 =	sshll.u32 s26, $0x1;
	_ =	strace $0x80000046;
	[dreg:$0x1] =	wrdreg $0xFFFFFFFF  }
0xad: {  	s28 =	simm.s32 $_size_execute0_lowered;
	s3 =	sadd.s32 s3, s5;
	[dreg:$0x0] =	wrdreg $0x0  }
0xae: {  	s5 =	sshll.u32 s28, $0x1;
	[dreg:$0x2] =	wrdreg s3  }
0xaf: {  	[dreg:$0x3] =	wrdreg s5  }
0xb0: {  	[dreg:$0x4] =	wrdreg $0xC0  }
0xb1: {  	_ =	task [dreg:s7], $0x5FFFF  }
0xb2: {  	[dreg:$0x1] =	wrdreg $0xFFFFFFFF  }
0xb3: {  	[dreg:$0x0] =	wrdreg $0x60  }
0xb4: {  	[dreg:$0x2] =	wrdreg s16  }
0xb5: {  	[dreg:$0x3] =	wrdreg s24  }
0xb6: {  	[dreg:$0x4] =	wrdreg $0xA  }
0xb7: {  	_ =	task.clear_ibuf [dreg:s7], $0x5FFFF;
	_ =	strace $0x90000046  }
0xb8: {  	s29 =	simm.s32 $0xA;
	_ =	strace $0x80000048  }
0xb9: {  	_ =	swait.ge [sflag:s29], $0x1  }
0xba: {  	[sflag:s29] =	ssyncadd.s32 $0xFFFFFFFF  }
0xbb: {  	_ =	strace $0x90000048  }
0xbc: {  	_ =	sfence  }
0xbd: {  	s30 =	sld [smem:$0x0];
	_ =	sdelay $0x2  }
0xbe: {  	s31 =	sshll.u32 s1, $0xD;
	s1 =	sshrl.u32 s1, $0x2  }
0xbf: {  	s3 =	sand.u32 $0x4000, s31;
	s1 =	sadd.s32 s1, s30  }
0xc0: {  	s0 =	sor.u32 s3, s0;
	s1 =	sshll.u32 s1, $0x11  }
0xc1: {  	s0 =	sor.u32 s1, s0  }
0xc2: {  	s0 =	sadd.s32 $0x8F2B, s0  }
0xc3: {  	[sflag:s0] =	ssyncadd.remote.s32 $0x1  }
0xc4: {  	_ =	sfence.sel $0xFFFF  }
0xc5: {  	[dreg:$0x0] =	wrdreg $0xFFFFFFFF;
	(pc) =	sbr.abs _section_cstart, $3  }
0xc6: {  	[dreg:$0x1] =	wrdreg $0xFFFFFFFF  }
0xc7: {  	_ =	task.clear_ibuf [dreg:s7], $0x2FFFF;
	_ =	strace $0x9FFFFFFF  }
0xc8: {  	(tm) =	ssettm $0x7FFFFFFF  }
0xc9: {  	_ =	shalt  }
tec
execute0_lowered:
.L_overlay_start_1:
0x0: {  	(tag) =	ssettag $0x1  }
0x1: {  	s0 =	srdreg.scid  }
0x2: {  	s9 =	stileid.u32;
	s2 =	rddreg [dreg:$0x0]  }
0x3: {  	s5 =	rddreg [dreg:$0x1];
	s3 =	simm.s32 $0x0;
	s16 =	simm.s32 $0x9  }
0x4: {  	s17 =	simm.s32 $0x2780;
	s18 =	simm.s32 $0x50;
	s19 =	simm.s32 $0x4F00  }
0x5: {  	s20 =	simm.s32 $0x9F00;
	s28 =	simm.s32 $0x4;
	s29 =	simm.s32 $0x5  }
0x6: {  	s30 =	simm.s32 $0x7;
	s31 =	simm.s32 $0x6;
	s0 =	sand.u32 $0x1, s0  }
0x7: {  	s1 =	sshll.u32 s9, $0x1;
	[smem:$0x7FF] =	sst s3;
	s25 =	smul.u32 $0x4E200, s9  }
0x8: {  	s1 =	sor.u32 s0, s1;
	s7 =	ssub.s32 $0x2, s0;
	s0 =	smul.u32 $0x27100, s0  }
0x9: {  	s4 =	sadd.s32 $0x1B200, s5;
	s14 =	sadd.s32 $0x69600, s5;
	s6 =	smul.u32 $0x2710, s1  }
0xa: {  	_ =	strace $0x80000047;
	s1 =	smul.u32 $0x138800, s1;
	s8 =	sshrl.u32 s7, $0x1  }
0xb: {  	s26 =	sadd.s32 s25, s14;
	s7 =	ssub.s32 s7, s8;
	s6 =	sshrl.u32 s6, $0x3  }
0xc: {  	s1 =	sshrl.u32 s1, $0x3;
	s13 =	smax.u32 s7, $0x1;
	s6 =	sadd.s32 s6, s5  }
0xd: {  	s5 =	sadd.s32 $0x54B600, s5;
	s22 =	sadd.s32 $0x26200, s1;
	s10 =	sadd.s32 $0x26700, s1  }
0xe: {  	s1 =	sadd.s32 $0x26C00, s1;
	s21 =	sadd.s32 $0x10C00, s6;
	s6 =	sadd.s32 $0x6E00, s6  }
0xf: {  	s23 =	sadd.s32 s14, s22;
	s24 =	sadd.s32 s14, s10;
	s10 =	sadd.s32 s5, s10  }
0x10: {  	s11 =	sadd.s32 s14, s1;
	s12 =	sadd.s32 s5, s1;
	[dreg:$0x3] =	wrdreg s21  }
0x11: {  	s14 =	sadd.s32 s0, s26;
	s26 =	simm.s32 $0x2;
	[dreg:$0x4] =	wrdreg s6  }
0x12: {  	s1 =	simm.s32 $0x8;
	[dreg:$0x5] =	wrdreg s23;
	s6 =	sadd.s32 s5, s22  }
0x13: {  	[dreg:$0x7] =	wrdreg s24;
	s5 =	sadd.s32 s25, s5;
	s21 =	simm.s32 $0x7700  }
0x14: {  	s23 =	simm.s32 $0xC700;
	s24 =	simm.s32 $0x1;
	s25 =	simm.s32 $0x3  }
0x15: {  	[dreg:$0x6] =	wrdreg s6;
	s15 =	sadd.s32 s0, s5;
	s0 =	simm.s32 $0x0  }
.LBB2_1:
0x16: {  	s5 =	rddreg [dreg:$0x3]  }
0x17: {  	[tilespmem:s3], [sflag:$0x9] =	stream.linear.gather [hbm4b:s5+s3], $0x2710, $0x38;
	[tilespmem:$0xEF00] =	vst v63  }
0x18: {  	_ =	swait.ge [sflag:s16], $0x2710  }
0x19: {  	[sflag:s16] =	ssyncset.done $0x0  }
0x1a: {  	s8 =	rddreg [dreg:$0x4];
	[sflag:s16] =	ssyncadd.s32 $0xFFFFD8F0  }
0x1b: {  	[tilespmem:s17], [sflag:$0x9] =	stream.linear.gather [hbm4b:s8+s3], $0x2710, $0x38;
	[tilespmem:$0xEF00] =	vst v63  }
0x1c: {  	_ =	swait.ge [sflag:s16], $0x2710  }
0x1d: {  	[sflag:s16] =	ssyncset.done $0x0  }
0x1e: {  	[sflag:s16] =	ssyncadd.s32 $0xFFFFD8F0  }
0x1f: {  	[tilespmem:s19], [sflag:$0x1] =	stream.indirect.gather [hbm4b:s2+s18], $0x80, s3, s18, $0xb8;
	[tilespmem:$0xEF00] =	vst v63  }
0x20: {  	_ = 	snop  }
0x21: {  	[tilespmem:s20], [sflag:$0x3] =	stream.indirect.gather [hbm4b:s4+s18], $0x80, s17, s18, $0xb8;
	[tilespmem:$0xEF00] =	vst v63  }
0x22: {  	_ = 	snop  }
0x23: {  	[tilespmem:s21], [sflag:$0x2] =	stream.indirect.gather [hbm4b:s2+s18], $0x80, s18, s18, $0xb8;
	[tilespmem:$0xEF00] =	vst v63  }
0x24: {  	s9 =	simm.s32 $0x27D0  }
0x25: {  	[tilespmem:s23], [sflag:$0x4] =	stream.indirect.gather [hbm4b:s4+s18], $0x80, s9, s18, $0xb8;
	[tilespmem:$0xEF00] =	vst v63  }
0x26: {  	_ =	swait.ge [sflag:s24], $0x2800  }
0x27: {  	[sflag:s24] =	ssyncset.done $0x0  }
0x28: {  	[sflag:s24] =	ssyncadd.s32 $0xFFFFD800  }
0x29: {  	_ =	swait.ge [sflag:s25], $0x2800  }
0x2a: {  	[sflag:s25] =	ssyncset.done $0x0  }
0x2b: {  	s22 =	sadd.s32 $0x0, s14;
	[sflag:s25] =	ssyncadd.s32 $0xFFFFD800  }
0x2c: {  	[hbm4b:s22+s3] =	stream.linear.scatter [tilespmem:s19], [sflag:$0x5], $0x2800, $0x38;
	[tilespmem:$0xEF00] =	vst v63  }
0x2d: {  	s6 =	sadd.s32 $0x0, s15  }
0x2e: {  	[hbm4b:s6+s3] =	stream.linear.scatter [tilespmem:s20], [sflag:$0x7], $0x2800, $0x38;
	[tilespmem:$0xEF00] =	vst v63  }
0x2f: {  	_ =	swait.ge [sflag:s26], $0x2800  }
0x30: {  	[sflag:s26] =	ssyncset.done $0x0  }
0x31: {  	[sflag:s26] =	ssyncadd.s32 $0xFFFFD800  }
0x32: {  	_ =	swait.ge [sflag:s28], $0x2800  }
0x33: {  	[sflag:s28] =	ssyncset.done $0x0  }
0x34: {  	s5 =	sadd.s32 $0x500, s22;
	[sflag:s28] =	ssyncadd.s32 $0xFFFFD800  }
0x35: {  	[hbm4b:s5+s3] =	stream.linear.scatter [tilespmem:s21], [sflag:$0x6], $0x2800, $0x38;
	[tilespmem:$0xEF00] =	vst v63  }
0x36: {  	s7 =	sadd.s32 $0x500, s6  }
0x37: {  	[hbm4b:s7+s3] =	stream.linear.scatter [tilespmem:s23], [sflag:$0x8], $0x2800, $0x38;
	[tilespmem:$0xEF00] =	vst v63  }
0x38: {  	_ =	swait.ge [sflag:s29], $0x2800  }
0x39: {  	[sflag:s29] =	ssyncset.done $0x0  }
0x3a: {  	[sflag:s29] =	ssyncadd.s32 $0xFFFFD800  }
0x3b: {  	_ =	swait.ge [sflag:s30], $0x2800  }
0x3c: {  	[sflag:s30] =	ssyncset.done $0x0  }
0x3d: {  	s8 =	simm.s32 $0xA0;
	[sflag:s30] =	ssyncadd.s32 $0xFFFFD800  }
0x3e: {  	[tilespmem:s19], [sflag:$0x1] =	stream.indirect.gather [hbm4b:s2+s18], $0x80, s8, s18, $0xb8;
	[tilespmem:$0xEF00] =	vst v63  }
0x3f: {  	s9 =	simm.s32 $0x2820  }
0x40: {  	[tilespmem:s20], [sflag:$0x3] =	stream.indirect.gather [hbm4b:s4+s18], $0x80, s9, s18, $0xb8;
	[tilespmem:$0xEF00] =	vst v63  }
0x41: {  	_ =	swait.ge [sflag:s31], $0x2800  }
0x42: {  	[sflag:s31] =	ssyncset.done $0x0  }
0x43: {  	[sflag:s31] =	ssyncadd.s32 $0xFFFFD800  }
0x44: {  	_ =	swait.ge [sflag:s1], $0x2800  }
0x45: {  	[sflag:s1] =	ssyncset.done $0x0  }
0x46: {  	s22 =	simm.s32 $0xF0;
	s6 =	simm.s32 $0x190;
	[sflag:s1] =	ssyncadd.s32 $0xFFFFD800  }
0x47: {  	[tilespmem:s21], [sflag:$0x2] =	stream.indirect.gather [hbm4b:s2+s18], $0x80, s22, s18, $0xb8;
	[tilespmem:$0xEF00] =	vst v63  }
0x48: {  	s5 =	simm.s32 $0xA00;
	s7 =	simm.s32 $0x2910;
	s22 =	simm.s32 $0x2870  }
.LBB2_2:
0x49: {  	[tilespmem:s23], [sflag:$0x4] =	stream.indirect.gather [hbm4b:s4+s18], $0x80, s22, s18, $0xb8;
	[tilespmem:$0xEF00] =	vst v63  }
0x4a: {  	s8 =	smov.u32 s5;
	s22 =	smov.u32 s7  }
0x4b: {  	p0 =	sne.s32 s5, $0x25800;
	s5 =	sadd.s32 $0xA00, s5;
	_ =	swait.ge [sflag:s24], $0x2800  }
0x4c: {  	[sflag:s24] =	ssyncset.done $0x0  }
0x4d: {  	[sflag:s24] =	ssyncadd.s32 $0xFFFFD800  }
0x4e: {  	_ =	swait.ge [sflag:s25], $0x2800  }
0x4f: {  	[sflag:s25] =	ssyncset.done $0x0  }
0x50: {  	s9 =	sadd.s32 s8, s14;
	[sflag:s25] =	ssyncadd.s32 $0xFFFFD800  }
0x51: {  	[hbm4b:s9+s3] =	stream.linear.scatter [tilespmem:s19], [sflag:$0x5], $0x2800, $0x38;
	[tilespmem:$0xEF00] =	vst v63  }
0x52: {  	s8 =	sadd.s32 s8, s15  }
0x53: {  	[hbm4b:s8+s3] =	stream.linear.scatter [tilespmem:s20], [sflag:$0x7], $0x2800, $0x38;
	[tilespmem:$0xEF00] =	vst v63  }
0x54: {  	_ =	swait.ge [sflag:s26], $0x2800  }
0x55: {  	[sflag:s26] =	ssyncset.done $0x0  }
0x56: {  	[sflag:s26] =	ssyncadd.s32 $0xFFFFD800  }
0x57: {  	_ =	swait.ge [sflag:s28], $0x2800  }
0x58: {  	[sflag:s28] =	ssyncset.done $0x0  }
0x59: {  	s9 =	sadd.s32 $0x500, s9;
	[sflag:s28] =	ssyncadd.s32 $0xFFFFD800  }
0x5a: {  	[hbm4b:s9+s3] =	stream.linear.scatter [tilespmem:s21], [sflag:$0x6], $0x2800, $0x38;
	[tilespmem:$0xEF00] =	vst v63  }
0x5b: {  	s8 =	sadd.s32 $0x500, s8  }
0x5c: {  	[hbm4b:s8+s3] =	stream.linear.scatter [tilespmem:s23], [sflag:$0x8], $0x2800, $0x38;
	[tilespmem:$0xEF00] =	vst v63  }
0x5d: {  	_ =	swait.ge [sflag:s29], $0x2800  }
0x5e: {  	[sflag:s29] =	ssyncset.done $0x0  }
0x5f: {  	[sflag:s29] =	ssyncadd.s32 $0xFFFFD800  }
0x60: {  	_ =	swait.ge [sflag:s30], $0x2800  }
0x61: {  	[sflag:s30] =	ssyncset.done $0x0  }
0x62: {  	s8 =	sadd.s32 $0xFFFFFFB0, s6;
	[sflag:s30] =	ssyncadd.s32 $0xFFFFD800  }
0x63: {  	[tilespmem:s19], [sflag:$0x1] =	stream.indirect.gather [hbm4b:s2+s18], $0x80, s8, s18, $0xb8;
	[tilespmem:$0xEF00] =	vst v63  }
0x64: {  	s8 =	sadd.s32 $0xFFFFFFB0, s7  }
0x65: {  	[tilespmem:s20], [sflag:$0x3] =	stream.indirect.gather [hbm4b:s4+s18], $0x80, s8, s18, $0xb8;
	[tilespmem:$0xEF00] =	vst v63  }
0x66: {  	_ =	swait.ge [sflag:s31], $0x2800  }
0x67: {  	[sflag:s31] =	ssyncset.done $0x0  }
0x68: {  	[sflag:s31] =	ssyncadd.s32 $0xFFFFD800  }
.Ltmp0:
0x69: {  	_ =	swait.ge [sflag:s1], $0x2800;
	(pc) =	sbr.rel @p0 .LBB2_2-.Ltmp0, $4  }
0x6a: {  	[sflag:s1] =	ssyncset.done $0x0  }
0x6b: {  	[sflag:s1] =	ssyncadd.s32 $0xFFFFD800  }
0x6c: {  	[tilespmem:s21], [sflag:$0x2] =	stream.indirect.gather [hbm4b:s2+s18], $0x80, s6, s18, $0xb8;
	[tilespmem:$0xEF00] =	vst v63  }
0x6d: {  	s7 =	sadd.s32 $0xA0, s7;
	s6 =	sadd.s32 $0xA0, s6  }
0x6e: {  	[tilespmem:s23], [sflag:$0x4] =	stream.indirect.gather [hbm4b:s4+s18], $0x80, s22, s18, $0xb8;
	[tilespmem:$0xEF00] =	vst v63  }
0x6f: {  	_ =	swait.ge [sflag:s24], $0x2800  }
0x70: {  	[sflag:s24] =	ssyncset.done $0x0  }
0x71: {  	[sflag:s24] =	ssyncadd.s32 $0xFFFFD800  }
0x72: {  	_ =	swait.ge [sflag:s25], $0x2800  }
0x73: {  	[sflag:s25] =	ssyncset.done $0x0  }
0x74: {  	s5 =	rddreg [dreg:$0x5];
	[sflag:s25] =	ssyncadd.s32 $0xFFFFD800  }
0x75: {  	[hbm4b:s5+s3] =	stream.linear.scatter [tilespmem:s19], [sflag:$0x5], $0x2800, $0x38;
	[tilespmem:$0xEF00] =	vst v63  }
0x76: {  	s7 =	rddreg [dreg:$0x6]  }
0x77: {  	[hbm4b:s7+s3] =	stream.linear.scatter [tilespmem:s20], [sflag:$0x7], $0x2800, $0x38;
	[tilespmem:$0xEF00] =	vst v63  }
0x78: {  	_ =	swait.ge [sflag:s26], $0x2800  }
0x79: {  	[sflag:s26] =	ssyncset.done $0x0  }
0x7a: {  	[sflag:s26] =	ssyncadd.s32 $0xFFFFD800  }
0x7b: {  	_ =	swait.ge [sflag:s28], $0x2800  }
0x7c: {  	[sflag:s28] =	ssyncset.done $0x0  }
0x7d: {  	s8 =	rddreg [dreg:$0x7];
	[sflag:s28] =	ssyncadd.s32 $0xFFFFD800  }
0x7e: {  	[hbm4b:s8+s3] =	stream.linear.scatter [tilespmem:s21], [sflag:$0x6], $0x2800, $0x38;
	[tilespmem:$0xEF00] =	vst v63  }
0x7f: {  	_ = 	snop  }
0x80: {  	[hbm4b:s10+s3] =	stream.linear.scatter [tilespmem:s23], [sflag:$0x8], $0x2800, $0x38;
	[tilespmem:$0xEF00] =	vst v63  }
0x81: {  	_ =	swait.ge [sflag:s29], $0x2800  }
0x82: {  	[sflag:s29] =	ssyncset.done $0x0  }
0x83: {  	[sflag:s29] =	ssyncadd.s32 $0xFFFFD800  }
0x84: {  	_ =	swait.ge [sflag:s30], $0x2800  }
0x85: {  	[sflag:s30] =	ssyncset.done $0x0  }
0x86: {  	s9 =	simm.s32 $0x26C0;
	[sflag:s30] =	ssyncadd.s32 $0xFFFFD800  }
0x87: {  	[tilespmem:s19], [sflag:$0x1] =	stream.indirect.gather [hbm4b:s2+s18], $0x80, s9, s18, $0xb8;
	[tilespmem:$0xEF00] =	vst v63  }
0x88: {  	s22 =	simm.s32 $0x4E40  }
0x89: {  	[tilespmem:s20], [sflag:$0x3] =	stream.indirect.gather [hbm4b:s4+s18], $0x80, s22, s18, $0xb8;
	[tilespmem:$0xEF00] =	vst v63  }
0x8a: {  	_ =	swait.ge [sflag:s31], $0x2800  }
0x8b: {  	[sflag:s31] =	ssyncset.done $0x0  }
0x8c: {  	[sflag:s31] =	ssyncadd.s32 $0xFFFFD800  }
0x8d: {  	_ =	swait.ge [sflag:s1], $0x2800  }
0x8e: {  	[sflag:s1] =	ssyncset.done $0x0  }
0x8f: {  	[sflag:s1] =	ssyncadd.s32 $0xFFFFD800  }
0x90: {  	_ =	swait.ge [sflag:s24], $0x2800  }
0x91: {  	[sflag:s24] =	ssyncset.done $0x0  }
0x92: {  	[sflag:s24] =	ssyncadd.s32 $0xFFFFD800  }
0x93: {  	_ =	swait.ge [sflag:s25], $0x2800  }
0x94: {  	[sflag:s25] =	ssyncset.done $0x0  }
0x95: {  	[sflag:s25] =	ssyncadd.s32 $0xFFFFD800  }
0x96: {  	[hbm4b:s11+s3] =	stream.linear.scatter [tilespmem:s19], [sflag:$0x5], $0x2800, $0x38;
	[tilespmem:$0xEF00] =	vst v63  }
0x97: {  	s0 =	sadd.s32 $0x1, s0  }
0x98: {  	[hbm4b:s12+s3] =	stream.linear.scatter [tilespmem:s20], [sflag:$0x7], $0x2800, $0x38;
	[tilespmem:$0xEF00] =	vst v63  }
0x99: {  	p0 =	sne.s32 s0, s13;
	_ =	swait.ge [sflag:s29], $0x2800  }
.Ltmp1:
0x9a: {  	[sflag:s29] =	ssyncset.done $0x0;
	(pc) =	sbr.rel @p0 .LBB2_1-.Ltmp1, $4  }
0x9b: {  	[sflag:s29] =	ssyncadd.s32 $0xFFFFD800  }
0x9c: {  	_ =	swait.ge [sflag:s30], $0x2800  }
0x9d: {  	[sflag:s30] =	ssyncset.done $0x0  }
0x9e: {  	[sflag:s30] =	ssyncadd.s32 $0xFFFFD800  }
0x9f: {  	_ =	sfence.sel $0x180000  }
0xa0: {  	[bflag:$0x0] =	sbarrier.arrive $0xFFFF  }
0xa1: {  	_ =	strace $0x90000047  }
0xa2: {  	s0 =	stileid.u32;
	[bflag:$0x2] =	sbarrier.arrive $0xFFFF  }
0xa3: {  	p0 =	sne.s32 s0, $0x0;
	s0 =	rddreg [dreg:$0x2]  }
0xa4: {  	s0 =	sadd.s32 @!p0 $0x100000, s0  }
0xa5: {  	[sflag:s0] =	ssyncadd.tile.s32 @!p0 $0x1;
	_ =	shalt  }
.Lfunc_end2:
_tile_overlayer_lowered:
.L_overlay_start_2:
0xa6: {  	(tag) =	ssettag $0x2  }
0xa7: {  	s0 =	rddreg [dreg:$0x0];
	s2 =	stileid.u32  }
0xa8: {  	s1 =	rddreg [dreg:$0x1];
	p0 =	sne.s32 s2, $0x0  }
0xa9: {  	s3 =	rddreg [dreg:$0x2];
	[bflag:$0x3] =	sbarrier.arrive $0xFFFF;
	s2 =	simm.s32 @!p0 $0x1C09  }
0xaa: {  	[timem:s3], [sflag:s2] =	dma.local @!p0 [hbm:s0], s1  }
0xab: {  	s0 =	simm.s32 @!p0 $0x9  }
0xac: {  	_ =	swait.ge @!p0 [sflag:s0], s1  }
0xad: {  	s1 =	ssub.s32 @!p0 $0x0, s1;
	[sflag:s0] =	ssyncset.done @!p0 $0x0  }
0xae: {  	[sflag:s0] =	ssyncadd.s32 @!p0 s1  }
0xaf: {  	[bflag:$0x3] =	sbarrier.arrive $0xFFFF  }
0xb0: {  	_ =	shalt  }

// kernel: kernel.14.cloned.1.call-start
scs
__scs_entry_jumppad:
0x0: {  	(pc) =	sbr.rel $0x88, $3  }
0x1: {  	(tag) =	ssettag $0x0;
	lr =	simm.s32 $0x1  }
0x2: {  	[smem:$0x3F84] =	sst lr;
	_ =	strace $0xD0000000  }
0x3: {  	_ = 	snop  }
0x4: {  	_ = 	snop  }
0x5: {  	_ = 	snop  }
0x6: {  	_ = 	snop  }
0x7: {  	_ = 	snop  }
__scs_overlays_trampoline_lowered:
0x8: {  	[smem:$0x3F93] =	sst s0  }
0x9: {  	[smem:$0x3F94] =	sst s1  }
0xa: {  	[smem:$0x3F95] =	sst s2  }
0xb: {  	[smem:$0x3F96] =	sst s3  }
0xc: {  	[smem:$0x3F97] =	sst s4  }
0xd: {  	[smem:$0x3F98] =	sst s5  }
0xe: {  	[smem:$0x3F99] =	sst s6  }
0xf: {  	[smem:$0x3F9A] =	sst s7  }
0x10: {  	[smem:$0x3F9B] =	sst s8  }
0x11: {  	[smem:$0x3F9C] =	sst s9;
	s0 =	simm.s32 @!p0 $0x0  }
0x12: {  	s1 =	sld [smem:$0x3F82];
	s0 =	simm.s32 @p0 $0x1  }
0x13: {  	[smem:$0x3F9D] =	sst s0;
	s0 =	simm.s32 @!p1 $0x0  }
0x14: {  	s2 =	sld [smem:$0x3F81];
	s0 =	simm.s32 @p1 $0x1  }
0x15: {  	[smem:$0x3F9E] =	sst s0;
	s0 =	simm.s32 @!p2 $0x0  }
0x16: {  	s3 =	sld [smem:$0x3FDB];
	s0 =	simm.s32 @p2 $0x1  }
0x17: {  	s4 =	simm.s32 $0x1BF5;
	[smem:$0x3FA0] =	sst s0  }
0x18: {  	s0 =	sld [smem:$0x3F83];
	_ =	swait.ge [sflag:s4], $0x0  }
0x19: {  	s7 =	sld [smem:$0x3F84]  }
0x1a: {  	s8 =	sadd.s32 $0xFFFFE003, lr  }
0x1b: {  	s9 =	sadd.s32 $0xFFFFFEF7, lr;
	s5 =	simm.s32 $0xFFFFFFFF;
	p2 =	slt.u32 s8, $0xFFFFF086  }
0x1c: {  	p1 =	slt.u32 s9, $0xF7A;
	s5 =	simm.s32 @!p2 $0x0  }
0x1d: {  	s5 =	simm.s32 @p1 $0x1;
	p0 =	seq.s32 s7, s2  }
0x1e: {  	s7 =	smul.u32 @!p0 $0xF7A, s2;
	p2 =	seq.s32 @!p0 s5, $0x0  }
0x1f: {  	s9 =	smul.u32 $0xF7A, s1;
	s8 =	simm.s32 @!p0 $0x1BF5;
	p2 =	por !p2, p0  }
0x20: {  	[sflag:s8] =	ssyncset.s32 @!p0 $0xFFFFF086;
	s6 =	sadd.s32 @!p0 s3, s7;
	s7 =	simm.s32 @!p0 $0x108  }
0x21: {  	s3 =	sadd.s32 s3, s9;
	s6 =	sadd.s32 @!p0 $0x88, s6;
	s7 =	simm.s32 @p2 $0x1082  }
0x22: {  	[simem:s7], [sflag:s8] =	dma.local @!p0 [hbm:s6], $0xF7A  }
0x23: {  	s9 =	sor.u32 $0xD0000000, s2;
	s6 =	simm.s32 $0x108;
	_ =	swait.ge @!p0 [sflag:s8], $0x0  }
0x24: {  	s3 =	sadd.s32 $0x88, s3;
	s6 =	simm.s32 @!p1 $0x1082;
	[sflag:s4] =	ssyncset.s32 $0xFFFFF086  }
0x25: {  	[simem:s6], [sflag:s4] =	dma.local [hbm:s3], $0xF7A  }
0x26: {  	[smem:$0x3F84] =	sst s1;
	(tag) =	ssettag s2;
	_ =	strace s9  }
0x27: {  	s1 =	sld [smem:$0x3F94]  }
0x28: {  	s2 =	sld [smem:$0x3F95]  }
0x29: {  	s4 =	sld [smem:$0x3F97]  }
0x2a: {  	p0 =	seq.s32 s5, $0x0;
	s5 =	sld [smem:$0x3F98]  }
0x2b: {  	s6 =	sld [smem:$0x3F99]  }
0x2c: {  	s7 =	sld [smem:$0x3F9A]  }
0x2d: {  	s3 =	simm.s32 $0x108;
	s8 =	sld [smem:$0x3F9B]  }
0x2e: {  	s3 =	simm.s32 @!p0 $0x1082;
	s9 =	sld [smem:$0x3F9C]  }
0x2f: {  	lr =	sadd.s32 s0, s3;
	s0 =	sld [smem:$0x3F93]  }
0x30: {  	s3 =	sld [smem:$0x3F96]  }
0x31: {  	[smem:$0x3F9F] =	sst s10  }
0x32: {  	s10 =	sld [smem:$0x3F9D];
	_ =	sdelay $0x3  }
0x33: {  	p0 =	seq.s32 s10, $0x1;
	s10 =	sld [smem:$0x3F9F];
	_ =	sdelay $0x3  }
0x34: {  	[smem:$0x3F9F] =	sst s10  }
0x35: {  	s10 =	sld [smem:$0x3F9E];
	_ =	sdelay $0x3  }
0x36: {  	p1 =	seq.s32 s10, $0x1;
	s10 =	sld [smem:$0x3F9F];
	_ =	sdelay $0x3  }
0x37: {  	[smem:$0x3F9F] =	sst s10  }
0x38: {  	s10 =	sld [smem:$0x3FA0]  }
0x39: {  	_ = 	snop;
	(pc) =	sbr.ind lr, $3  }
0x3a: {  	_ = 	snop  }
0x3b: {  	_ = 	snop  }
0x3c: {  	p2 =	seq.s32 s10, $0x1;
	s10 =	sld [smem:$0x3F9F]  }
0x3d: {  	_ =	shalt  }
0x3e: {  	_ =	shalt  }
0x3f: {  	_ =	shalt  }
0x40: {  	_ =	shalt  }
0x41: {  	_ =	shalt  }
0x42: {  	_ =	shalt  }
0x43: {  	_ =	shalt  }
0x44: {  	_ =	shalt  }
0x45: {  	_ =	shalt  }
0x46: {  	_ =	shalt  }
0x47: {  	_ =	shalt  }
0x48: {  	_ =	shalt  }
0x49: {  	_ =	shalt  }
0x4a: {  	_ =	shalt  }
0x4b: {  	_ =	shalt  }
0x4c: {  	_ =	shalt  }
0x4d: {  	_ =	shalt  }
0x4e: {  	_ =	shalt  }
0x4f: {  	_ =	shalt  }
0x50: {  	_ =	shalt  }
0x51: {  	_ =	shalt  }
0x52: {  	_ =	shalt  }
0x53: {  	_ =	shalt  }
0x54: {  	_ =	shalt  }
0x55: {  	_ =	shalt  }
0x56: {  	_ =	shalt  }
0x57: {  	_ =	shalt  }
0x58: {  	_ =	shalt  }
0x59: {  	_ =	shalt  }
0x5a: {  	_ =	shalt  }
0x5b: {  	_ =	shalt  }
0x5c: {  	_ =	shalt  }
0x5d: {  	_ =	shalt  }
0x5e: {  	_ =	shalt  }
0x5f: {  	_ =	shalt  }
0x60: {  	_ =	shalt  }
0x61: {  	_ =	shalt  }
0x62: {  	_ =	shalt  }
0x63: {  	_ =	shalt  }
0x64: {  	_ =	shalt  }
0x65: {  	_ =	shalt  }
0x66: {  	_ =	shalt  }
0x67: {  	_ =	shalt  }
0x68: {  	_ =	shalt  }
0x69: {  	_ =	shalt  }
0x6a: {  	_ =	shalt  }
0x6b: {  	_ =	shalt  }
0x6c: {  	_ =	shalt  }
0x6d: {  	_ =	shalt  }
0x6e: {  	_ =	shalt  }
0x6f: {  	_ =	shalt  }
0x70: {  	_ =	shalt  }
0x71: {  	_ =	shalt  }
0x72: {  	_ =	shalt  }
0x73: {  	_ =	shalt  }
0x74: {  	_ =	shalt  }
0x75: {  	_ =	shalt  }
0x76: {  	_ =	shalt  }
0x77: {  	_ =	shalt  }
0x78: {  	_ =	shalt  }
0x79: {  	_ =	shalt  }
0x7a: {  	_ =	shalt  }
0x7b: {  	_ =	shalt  }
0x7c: {  	_ =	shalt  }
0x7d: {  	_ =	shalt  }
0x7e: {  	_ =	shalt  }
0x7f: {  	_ =	shalt  }
0x80: {  	_ =	shalt  }
0x81: {  	_ =	shalt  }
0x82: {  	_ =	shalt  }
0x83: {  	_ =	shalt  }
0x84: {  	_ =	shalt  }
0x85: {  	_ =	shalt  }
0x86: {  	_ =	shalt  }
0x87: {  	_ =	shalt  }
.Lfunc_end0:
.L_simem_size_0:
called_computation.2_lowered:
.L_overlay_start_0:
0x88: {  	s2 =	sld [smem:$0x3FD9]  }
0x89: {  	s3 =	sld [smem:$0x3FFE];
	_ =	sdelay $0x1  }
0x8a: {  	s1 =	srdreg.scid  }
0x8b: {  	s0 =	sand.u32 $0x1, s1  }
0x8c: {  	s17 =	sshll.u32 s0, $0xA;
	s2 =	sadd.s32 s3, s2  }
0x8d: {  	s2 =	sadd.s32 s2, s17  }
0x8e: {  	[smem:$0x3FAB] =	sst s2  }
0x8f: {  	_ = 	snop  }
0x90: {  	(tm) =	ssettm $0x1  }
0x91: {  	s18 =	sld [smem:$0x3FFB];
	_ =	sdelay $0x3  }
0x92: {  	_ =	strace s18  }
0x93: {  	s2 =	sld [smem:$0x3FFC];
	_ =	sdelay $0x3  }
0x94: {  	_ =	strace s2  }
0x95: {  	s2 =	sld [smem:$0x3FFD];
	_ =	sdelay $0x3  }
0x96: {  	_ =	strace s2  }
0x97: {  	_ =	strace $0x8FFFFFFF  }
0x98: {  	s19 =	sld [smem:$0x3FDB];
	_ =	sdelay $0x1  }
0x99: {  	s20 =	simm.s32 $_scs_section_size  }
0x9a: {  	s4 =	simm.s32 $_size__tile_overlayer_lowered;
	s5 =	simm.s32 $_tile_overlayer_lowered  }
0x9b: {  	s6 =	simm.s32 $0x1BFF;
	s21 =	sshll.u32 s5, $0x1;
	s3 =	sadd.s32 s20, s19  }
0x9c: {  	s22 =	simm.s32 $0x0;
	s4 =	sshll.u32 s4, $0x1;
	s5 =	sadd.s32 s21, s3  }
0x9d: {  	[timem:s22], [sflag:s6] =	dma.local [hbm:s5], s4  }
0x9e: {  	_ =	swait.ge [sflag:s6], s4  }
0x9f: {  	s4 =	ssub.s32 $0x0, s4;
	[sflag:s6] =	ssyncset.done $0x0  }
0xa0: {  	[sflag:s6] =	ssyncadd.s32 s4;
	_ =	sdelay $0x1  }
0xa1: {  	s23 =	simm.s32 $0x1B8B  }
0xa2: {  	_ =	swait.ge [sflag:s23], $0x1  }
0xa3: {  	[sflag:s23] =	ssyncset.done $0x0  }
0xa4: {  	[sflag:s23] =	ssyncadd.s32 $0xFFFFFFFF  }
0xa5: {  	s4 =	sld [smem:$0x0]  }
0xa6: {  	s5 =	sand.u32 $0xFFFFFFFE, s1  }
0xa7: {  	p0 =	sne.s32 s1, s5  }
0xa8: {  	s5 =	sshll.u32 @p0 s5, $0xE  }
0xa9: {  	s5 =	sadd.s32 @p0 $0x11B8D, s5;
	s6 =	sshll.u32 @p0 s4, $0x11  }
0xaa: {  	s5 =	sor.u32 @p0 s6, s5  }
0xab: {  	[sflag:s5] =	ssyncadd.remote.s32 @p0 $0x1;
	_ =	sdelay $0x1  }
0xac: {  	s5 =	simm.s32 @p0 $0x1B8D  }
0xad: {  	_ =	swait.eq @p0 [sflag:s5], $0x1  }
0xae: {  	[sflag:s5] =	ssyncadd.s32 @p0 $0xFFFFFFFF  }
0xaf: {  	s6 =	sshll.u32 @!p0 s1, $0xE  }
0xb0: {  	s6 =	sor.u32 @!p0 $0x4000, s6;
	s5 =	simm.s32 @!p0 $0x1B8D  }
0xb1: {  	s4 =	sshll.u32 @!p0 s4, $0x11;
	s6 =	sadd.s32 @!p0 $0x11B8D, s6;
	_ =	swait.eq @!p0 [sflag:s5], $0x1  }
0xb2: {  	s4 =	sor.u32 @!p0 s4, s6;
	[sflag:s5] =	ssyncadd.s32 @!p0 $0xFFFFFFFF  }
0xb3: {  	s25 =	simm.s32 $0x1B8E;
	s24 =	sld [smem:$0x3FFE];
	[sflag:s4] =	ssyncadd.remote.s32 @!p0 $0x1  }
0xb4: {  	s26 =	simm.s32 $execute0_lowered;
	[smem:$0x3FD2] =	sst s25  }
0xb5: {  	s5 =	sshll.u32 s26, $0x1;
	_ =	strace $0x8000004C;
	[dreg:$0x1] =	wrdreg $0xFFFFFFFF  }
0xb6: {  	s28 =	simm.s32 $_size_execute0_lowered;
	s3 =	sadd.s32 s3, s5;
	[dreg:$0x0] =	wrdreg $0x0  }
0xb7: {  	s5 =	sshll.u32 s28, $0x1;
	[dreg:$0x2] =	wrdreg s3  }
0xb8: {  	[dreg:$0x3] =	wrdreg s5  }
0xb9: {  	[dreg:$0x4] =	wrdreg $0xC0  }
0xba: {  	_ =	task [dreg:s22], $0x5FFFF  }
0xbb: {  	[dreg:$0x1] =	wrdreg $0xFFFFFFFF  }
0xbc: {  	[dreg:$0x0] =	wrdreg $0x60  }
0xbd: {  	[dreg:$0x2] =	wrdreg s24  }
0xbe: {  	[dreg:$0x3] =	wrdreg $0xDF000  }
0xbf: {  	[dreg:$0x4] =	wrdreg $0xA  }
0xc0: {  	_ =	task.clear_ibuf [dreg:s22], $0x5FFFF;
	_ =	strace $0x9000004C  }
0xc1: {  	s29 =	simm.s32 $0xA;
	_ =	strace $0x8000004E  }
0xc2: {  	_ =	swait.ge [sflag:s29], $0x1  }
0xc3: {  	[sflag:s29] =	ssyncadd.s32 $0xFFFFFFFF  }
0xc4: {  	_ =	strace $0x9000004E  }
0xc5: {  	_ =	sfence  }
0xc6: {  	s30 =	sld [smem:$0x0];
	_ =	sdelay $0x2  }
0xc7: {  	s31 =	sshll.u32 s1, $0xD;
	s1 =	sshrl.u32 s1, $0x2  }
0xc8: {  	s4 =	sand.u32 $0x4000, s31;
	s1 =	sadd.s32 s1, s30  }
0xc9: {  	s0 =	sor.u32 s4, s0;
	s1 =	sshll.u32 s1, $0x11  }
0xca: {  	s0 =	sor.u32 s1, s0  }
0xcb: {  	s0 =	sadd.s32 $0x8F2B, s0  }
0xcc: {  	[sflag:s0] =	ssyncadd.remote.s32 $0x1  }
0xcd: {  	_ =	sfence.sel $0xFFFF  }
0xce: {  	[dreg:$0x0] =	wrdreg $0xFFFFFFFF;
	(pc) =	sbr.abs _section_cstart, $3  }
0xcf: {  	[dreg:$0x1] =	wrdreg $0xFFFFFFFF  }
0xd0: {  	_ =	task.clear_ibuf [dreg:s22], $0x2FFFF;
	_ =	strace $0x9FFFFFFF  }
0xd1: {  	(tm) =	ssettm $0x7FFFFFFF  }
tec
execute0_lowered:
.L_overlay_start_1:
0x0: {  	(tag) =	ssettag $0x1  }
0x1: {  	s0 =	rddreg [dreg:$0x0];
	s11 =	stileid.u32  }
0x2: {  	s2 =	rddreg [dreg:$0x1];
	s3 =	simm.s32 $0x0;
	s1 =	smul.u32 $0x4E20, s11  }
0x3: {  	s4 =	srdreg.scid;
	s28 =	simm.s32 $0x4E80;
	s6 =	smul.u32 $0x30000, s11  }
0x4: {  	s29 =	simm.s32 $0x2;
	s30 =	simm.s32 $0x0;
	s7 =	smul.u32 $0x4E200, s11  }
0x5: {  	[smem:$0x7FF] =	sst s3;
	s8 =	sadd.s32 $0xF38400, s0;
	s9 =	smul.u32 $0x271000, s11  }
0x6: {  	s4 =	sand.u32 $0x1, s4;
	s5 =	sadd.s32 $0xA2D600, s0;
	s10 =	smul.u32 $0x28000, s11  }
0x7: {  	_ =	strace $0x8000004D;
	s20 =	smul.u32 $0x1400, s4;
	s4 =	ssub.s32 $0x2, s4  }
0x8: {  	[dreg:$0x3] =	wrdreg s5;
	s1 =	sshrl.u32 s1, $0x3;
	s15 =	sshrl.u32 s4, $0x1  }
0x9: {  	s16 =	sshrl.u32 s6, $0x2;
	s7 =	sadd.s32 s8, s7;
	s17 =	sshrl.u32 s9, $0x3  }
0xa: {  	s18 =	sshrl.u32 s10, $0x2;
	s1 =	sadd.s32 s1, s0;
	s0 =	sadd.s32 $0xA56400, s0  }
0xb: {  	s4 =	ssub.s32 s4, s15;
	s6 =	sadd.s32 s16, s2;
	s16 =	smul.u32 $0x140, s11  }
0xc: {  	s9 =	sadd.s32 s18, s2;
	s1 =	sadd.s32 $0x10C00, s1;
	s10 =	smax.u32 s4, $0x1  }
0xd: {  	s11 =	sadd.s32 $0x4000, s6;
	s12 =	sadd.s32 $0x8000, s6;
	[dreg:$0x4] =	wrdreg s1  }
0xe: {  	s1 =	sadd.s32 s8, s17;
	s19 =	sadd.s32 s20, s16;
	s21 =	sadd.s32 $0x50, s16  }
0xf: {  	s24 =	sadd.s32 $0xA0, s16;
	s18 =	sadd.s32 $0xF0, s16;
	s8 =	sadd.s32 $0x4DD00, s1  }
0x10: {  	s1 =	sshll.u32 s19, $0x4;
	s14 =	sadd.s32 s20, s21;
	s22 =	sshll.u32 s21, $0x7  }
0x11: {  	s25 =	sshll.u32 s24, $0x7;
	s26 =	sadd.s32 s20, s18;
	s31 =	sshll.u32 s18, $0x7  }
0x12: {  	s21 =	simm.s32 $0x9F00;
	s13 =	sadd.s32 s0, s1;
	s23 =	sshll.u32 s14, $0x4  }
0x13: {  	s14 =	sadd.s32 s22, s2;
	s1 =	sadd.s32 s20, s24;
	s16 =	sadd.s32 s25, s2  }
0x14: {  	s4 =	sshll.u32 s26, $0x4;
	s18 =	sadd.s32 s31, s2;
	s22 =	simm.s32 $0x3  }
0x15: {  	s24 =	simm.s32 $0x1;
	s25 =	simm.s32 $0x7700;
	s26 =	simm.s32 $0x50  }
0x16: {  	s15 =	sadd.s32 s0, s23;
	s1 =	sshll.u32 s1, $0x4;
	s19 =	sadd.s32 s0, s4  }
0x17: {  	v0 =	vmov s20;
	s23 =	simm.s32 $0x4F00;
	s17 =	sadd.s32 s0, s1;
	s0 =	sadd.s32 $0xA00, s7  }
.LBB2_1:
0x18: {  	s1 =	rddreg [dreg:$0x3]  }
0x19: {  	[tilespmem:s21], [sflag:$0x3] =	stream.linear.gather [hbm4b:s1+s3], $0x4000, $0x38;
	[tilespmem:$0x19F00] =	vst v63  }
0x1a: {  	_ =	swait.ge [sflag:s22], $0x4000  }
0x1b: {  	[sflag:s22] =	ssyncset.done $0x0  }
0x1c: {  	s4 =	rddreg [dreg:$0x4];
	[sflag:s22] =	ssyncadd.s32 $0xFFFFC000  }
0x1d: {  	[tilespmem:s3], [sflag:$0x3] =	stream.linear.gather [hbm4b:s4+s3], $0x4E20, $0x38;
	[tilespmem:$0x19F00] =	vst v63  }
0x1e: {  	_ =	swait.ge [sflag:s22], $0x4E20  }
0x1f: {  	[sflag:s22] =	ssyncset.done $0x0  }
0x20: {  	[sflag:s22] =	ssyncadd.s32 $0xFFFFB1E0  }
0x21: {  	[spmem:s6] =	stream.linear.scatter [tilespmem:s21], [sflag:$0x3], $0x4000, $0x38;
	[tilespmem:$0x19F00] =	vst v63  }
0x22: {  	_ =	swait.ge [sflag:s22], $0x4000  }
0x23: {  	[sflag:s22] =	ssyncset.done $0x0  }
0x24: {  	[sflag:s22] =	ssyncadd.s32 $0xFFFFC000  }
0x25: {  	[spmem:s11] =	stream.linear.scatter [tilespmem:s21], [sflag:$0x3], $0x4000, $0x38;
	[tilespmem:$0x19F00] =	vst v63  }
0x26: {  	_ =	swait.ge [sflag:s22], $0x4000  }
0x27: {  	[sflag:s22] =	ssyncset.done $0x0  }
0x28: {  	[sflag:s22] =	ssyncadd.s32 $0xFFFFC000  }
0x29: {  	[spmem:s12] =	stream.linear.scatter [tilespmem:s21], [sflag:$0x3], $0x4000, $0x38;
	[tilespmem:$0x19F00] =	vst v63  }
0x2a: {  	_ =	swait.ge [sflag:s22], $0x4000  }
0x2b: {  	[sflag:s22] =	ssyncset.done $0x0  }
0x2c: {  	[sflag:s22] =	ssyncadd.s32 $0xFFFFC000  }
0x2d: {  	[bflag:$0x0] =	sbarrier.arrive $0xFFFF  }
0x2e: {  	[tilespmem:s23], [sflag:$0x1] =	stream.linear.gather [hbm4b:s7+s3], $0x2800, $0x38;
	[tilespmem:$0x19F00] =	vst v63  }
0x2f: {  	_ =	swait.ge [sflag:s24], $0x2800  }
0x30: {  	[sflag:s24] =	ssyncset.done $0x0  }
0x31: {  	s5 =	sadd.s32 $0xFFFFFB00, s0;
	[sflag:s24] =	ssyncadd.s32 $0xFFFFD800  }
0x32: {  	[tilespmem:s25], [sflag:$0x2] =	stream.linear.gather [hbm4b:s5+s3], $0x2800, $0x38;
	[tilespmem:$0x19F00] =	vst v63  }
0x33: {  	v1 =	vld [tilespmem:s26+$0xFFFFFFB0];
	_ =	sdelay $0x4  }
0x34: {  	v1 =	vsub.s32 v1, v0  }
0x35: {  	v1 =	vmin.u32 v1, $0x1400  }
0x36: {  	[tilespmem:$0x4E80] =	vst v1  }
0x37: {  	v1 =	vld [tilespmem:s26+$0xFFFFFFC0];
	_ =	sdelay $0x4  }
0x38: {  	v1 =	vsub.s32 v1, v0  }
0x39: {  	v1 =	vmin.u32 v1, $0x1400  }
0x3a: {  	[tilespmem:$0x4E90] =	vst v1  }
0x3b: {  	v1 =	vld [tilespmem:s26+$0xFFFFFFD0];
	_ =	sdelay $0x4  }
0x3c: {  	v1 =	vsub.s32 v1, v0  }
0x3d: {  	v1 =	vmin.u32 v1, $0x1400  }
0x3e: {  	[tilespmem:$0x4EA0] =	vst v1  }
0x3f: {  	v1 =	vld [tilespmem:s26+$0xFFFFFFE0];
	_ =	sdelay $0x4  }
0x40: {  	v1 =	vsub.s32 v1, v0  }
0x41: {  	v1 =	vmin.u32 v1, $0x1400  }
0x42: {  	[tilespmem:$0x4EB0] =	vst v1  }
0x43: {  	v1 =	vld [tilespmem:s26+$0xFFFFFFF0];
	_ =	sdelay $0x4  }
0x44: {  	v1 =	vsub.s32 v1, v0  }
0x45: {  	v1 =	vmin.u32 v1, $0x1400  }
0x46: {  	[tilespmem:$0x4EC0] =	vst v1  }
0x47: {  	[spmem:s2] =	stream.indirect.scatter.add.f32 [tilespmem:s23], [sflag:$0x3], $0x80, s28, s26, $0xb8;
	[tilespmem:$0x19F00] =	vst v63  }
0x48: {  	_ =	swait.ge [sflag:s22], $0x2800  }
0x49: {  	[sflag:s22] =	ssyncset.done $0x0  }
0x4a: {  	[sflag:s22] =	ssyncadd.s32 $0xFFFFD800  }
0x4b: {  	_ =	swait.ge [sflag:s29], $0x2800  }
0x4c: {  	[sflag:s29] =	ssyncset.done $0x0  }
0x4d: {  	[sflag:s29] =	ssyncadd.s32 $0xFFFFD800  }
0x4e: {  	[tilespmem:s23], [sflag:$0x1] =	stream.linear.gather [hbm4b:s0+s3], $0x2800, $0x38;
	[tilespmem:$0x19F00] =	vst v63  }
0x4f: {  	v1 =	vld [tilespmem:s26+$0x0];
	_ =	sdelay $0x4  }
0x50: {  	v1 =	vsub.s32 v1, v0  }
0x51: {  	v1 =	vmin.u32 v1, $0x1400  }
0x52: {  	[tilespmem:$0x4E80] =	vst v1  }
0x53: {  	v1 =	vld [tilespmem:s26+$0x10];
	_ =	sdelay $0x4  }
0x54: {  	v1 =	vsub.s32 v1, v0  }
0x55: {  	v1 =	vmin.u32 v1, $0x1400  }
0x56: {  	[tilespmem:$0x4E90] =	vst v1  }
0x57: {  	v1 =	vld [tilespmem:s26+$0x20];
	_ =	sdelay $0x4  }
0x58: {  	v1 =	vsub.s32 v1, v0  }
0x59: {  	v1 =	vmin.u32 v1, $0x1400  }
0x5a: {  	s20 =	sand.u32 $0x7FE0, s3;
	[tilespmem:$0x4EA0] =	vst v1  }
0x5b: {  	v1 =	vld [tilespmem:s20+$0x80];
	_ =	sdelay $0x4  }
0x5c: {  	v1 =	vsub.s32 v1, v0  }
0x5d: {  	v1 =	vmin.u32 v1, $0x1400  }
0x5e: {  	[tilespmem:$0x4EB0] =	vst v1  }
0x5f: {  	v1 =	vld [tilespmem:s26+$0x40];
	_ =	sdelay $0x4  }
0x60: {  	v1 =	vsub.s32 v1, v0  }
0x61: {  	v1 =	vmin.u32 v1, $0x1400  }
0x62: {  	[tilespmem:$0x4EC0] =	vst v1  }
0x63: {  	[spmem:s2] =	stream.indirect.scatter.add.f32 [tilespmem:s25], [sflag:$0x3], $0x80, s28, s26, $0xb8;
	[tilespmem:$0x19F00] =	vst v63  }
0x64: {  	s31 =	simm.s32 $0xA0;
	_ =	swait.ge [sflag:s22], $0x2800  }
0x65: {  	s1 =	simm.s32 $0x50;
	s20 =	smov.u32 s0;
	[sflag:s22] =	ssyncset.done $0x0  }
.LBB2_2:
0x66: {  	[sflag:s22] =	ssyncadd.s32 $0xFFFFD800  }
0x67: {  	s20 =	sadd.s32 $0xA00, s20;
	s1 =	sadd.s32 $0xA0, s1;
	s4 =	smov.u32 s31  }
0x68: {  	p0 =	sne.s32 s31, $0x4CE0;
	s31 =	sadd.s32 $0xA0, s31;
	_ =	swait.ge [sflag:s24], $0x2800  }
0x69: {  	[sflag:s24] =	ssyncset.done $0x0  }
0x6a: {  	s5 =	sadd.s32 $0xFFFFFB00, s20;
	[sflag:s24] =	ssyncadd.s32 $0xFFFFD800  }
0x6b: {  	[tilespmem:s25], [sflag:$0x2] =	stream.linear.gather [hbm4b:s5+s3], $0x2800, $0x38;
	[tilespmem:$0x19F00] =	vst v63  }
0x6c: {  	v1 =	vld [tilespmem:s1+$0xFFFFFFB0];
	_ =	sdelay $0x4  }
0x6d: {  	v1 =	vsub.s32 v1, v0  }
0x6e: {  	v1 =	vmin.u32 v1, $0x1400  }
0x6f: {  	[tilespmem:$0x4E80] =	vst v1  }
0x70: {  	v1 =	vld [tilespmem:s1+$0xFFFFFFC0];
	_ =	sdelay $0x4  }
0x71: {  	v1 =	vsub.s32 v1, v0  }
0x72: {  	v1 =	vmin.u32 v1, $0x1400  }
0x73: {  	[tilespmem:$0x4E90] =	vst v1  }
0x74: {  	v1 =	vld [tilespmem:s1+$0xFFFFFFD0];
	_ =	sdelay $0x4  }
0x75: {  	v1 =	vsub.s32 v1, v0  }
0x76: {  	v1 =	vmin.u32 v1, $0x1400  }
0x77: {  	[tilespmem:$0x4EA0] =	vst v1  }
0x78: {  	v1 =	vld [tilespmem:s1+$0xFFFFFFE0];
	_ =	sdelay $0x4  }
0x79: {  	v1 =	vsub.s32 v1, v0  }
0x7a: {  	v1 =	vmin.u32 v1, $0x1400  }
0x7b: {  	[tilespmem:$0x4EB0] =	vst v1  }
0x7c: {  	v1 =	vld [tilespmem:s1+$0xFFFFFFF0];
	_ =	sdelay $0x4  }
0x7d: {  	v1 =	vsub.s32 v1, v0  }
0x7e: {  	v1 =	vmin.u32 v1, $0x1400  }
0x7f: {  	[tilespmem:$0x4EC0] =	vst v1  }
0x80: {  	[spmem:s2] =	stream.indirect.scatter.add.f32 [tilespmem:s23], [sflag:$0x3], $0x80, s28, s26, $0xb8;
	[tilespmem:$0x19F00] =	vst v63  }
0x81: {  	_ =	swait.ge [sflag:s22], $0x2800  }
0x82: {  	[sflag:s22] =	ssyncset.done $0x0  }
0x83: {  	[sflag:s22] =	ssyncadd.s32 $0xFFFFD800  }
0x84: {  	_ =	swait.ge [sflag:s29], $0x2800  }
0x85: {  	[sflag:s29] =	ssyncset.done $0x0  }
0x86: {  	[sflag:s29] =	ssyncadd.s32 $0xFFFFD800  }
0x87: {  	[tilespmem:s23], [sflag:$0x1] =	stream.linear.gather [hbm4b:s20+s3], $0x2800, $0x38;
	[tilespmem:$0x19F00] =	vst v63  }
0x88: {  	v1 =	vld [tilespmem:s1+$0x0];
	_ =	sdelay $0x4  }
0x89: {  	v1 =	vsub.s32 v1, v0  }
0x8a: {  	v1 =	vmin.u32 v1, $0x1400  }
0x8b: {  	[tilespmem:$0x4E80] =	vst v1  }
0x8c: {  	v1 =	vld [tilespmem:s1+$0x10];
	_ =	sdelay $0x4  }
0x8d: {  	v1 =	vsub.s32 v1, v0  }
0x8e: {  	v1 =	vmin.u32 v1, $0x1400  }
0x8f: {  	[tilespmem:$0x4E90] =	vst v1  }
0x90: {  	v1 =	vld [tilespmem:s1+$0x20];
	_ =	sdelay $0x4  }
0x91: {  	v1 =	vsub.s32 v1, v0  }
0x92: {  	v1 =	vmin.u32 v1, $0x1400  }
0x93: {  	s4 =	sand.u32 $0x7FE0, s4;
	[tilespmem:$0x4EA0] =	vst v1  }
0x94: {  	v1 =	vld [tilespmem:s4+$0x80];
	_ =	sdelay $0x4  }
0x95: {  	v1 =	vsub.s32 v1, v0  }
0x96: {  	v1 =	vmin.u32 v1, $0x1400  }
0x97: {  	[tilespmem:$0x4EB0] =	vst v1  }
0x98: {  	v1 =	vld [tilespmem:s1+$0x40];
	_ =	sdelay $0x4  }
0x99: {  	v1 =	vsub.s32 v1, v0  }
.Ltmp0:
0x9a: {  	v1 =	vmin.u32 v1, $0x1400;
	(pc) =	sbr.rel @p0 .LBB2_2-.Ltmp0, $4  }
0x9b: {  	[tilespmem:$0x4EC0] =	vst v1  }
0x9c: {  	[spmem:s2] =	stream.indirect.scatter.add.f32 [tilespmem:s25], [sflag:$0x3], $0x80, s28, s26, $0xb8;
	[tilespmem:$0x19F00] =	vst v63  }
0x9d: {  	_ =	swait.ge [sflag:s22], $0x2800  }
0x9e: {  	[sflag:s22] =	ssyncset.done $0x0  }
0x9f: {  	[sflag:s22] =	ssyncadd.s32 $0xFFFFD800  }
0xa0: {  	_ =	swait.ge [sflag:s24], $0x2800  }
0xa1: {  	[sflag:s24] =	ssyncset.done $0x0  }
0xa2: {  	[sflag:s24] =	ssyncadd.s32 $0xFFFFD800  }
0xa3: {  	[tilespmem:s25], [sflag:$0x2] =	stream.linear.gather [hbm4b:s8+s3], $0x2800, $0x38;
	[tilespmem:$0x19F00] =	vst v63  }
0xa4: {  	v1 =	vld [tilespmem:$0x4D80]  }
0xa5: {  	v2 =	vld [tilespmem:$0x4D90]  }
0xa6: {  	v3 =	vld [tilespmem:$0x4DA0]  }
0xa7: {  	v4 =	vld [tilespmem:$0x4DB0]  }
0xa8: {  	v5 =	vld [tilespmem:$0x4DC0]  }
0xa9: {  	v1 =	vsub.s32 v1, v0  }
0xaa: {  	v2 =	vsub.s32 v2, v0;
	v1 =	vmin.u32 v1, $0x1400  }
0xab: {  	[tilespmem:$0x4E80] =	vst v1;
	v1 =	vmin.u32 v2, $0x1400;
	v2 =	vsub.s32 v3, v0  }
0xac: {  	[tilespmem:$0x4E90] =	vst v1;
	v1 =	vmin.u32 v2, $0x1400;
	v2 =	vsub.s32 v4, v0  }
0xad: {  	[tilespmem:$0x4EA0] =	vst v1;
	v1 =	vmin.u32 v2, $0x1400;
	v2 =	vsub.s32 v5, v0  }
0xae: {  	[tilespmem:$0x4EB0] =	vst v1;
	v1 =	vmin.u32 v2, $0x1400  }
0xaf: {  	[tilespmem:$0x4EC0] =	vst v1  }
0xb0: {  	[spmem:s2] =	stream.indirect.scatter.add.f32 [tilespmem:s23], [sflag:$0x3], $0x80, s28, s26, $0xb8;
	[tilespmem:$0x19F00] =	vst v63  }
0xb1: {  	_ =	swait.ge [sflag:s22], $0x2800  }
0xb2: {  	[sflag:s22] =	ssyncset.done $0x0  }
0xb3: {  	[sflag:s22] =	ssyncadd.s32 $0xFFFFD800  }
0xb4: {  	_ =	swait.ge [sflag:s29], $0x2800  }
0xb5: {  	[sflag:s29] =	ssyncset.done $0x0  }
0xb6: {  	[sflag:s29] =	ssyncadd.s32 $0xFFFFD800  }
0xb7: {  	v1 =	vld [tilespmem:$0x4DD0]  }
0xb8: {  	v2 =	vld [tilespmem:$0x4DE0]  }
0xb9: {  	v3 =	vld [tilespmem:$0x4DF0]  }
0xba: {  	v62 =	vld [tilespmem:$0x4E00]  }
0xbb: {  	v63 =	vld [tilespmem:$0x4E10]  }
0xbc: {  	v1 =	vsub.s32 v1, v0  }
0xbd: {  	v2 =	vsub.s32 v2, v0;
	v1 =	vmin.u32 v1, $0x1400  }
0xbe: {  	[tilespmem:$0x4E80] =	vst v1;
	v1 =	vmin.u32 v2, $0x1400;
	v2 =	vsub.s32 v3, v0  }
0xbf: {  	[tilespmem:$0x4E90] =	vst v1;
	v1 =	vmin.u32 v2, $0x1400;
	v2 =	vsub.s32 v62, v0  }
0xc0: {  	[tilespmem:$0x4EA0] =	vst v1;
	v1 =	vmin.u32 v2, $0x1400;
	v2 =	vsub.s32 v63, v0  }
0xc1: {  	[tilespmem:$0x4EB0] =	vst v1;
	v1 =	vmin.u32 v2, $0x1400  }
0xc2: {  	[tilespmem:$0x4EC0] =	vst v1  }
0xc3: {  	[spmem:s2] =	stream.indirect.scatter.add.f32 [tilespmem:s25], [sflag:$0x3], $0x80, s28, s26, $0xb8;
	[tilespmem:$0x19F00] =	vst v63  }
0xc4: {  	_ =	swait.ge [sflag:s22], $0x2800  }
0xc5: {  	[sflag:s22] =	ssyncset.done $0x0  }
0xc6: {  	[sflag:s22] =	ssyncadd.s32 $0xFFFFD800  }
0xc7: {  	[bflag:$0x0] =	sbarrier.arrive $0xFFFF  }
0xc8: {  	[tilespmem:s23], [sflag:$0x3] =	stream.linear.gather [spmem:s9], $0x2800, $0x38;
	[tilespmem:$0x19F00] =	vst v63  }
0xc9: {  	_ =	swait.ge [sflag:s22], $0x2800  }
0xca: {  	[sflag:s22] =	ssyncset.done $0x0  }
0xcb: {  	[sflag:s22] =	ssyncadd.s32 $0xFFFFD800  }
0xcc: {  	[hbm4b:s13+s3] =	stream.linear.scatter [tilespmem:s23], [sflag:$0x3], $0x2800, $0x38;
	[tilespmem:$0x19F00] =	vst v63  }
0xcd: {  	_ =	swait.ge [sflag:s22], $0x2800  }
0xce: {  	[sflag:s22] =	ssyncset.done $0x0  }
0xcf: {  	[sflag:s22] =	ssyncadd.s32 $0xFFFFD800  }
0xd0: {  	[tilespmem:s23], [sflag:$0x3] =	stream.linear.gather [spmem:s14], $0x2800, $0x38;
	[tilespmem:$0x19F00] =	vst v63  }
0xd1: {  	_ =	swait.ge [sflag:s22], $0x2800  }
0xd2: {  	[sflag:s22] =	ssyncset.done $0x0  }
0xd3: {  	[sflag:s22] =	ssyncadd.s32 $0xFFFFD800  }
0xd4: {  	[hbm4b:s15+s3] =	stream.linear.scatter [tilespmem:s23], [sflag:$0x3], $0x2800, $0x38;
	[tilespmem:$0x19F00] =	vst v63  }
0xd5: {  	_ =	swait.ge [sflag:s22], $0x2800  }
0xd6: {  	[sflag:s22] =	ssyncset.done $0x0  }
0xd7: {  	[sflag:s22] =	ssyncadd.s32 $0xFFFFD800  }
0xd8: {  	[tilespmem:s23], [sflag:$0x3] =	stream.linear.gather [spmem:s16], $0x2800, $0x38;
	[tilespmem:$0x19F00] =	vst v63  }
0xd9: {  	_ =	swait.ge [sflag:s22], $0x2800  }
0xda: {  	[sflag:s22] =	ssyncset.done $0x0  }
0xdb: {  	[sflag:s22] =	ssyncadd.s32 $0xFFFFD800  }
0xdc: {  	[hbm4b:s17+s3] =	stream.linear.scatter [tilespmem:s23], [sflag:$0x3], $0x2800, $0x38;
	[tilespmem:$0x19F00] =	vst v63  }
0xdd: {  	_ =	swait.ge [sflag:s22], $0x2800  }
0xde: {  	[sflag:s22] =	ssyncset.done $0x0  }
0xdf: {  	[sflag:s22] =	ssyncadd.s32 $0xFFFFD800  }
0xe0: {  	[tilespmem:s23], [sflag:$0x3] =	stream.linear.gather [spmem:s18], $0x2800, $0x38;
	[tilespmem:$0x19F00] =	vst v63  }
0xe1: {  	s30 =	sadd.s32 $0x1, s30;
	_ =	swait.ge [sflag:s22], $0x2800  }
0xe2: {  	p0 =	sne.s32 s30, s10;
	[sflag:s22] =	ssyncset.done $0x0  }
.Ltmp1:
0xe3: {  	[sflag:s22] =	ssyncadd.s32 $0xFFFFD800;
	(pc) =	sbr.rel @p0 .LBB2_1-.Ltmp1, $4  }
0xe4: {  	[hbm4b:s19+s3] =	stream.linear.scatter [tilespmem:s23], [sflag:$0x3], $0x2800, $0x38;
	[tilespmem:$0x19F00] =	vst v63  }
0xe5: {  	_ =	swait.ge [sflag:s22], $0x2800  }
0xe6: {  	[sflag:s22] =	ssyncset.done $0x0  }
0xe7: {  	[sflag:s22] =	ssyncadd.s32 $0xFFFFD800  }
0xe8: {  	_ =	sfence.sel $0x180000  }
0xe9: {  	[bflag:$0x0] =	sbarrier.arrive $0xFFFF  }
0xea: {  	_ =	strace $0x9000004D  }
0xeb: {  	s0 =	stileid.u32;
	[bflag:$0x2] =	sbarrier.arrive $0xFFFF  }
0xec: {  	p0 =	sne.s32 s0, $0x0;
	s0 =	rddreg [dreg:$0x2]  }
0xed: {  	s0 =	sadd.s32 @!p0 $0x100000, s0  }
0xee: {  	[sflag:s0] =	ssyncadd.tile.s32 @!p0 $0x1;
	_ =	shalt  }
.Lfunc_end2:
_tile_overlayer_lowered:
.L_overlay_start_2:
0xef: {  	(tag) =	ssettag $0x2  }
0xf0: {  	s0 =	rddreg [dreg:$0x0];
	s2 =	stileid.u32  }
0xf1: {  	s1 =	rddreg [dreg:$0x1];
	p0 =	sne.s32 s2, $0x0  }
0xf2: {  	s3 =	rddreg [dreg:$0x2];
	[bflag:$0x3] =	sbarrier.arrive $0xFFFF;
	s2 =	simm.s32 @!p0 $0x1C03  }
0xf3: {  	[timem:s3], [sflag:s2] =	dma.local @!p0 [hbm:s0], s1  }
0xf4: {  	s0 =	simm.s32 @!p0 $0x3  }
0xf5: {  	_ =	swait.ge @!p0 [sflag:s0], s1  }
0xf6: {  	s1 =	ssub.s32 @!p0 $0x0, s1;
	[sflag:s0] =	ssyncset.done @!p0 $0x0  }
0xf7: {  	[sflag:s0] =	ssyncadd.s32 @!p0 s1  }
0xf8: {  	[bflag:$0x3] =	sbarrier.arrive $0xFFFF  }
0xf9: {  	_ =	shalt  }

// kernel: kernel.8.cloned.1.call-start
scs
__scs_entry_jumppad:
0x0: {  	(pc) =	sbr.rel $0x88, $3  }
0x1: {  	(tag) =	ssettag $0x0;
	lr =	simm.s32 $0x1  }
0x2: {  	[smem:$0x3F84] =	sst lr;
	_ =	strace $0xD0000000  }
0x3: {  	_ = 	snop  }
0x4: {  	_ = 	snop  }
0x5: {  	_ = 	snop  }
0x6: {  	_ = 	snop  }
0x7: {  	_ = 	snop  }
__scs_overlays_trampoline_lowered:
0x8: {  	[smem:$0x3F93] =	sst s0  }
0x9: {  	[smem:$0x3F94] =	sst s1  }
0xa: {  	[smem:$0x3F95] =	sst s2  }
0xb: {  	[smem:$0x3F96] =	sst s3  }
0xc: {  	[smem:$0x3F97] =	sst s4  }
0xd: {  	[smem:$0x3F98] =	sst s5  }
0xe: {  	[smem:$0x3F99] =	sst s6  }
0xf: {  	[smem:$0x3F9A] =	sst s7  }
0x10: {  	[smem:$0x3F9B] =	sst s8  }
0x11: {  	[smem:$0x3F9C] =	sst s9;
	s0 =	simm.s32 @!p0 $0x0  }
0x12: {  	s1 =	sld [smem:$0x3F82];
	s0 =	simm.s32 @p0 $0x1  }
0x13: {  	[smem:$0x3F9D] =	sst s0;
	s0 =	simm.s32 @!p1 $0x0  }
0x14: {  	s2 =	sld [smem:$0x3F81];
	s0 =	simm.s32 @p1 $0x1  }
0x15: {  	[smem:$0x3F9E] =	sst s0;
	s0 =	simm.s32 @!p2 $0x0  }
0x16: {  	s3 =	sld [smem:$0x3FDB];
	s0 =	simm.s32 @p2 $0x1  }
0x17: {  	s4 =	simm.s32 $0x1BF5;
	[smem:$0x3FA0] =	sst s0  }
0x18: {  	s0 =	sld [smem:$0x3F83];
	_ =	swait.ge [sflag:s4], $0x0  }
0x19: {  	s7 =	sld [smem:$0x3F84]  }
0x1a: {  	s8 =	sadd.s32 $0xFFFFE003, lr  }
0x1b: {  	s9 =	sadd.s32 $0xFFFFFEF7, lr;
	s5 =	simm.s32 $0xFFFFFFFF;
	p2 =	slt.u32 s8, $0xFFFFF086  }
0x1c: {  	p1 =	slt.u32 s9, $0xF7A;
	s5 =	simm.s32 @!p2 $0x0  }
0x1d: {  	s5 =	simm.s32 @p1 $0x1;
	p0 =	seq.s32 s7, s2  }
0x1e: {  	s7 =	smul.u32 @!p0 $0xF7A, s2;
	p2 =	seq.s32 @!p0 s5, $0x0  }
0x1f: {  	s9 =	smul.u32 $0xF7A, s1;
	s8 =	simm.s32 @!p0 $0x1BF5;
	p2 =	por !p2, p0  }
0x20: {  	[sflag:s8] =	ssyncset.s32 @!p0 $0xFFFFF086;
	s6 =	sadd.s32 @!p0 s3, s7;
	s7 =	simm.s32 @!p0 $0x108  }
0x21: {  	s3 =	sadd.s32 s3, s9;
	s6 =	sadd.s32 @!p0 $0x88, s6;
	s7 =	simm.s32 @p2 $0x1082  }
0x22: {  	[simem:s7], [sflag:s8] =	dma.local @!p0 [hbm:s6], $0xF7A  }
0x23: {  	s9 =	sor.u32 $0xD0000000, s2;
	s6 =	simm.s32 $0x108;
	_ =	swait.ge @!p0 [sflag:s8], $0x0  }
0x24: {  	s3 =	sadd.s32 $0x88, s3;
	s6 =	simm.s32 @!p1 $0x1082;
	[sflag:s4] =	ssyncset.s32 $0xFFFFF086  }
0x25: {  	[simem:s6], [sflag:s4] =	dma.local [hbm:s3], $0xF7A  }
0x26: {  	[smem:$0x3F84] =	sst s1;
	(tag) =	ssettag s2;
	_ =	strace s9  }
0x27: {  	s1 =	sld [smem:$0x3F94]  }
0x28: {  	s2 =	sld [smem:$0x3F95]  }
0x29: {  	s4 =	sld [smem:$0x3F97]  }
0x2a: {  	p0 =	seq.s32 s5, $0x0;
	s5 =	sld [smem:$0x3F98]  }
0x2b: {  	s6 =	sld [smem:$0x3F99]  }
0x2c: {  	s7 =	sld [smem:$0x3F9A]  }
0x2d: {  	s3 =	simm.s32 $0x108;
	s8 =	sld [smem:$0x3F9B]  }
0x2e: {  	s3 =	simm.s32 @!p0 $0x1082;
	s9 =	sld [smem:$0x3F9C]  }
0x2f: {  	lr =	sadd.s32 s0, s3;
	s0 =	sld [smem:$0x3F93]  }
0x30: {  	s3 =	sld [smem:$0x3F96]  }
0x31: {  	[smem:$0x3F9F] =	sst s10  }
0x32: {  	s10 =	sld [smem:$0x3F9D];
	_ =	sdelay $0x3  }
0x33: {  	p0 =	seq.s32 s10, $0x1;
	s10 =	sld [smem:$0x3F9F];
	_ =	sdelay $0x3  }
0x34: {  	[smem:$0x3F9F] =	sst s10  }
0x35: {  	s10 =	sld [smem:$0x3F9E];
	_ =	sdelay $0x3  }
0x36: {  	p1 =	seq.s32 s10, $0x1;
	s10 =	sld [smem:$0x3F9F];
	_ =	sdelay $0x3  }
0x37: {  	[smem:$0x3F9F] =	sst s10  }
0x38: {  	s10 =	sld [smem:$0x3FA0]  }
0x39: {  	_ = 	snop;
	(pc) =	sbr.ind lr, $3  }
0x3a: {  	_ = 	snop  }
0x3b: {  	_ = 	snop  }
0x3c: {  	p2 =	seq.s32 s10, $0x1;
	s10 =	sld [smem:$0x3F9F]  }
0x3d: {  	_ =	shalt  }
0x3e: {  	_ =	shalt  }
0x3f: {  	_ =	shalt  }
0x40: {  	_ =	shalt  }
0x41: {  	_ =	shalt  }
0x42: {  	_ =	shalt  }
0x43: {  	_ =	shalt  }
0x44: {  	_ =	shalt  }
0x45: {  	_ =	shalt  }
0x46: {  	_ =	shalt  }
0x47: {  	_ =	shalt  }
0x48: {  	_ =	shalt  }
0x49: {  	_ =	shalt  }
0x4a: {  	_ =	shalt  }
0x4b: {  	_ =	shalt  }
0x4c: {  	_ =	shalt  }
0x4d: {  	_ =	shalt  }
0x4e: {  	_ =	shalt  }
0x4f: {  	_ =	shalt  }
0x50: {  	_ =	shalt  }
0x51: {  	_ =	shalt  }
0x52: {  	_ =	shalt  }
0x53: {  	_ =	shalt  }
0x54: {  	_ =	shalt  }
0x55: {  	_ =	shalt  }
0x56: {  	_ =	shalt  }
0x57: {  	_ =	shalt  }
0x58: {  	_ =	shalt  }
0x59: {  	_ =	shalt  }
0x5a: {  	_ =	shalt  }
0x5b: {  	_ =	shalt  }
0x5c: {  	_ =	shalt  }
0x5d: {  	_ =	shalt  }
0x5e: {  	_ =	shalt  }
0x5f: {  	_ =	shalt  }
0x60: {  	_ =	shalt  }
0x61: {  	_ =	shalt  }
0x62: {  	_ =	shalt  }
0x63: {  	_ =	shalt  }
0x64: {  	_ =	shalt  }
0x65: {  	_ =	shalt  }
0x66: {  	_ =	shalt  }
0x67: {  	_ =	shalt  }
0x68: {  	_ =	shalt  }
0x69: {  	_ =	shalt  }
0x6a: {  	_ =	shalt  }
0x6b: {  	_ =	shalt  }
0x6c: {  	_ =	shalt  }
0x6d: {  	_ =	shalt  }
0x6e: {  	_ =	shalt  }
0x6f: {  	_ =	shalt  }
0x70: {  	_ =	shalt  }
0x71: {  	_ =	shalt  }
0x72: {  	_ =	shalt  }
0x73: {  	_ =	shalt  }
0x74: {  	_ =	shalt  }
0x75: {  	_ =	shalt  }
0x76: {  	_ =	shalt  }
0x77: {  	_ =	shalt  }
0x78: {  	_ =	shalt  }
0x79: {  	_ =	shalt  }
0x7a: {  	_ =	shalt  }
0x7b: {  	_ =	shalt  }
0x7c: {  	_ =	shalt  }
0x7d: {  	_ =	shalt  }
0x7e: {  	_ =	shalt  }
0x7f: {  	_ =	shalt  }
0x80: {  	_ =	shalt  }
0x81: {  	_ =	shalt  }
0x82: {  	_ =	shalt  }
0x83: {  	_ =	shalt  }
0x84: {  	_ =	shalt  }
0x85: {  	_ =	shalt  }
0x86: {  	_ =	shalt  }
0x87: {  	_ =	shalt  }
.Lfunc_end0:
.L_simem_size_0:
called_computation_lowered:
.L_overlay_start_0:
0x88: {  	s2 =	sld [smem:$0x3FD9]  }
0x89: {  	s3 =	sld [smem:$0x3FFE];
	_ =	sdelay $0x1  }
0x8a: {  	s1 =	srdreg.scid  }
0x8b: {  	s0 =	sand.u32 $0x1, s1  }
0x8c: {  	s17 =	sshll.u32 s0, $0xA;
	s2 =	sadd.s32 s3, s2  }
0x8d: {  	s2 =	sadd.s32 s2, s17  }
0x8e: {  	[smem:$0x3FAB] =	sst s2  }
0x8f: {  	_ = 	snop  }
0x90: {  	(tm) =	ssettm $0x1  }
0x91: {  	s18 =	sld [smem:$0x3FFB];
	_ =	sdelay $0x3  }
0x92: {  	_ =	strace s18  }
0x93: {  	s2 =	sld [smem:$0x3FFC];
	_ =	sdelay $0x3  }
0x94: {  	_ =	strace s2  }
0x95: {  	s2 =	sld [smem:$0x3FFD];
	_ =	sdelay $0x3  }
0x96: {  	_ =	strace s2  }
0x97: {  	_ =	strace $0x8FFFFFFF  }
0x98: {  	s19 =	sld [smem:$0x3FDB];
	_ =	sdelay $0x1  }
0x99: {  	s20 =	simm.s32 $_scs_section_size  }
0x9a: {  	s4 =	simm.s32 $_size__tile_overlayer_lowered;
	s5 =	simm.s32 $_tile_overlayer_lowered  }
0x9b: {  	s6 =	simm.s32 $0x1BFF;
	s21 =	sshll.u32 s5, $0x1;
	s3 =	sadd.s32 s20, s19  }
0x9c: {  	s22 =	simm.s32 $0x0;
	s4 =	sshll.u32 s4, $0x1;
	s5 =	sadd.s32 s21, s3  }
0x9d: {  	[timem:s22], [sflag:s6] =	dma.local [hbm:s5], s4  }
0x9e: {  	_ =	swait.ge [sflag:s6], s4  }
0x9f: {  	s4 =	ssub.s32 $0x0, s4;
	[sflag:s6] =	ssyncset.done $0x0  }
0xa0: {  	[sflag:s6] =	ssyncadd.s32 s4;
	_ =	sdelay $0x1  }
0xa1: {  	s23 =	simm.s32 $0x1B8B  }
0xa2: {  	_ =	swait.ge [sflag:s23], $0x1  }
0xa3: {  	[sflag:s23] =	ssyncset.done $0x0  }
0xa4: {  	[sflag:s23] =	ssyncadd.s32 $0xFFFFFFFF  }
0xa5: {  	s4 =	sld [smem:$0x0]  }
0xa6: {  	s5 =	sand.u32 $0xFFFFFFFE, s1  }
0xa7: {  	p0 =	sne.s32 s1, s5  }
0xa8: {  	s5 =	sshll.u32 @p0 s5, $0xE  }
0xa9: {  	s5 =	sadd.s32 @p0 $0x11B8D, s5;
	s6 =	sshll.u32 @p0 s4, $0x11  }
0xaa: {  	s5 =	sor.u32 @p0 s6, s5  }
0xab: {  	[sflag:s5] =	ssyncadd.remote.s32 @p0 $0x1;
	_ =	sdelay $0x1  }
0xac: {  	s5 =	simm.s32 @p0 $0x1B8D  }
0xad: {  	_ =	swait.eq @p0 [sflag:s5], $0x1  }
0xae: {  	[sflag:s5] =	ssyncadd.s32 @p0 $0xFFFFFFFF  }
0xaf: {  	s6 =	sshll.u32 @!p0 s1, $0xE  }
0xb0: {  	s6 =	sor.u32 @!p0 $0x4000, s6;
	s5 =	simm.s32 @!p0 $0x1B8D  }
0xb1: {  	s4 =	sshll.u32 @!p0 s4, $0x11;
	s6 =	sadd.s32 @!p0 $0x11B8D, s6;
	_ =	swait.eq @!p0 [sflag:s5], $0x1  }
0xb2: {  	s4 =	sor.u32 @!p0 s4, s6;
	[sflag:s5] =	ssyncadd.s32 @!p0 $0xFFFFFFFF  }
0xb3: {  	s25 =	simm.s32 $0x1B8E;
	s24 =	sld [smem:$0x3FFE];
	[sflag:s4] =	ssyncadd.remote.s32 @!p0 $0x1  }
0xb4: {  	s26 =	simm.s32 $execute0_lowered;
	[smem:$0x3FD2] =	sst s25  }
0xb5: {  	s5 =	sshll.u32 s26, $0x1;
	_ =	strace $0x80000049;
	[dreg:$0x1] =	wrdreg $0xFFFFFFFF  }
0xb6: {  	s28 =	simm.s32 $_size_execute0_lowered;
	s3 =	sadd.s32 s3, s5;
	[dreg:$0x0] =	wrdreg $0x0  }
0xb7: {  	s5 =	sshll.u32 s28, $0x1;
	[dreg:$0x2] =	wrdreg s3  }
0xb8: {  	[dreg:$0x3] =	wrdreg s5  }
0xb9: {  	[dreg:$0x4] =	wrdreg $0xC0  }
0xba: {  	_ =	task [dreg:s22], $0x5FFFF  }
0xbb: {  	[dreg:$0x1] =	wrdreg $0xFFFFFFFF  }
0xbc: {  	[dreg:$0x0] =	wrdreg $0x60  }
0xbd: {  	[dreg:$0x2] =	wrdreg s24  }
0xbe: {  	[dreg:$0x3] =	wrdreg $0xB7000  }
0xbf: {  	[dreg:$0x4] =	wrdreg $0x9  }
0xc0: {  	_ =	task.clear_ibuf [dreg:s22], $0x5FFFF;
	_ =	strace $0x90000049  }
0xc1: {  	s29 =	simm.s32 $0x9;
	_ =	strace $0x8000004B  }
0xc2: {  	_ =	swait.ge [sflag:s29], $0x1  }
0xc3: {  	[sflag:s29] =	ssyncadd.s32 $0xFFFFFFFF  }
0xc4: {  	_ =	strace $0x9000004B  }
0xc5: {  	_ =	sfence  }
0xc6: {  	s30 =	sld [smem:$0x0];
	_ =	sdelay $0x2  }
0xc7: {  	s31 =	sshll.u32 s1, $0xD;
	s1 =	sshrl.u32 s1, $0x2  }
0xc8: {  	s4 =	sand.u32 $0x4000, s31;
	s1 =	sadd.s32 s1, s30  }
0xc9: {  	s0 =	sor.u32 s4, s0;
	s1 =	sshll.u32 s1, $0x11  }
0xca: {  	s0 =	sor.u32 s1, s0  }
0xcb: {  	s0 =	sadd.s32 $0x8F2B, s0  }
0xcc: {  	[sflag:s0] =	ssyncadd.remote.s32 $0x1  }
0xcd: {  	_ =	sfence.sel $0xFFFF  }
0xce: {  	[dreg:$0x0] =	wrdreg $0xFFFFFFFF;
	(pc) =	sbr.abs _section_cstart, $3  }
0xcf: {  	[dreg:$0x1] =	wrdreg $0xFFFFFFFF  }
0xd0: {  	_ =	task.clear_ibuf [dreg:s22], $0x2FFFF;
	_ =	strace $0x9FFFFFFF  }
0xd1: {  	(tm) =	ssettm $0x7FFFFFFF  }
tec
execute0_lowered:
.L_overlay_start_1:
0x0: {  	(tag) =	ssettag $0x1  }
0x1: {  	s6 =	rddreg [dreg:$0x0]  }
0x2: {  	s2 =	rddreg [dreg:$0x1]  }
0x3: {  	s0 =	rddreg [dreg:$0x2]  }
0x4: {  	s3 =	simm.s32 $0x0;
	s1 =	stileid.u32;
	s5 =	srdreg.scid  }
0x5: {  	s21 =	simm.s32 $0x17700;
	s22 =	simm.s32 $0x50;
	s4 =	smul.u32 $0x9C4, s1  }
0x6: {  	s24 =	simm.s32 $0x4F00;
	s25 =	simm.s32 $0x0;
	s10 =	smul.u32 $0x30000, s1  }
0x7: {  	s8 =	sand.u32 $0x1, s5;
	s5 =	sadd.s32 $0xA2DE00, s6;
	s11 =	smul.u32 $0x28000, s1  }
0x8: {  	[smem:$0x7FF] =	sst s3;
	s18 =	sadd.s32 $0xA2E400, s6;
	s15 =	smul.u32 $0x140, s1  }
0x9: {  	_ =	strace $0x8000004A;
	s9 =	ssub.s32 $0x2, s8;
	s23 =	smul.u32 $0x1400, s8  }
0xa: {  	s7 =	sadd.s32 s4, s6;
	s4 =	sadd.s32 $0xA2D600, s6;
	s28 =	sshrl.u32 s9, $0x1  }
0xb: {  	s29 =	sshrl.u32 s10, $0x2;
	s30 =	sshrl.u32 s11, $0x2;
	s13 =	sadd.s32 $0x50, s15  }
0xc: {  	s16 =	sadd.s32 $0xA0, s15;
	s19 =	sadd.s32 $0xF0, s15;
	s9 =	ssub.s32 s9, s28  }
0xd: {  	s6 =	sadd.s32 $0x10C00, s7;
	s7 =	sadd.s32 s29, s2;
	s8 =	sadd.s32 s30, s2  }
0xe: {  	s12 =	sadd.s32 s23, s15;
	s14 =	sadd.s32 s23, s13;
	s13 =	sshll.u32 s13, $0x7  }
0xf: {  	s17 =	sshll.u32 s16, $0x7;
	s16 =	sadd.s32 s23, s16;
	s31 =	sadd.s32 s23, s19  }
0x10: {  	s19 =	sshll.u32 s19, $0x7;
	v0 =	vmov s23;
	s23 =	simm.s32 $0x4E80;
	s9 =	smax.u32 s9, $0x1  }
0x11: {  	s10 =	sadd.s32 $0x4000, s7;
	s11 =	sadd.s32 $0x8000, s7;
	s12 =	sshll.u32 s12, $0x4  }
0x12: {  	s14 =	sshll.u32 s14, $0x4;
	s13 =	sadd.s32 s13, s2;
	s15 =	sadd.s32 s17, s2  }
0x13: {  	s16 =	sshll.u32 s16, $0x4;
	s20 =	sshll.u32 s31, $0x4;
	s17 =	sadd.s32 s19, s2  }
0x14: {  	s19 =	simm.s32 $0x7700;
	s12 =	sadd.s32 s18, s12;
	s14 =	sadd.s32 s18, s14  }
0x15: {  	s16 =	sadd.s32 s18, s16;
	s18 =	sadd.s32 s18, s20;
	s20 =	simm.s32 $0x1  }
.LBB2_1:
0x16: {  	[tilespmem:s19], [sflag:$0x1] =	stream.linear.gather [hbm4b:s4+s3], $0x4000, $0x38;
	[tilespmem:$0x19F00] =	vst v63  }
0x17: {  	_ =	swait.ge [sflag:s20], $0x4000  }
0x18: {  	[sflag:s20] =	ssyncset.done $0x0  }
0x19: {  	[sflag:s20] =	ssyncadd.s32 $0xFFFFC000  }
0x1a: {  	[tilespmem:s21], [sflag:$0x1] =	stream.linear.gather [hbm4b:s5+s3], $0x2800, $0x38;
	[tilespmem:$0x19F00] =	vst v63  }
0x1b: {  	_ =	swait.ge [sflag:s20], $0x2800  }
0x1c: {  	[sflag:s20] =	ssyncset.done $0x0  }
0x1d: {  	[sflag:s20] =	ssyncadd.s32 $0xFFFFD800  }
0x1e: {  	[tilespmem:s3], [sflag:$0x1] =	stream.linear.gather [hbm4b:s6+s3], $0x4E20, $0x38;
	[tilespmem:$0x19F00] =	vst v63  }
0x1f: {  	_ =	swait.ge [sflag:s20], $0x4E20  }
0x20: {  	[sflag:s20] =	ssyncset.done $0x0  }
0x21: {  	[sflag:s20] =	ssyncadd.s32 $0xFFFFB1E0  }
0x22: {  	[spmem:s7] =	stream.linear.scatter [tilespmem:s19], [sflag:$0x1], $0x4000, $0x38;
	[tilespmem:$0x19F00] =	vst v63  }
0x23: {  	_ =	swait.ge [sflag:s20], $0x4000  }
0x24: {  	[sflag:s20] =	ssyncset.done $0x0  }
0x25: {  	[sflag:s20] =	ssyncadd.s32 $0xFFFFC000  }
0x26: {  	[spmem:s10] =	stream.linear.scatter [tilespmem:s19], [sflag:$0x1], $0x4000, $0x38;
	[tilespmem:$0x19F00] =	vst v63  }
0x27: {  	_ =	swait.ge [sflag:s20], $0x4000  }
0x28: {  	[sflag:s20] =	ssyncset.done $0x0  }
0x29: {  	[sflag:s20] =	ssyncadd.s32 $0xFFFFC000  }
0x2a: {  	[spmem:s11] =	stream.linear.scatter [tilespmem:s19], [sflag:$0x1], $0x4000, $0x38;
	[tilespmem:$0x19F00] =	vst v63  }
0x2b: {  	_ =	swait.ge [sflag:s20], $0x4000  }
0x2c: {  	[sflag:s20] =	ssyncset.done $0x0  }
0x2d: {  	[sflag:s20] =	ssyncadd.s32 $0xFFFFC000  }
0x2e: {  	s26 =	simm.s32 $0x0;
	[bflag:$0x0] =	sbarrier.arrive $0xFFFF  }
0x2f: {  	v1 =	vld [tilespmem:s26+$0x0];
	_ =	sdelay $0x4  }
0x30: {  	v1 =	vsub.s32 v1, v0  }
0x31: {  	v1 =	vmin.u32 v1, $0x1400  }
0x32: {  	[tilespmem:$0x4E80] =	vst v1  }
0x33: {  	v1 =	vld [tilespmem:s26+$0x10];
	_ =	sdelay $0x4  }
0x34: {  	v1 =	vsub.s32 v1, v0  }
0x35: {  	v1 =	vmin.u32 v1, $0x1400  }
0x36: {  	[tilespmem:$0x4E90] =	vst v1  }
0x37: {  	v1 =	vld [tilespmem:s26+$0x20];
	_ =	sdelay $0x4  }
0x38: {  	v1 =	vsub.s32 v1, v0  }
0x39: {  	v1 =	vmin.u32 v1, $0x1400  }
0x3a: {  	[tilespmem:$0x4EA0] =	vst v1  }
0x3b: {  	v1 =	vld [tilespmem:s26+$0x30];
	_ =	sdelay $0x4  }
0x3c: {  	v1 =	vsub.s32 v1, v0  }
0x3d: {  	v1 =	vmin.u32 v1, $0x1400  }
0x3e: {  	[tilespmem:$0x4EB0] =	vst v1  }
0x3f: {  	v1 =	vld [tilespmem:s26+$0x40];
	_ =	sdelay $0x4  }
0x40: {  	v1 =	vsub.s32 v1, v0  }
0x41: {  	v1 =	vmin.u32 v1, $0x1400  }
0x42: {  	[tilespmem:$0x4EC0] =	vst v1  }
0x43: {  	[spmem:s2] =	stream.indirect.scatter.add.f32 [tilespmem:s21], [sflag:$0x1], $0x80, s23, s22, $0xb8;
	[tilespmem:$0x19F00] =	vst v63  }
0x44: {  	_ =	swait.ge [sflag:s20], $0x2800  }
0x45: {  	s29 =	simm.s32 $0x280;
	s26 =	simm.s32 $0x140;
	[sflag:s20] =	ssyncset.done $0x0  }
.LBB2_2:
0x46: {  	s30 =	sshra.s32 s26, $0x2  }
0x47: {  	[sflag:s20] =	ssyncadd.s32 $0xFFFFD800;
	s26 =	smov.u32 s29;
	s28 =	sadd.s32 $0x140, s29  }
0x48: {  	p0 =	sne.s32 s29, $0x13740;
	v1 =	vld [tilespmem:s30+$0x0];
	_ =	sdelay $0x4  }
0x49: {  	v1 =	vsub.s32 v1, v0  }
0x4a: {  	v1 =	vmin.u32 v1, $0x1400  }
0x4b: {  	[tilespmem:$0x4E80] =	vst v1  }
0x4c: {  	v1 =	vld [tilespmem:s30+$0x10];
	_ =	sdelay $0x4  }
0x4d: {  	v1 =	vsub.s32 v1, v0  }
0x4e: {  	v1 =	vmin.u32 v1, $0x1400  }
0x4f: {  	[tilespmem:$0x4E90] =	vst v1  }
0x50: {  	v1 =	vld [tilespmem:s30+$0x20];
	_ =	sdelay $0x4  }
0x51: {  	v1 =	vsub.s32 v1, v0  }
0x52: {  	v1 =	vmin.u32 v1, $0x1400  }
0x53: {  	[tilespmem:$0x4EA0] =	vst v1  }
0x54: {  	v1 =	vld [tilespmem:s30+$0x30];
	_ =	sdelay $0x4  }
0x55: {  	v1 =	vsub.s32 v1, v0  }
0x56: {  	v1 =	vmin.u32 v1, $0x1400  }
0x57: {  	[tilespmem:$0x4EB0] =	vst v1  }
0x58: {  	v1 =	vld [tilespmem:s30+$0x40];
	_ =	sdelay $0x4  }
0x59: {  	v1 =	vsub.s32 v1, v0  }
.Ltmp0:
0x5a: {  	v1 =	vmin.u32 v1, $0x1400;
	(pc) =	sbr.rel @p0 .LBB2_2-.Ltmp0, $4  }
0x5b: {  	[tilespmem:$0x4EC0] =	vst v1  }
0x5c: {  	[spmem:s2] =	stream.indirect.scatter.add.f32 [tilespmem:s21], [sflag:$0x1], $0x80, s23, s22, $0xb8;
	[tilespmem:$0x19F00] =	vst v63  }
0x5d: {  	_ =	swait.ge [sflag:s20], $0x2800  }
0x5e: {  	s29 =	smov.u32 s28;
	[sflag:s20] =	ssyncset.done $0x0  }
0x5f: {  	s26 =	sshra.s32 s26, $0x2;
	[sflag:s20] =	ssyncadd.s32 $0xFFFFD800  }
0x60: {  	v1 =	vld [tilespmem:s26+$0x0];
	_ =	sdelay $0x4  }
0x61: {  	v1 =	vsub.s32 v1, v0  }
0x62: {  	v1 =	vmin.u32 v1, $0x1400  }
0x63: {  	[tilespmem:$0x4E80] =	vst v1  }
0x64: {  	v1 =	vld [tilespmem:s26+$0x10];
	_ =	sdelay $0x4  }
0x65: {  	v1 =	vsub.s32 v1, v0  }
0x66: {  	v1 =	vmin.u32 v1, $0x1400  }
0x67: {  	[tilespmem:$0x4E90] =	vst v1  }
0x68: {  	v1 =	vld [tilespmem:s26+$0x20];
	_ =	sdelay $0x4  }
0x69: {  	v1 =	vsub.s32 v1, v0  }
0x6a: {  	v1 =	vmin.u32 v1, $0x1400  }
0x6b: {  	[tilespmem:$0x4EA0] =	vst v1  }
0x6c: {  	v1 =	vld [tilespmem:s26+$0x30];
	_ =	sdelay $0x4  }
0x6d: {  	v1 =	vsub.s32 v1, v0  }
0x6e: {  	v1 =	vmin.u32 v1, $0x1400  }
0x6f: {  	[tilespmem:$0x4EB0] =	vst v1  }
0x70: {  	v1 =	vld [tilespmem:s26+$0x40];
	_ =	sdelay $0x4  }
0x71: {  	v1 =	vsub.s32 v1, v0  }
0x72: {  	v1 =	vmin.u32 v1, $0x1400  }
0x73: {  	[tilespmem:$0x4EC0] =	vst v1  }
0x74: {  	[spmem:s2] =	stream.indirect.scatter.add.f32 [tilespmem:s21], [sflag:$0x1], $0x80, s23, s22, $0xb8;
	[tilespmem:$0x19F00] =	vst v63  }
0x75: {  	_ =	swait.ge [sflag:s20], $0x2800  }
0x76: {  	[sflag:s20] =	ssyncset.done $0x0  }
0x77: {  	[sflag:s20] =	ssyncadd.s32 $0xFFFFD800  }
0x78: {  	[bflag:$0x0] =	sbarrier.arrive $0xFFFF  }
0x79: {  	[tilespmem:s24], [sflag:$0x1] =	stream.linear.gather [spmem:s8], $0x2800, $0x38;
	[tilespmem:$0x19F00] =	vst v63  }
0x7a: {  	_ =	swait.ge [sflag:s20], $0x2800  }
0x7b: {  	[sflag:s20] =	ssyncset.done $0x0  }
0x7c: {  	[sflag:s20] =	ssyncadd.s32 $0xFFFFD800  }
0x7d: {  	[hbm4b:s12+s3] =	stream.linear.scatter [tilespmem:s24], [sflag:$0x1], $0x2800, $0x38;
	[tilespmem:$0x19F00] =	vst v63  }
0x7e: {  	_ =	swait.ge [sflag:s20], $0x2800  }
0x7f: {  	[sflag:s20] =	ssyncset.done $0x0  }
0x80: {  	[sflag:s20] =	ssyncadd.s32 $0xFFFFD800  }
0x81: {  	[tilespmem:s24], [sflag:$0x1] =	stream.linear.gather [spmem:s13], $0x2800, $0x38;
	[tilespmem:$0x19F00] =	vst v63  }
0x82: {  	_ =	swait.ge [sflag:s20], $0x2800  }
0x83: {  	[sflag:s20] =	ssyncset.done $0x0  }
0x84: {  	[sflag:s20] =	ssyncadd.s32 $0xFFFFD800  }
0x85: {  	[hbm4b:s14+s3] =	stream.linear.scatter [tilespmem:s24], [sflag:$0x1], $0x2800, $0x38;
	[tilespmem:$0x19F00] =	vst v63  }
0x86: {  	_ =	swait.ge [sflag:s20], $0x2800  }
0x87: {  	[sflag:s20] =	ssyncset.done $0x0  }
0x88: {  	[sflag:s20] =	ssyncadd.s32 $0xFFFFD800  }
0x89: {  	[tilespmem:s24], [sflag:$0x1] =	stream.linear.gather [spmem:s15], $0x2800, $0x38;
	[tilespmem:$0x19F00] =	vst v63  }
0x8a: {  	_ =	swait.ge [sflag:s20], $0x2800  }
0x8b: {  	[sflag:s20] =	ssyncset.done $0x0  }
0x8c: {  	[sflag:s20] =	ssyncadd.s32 $0xFFFFD800  }
0x8d: {  	[hbm4b:s16+s3] =	stream.linear.scatter [tilespmem:s24], [sflag:$0x1], $0x2800, $0x38;
	[tilespmem:$0x19F00] =	vst v63  }
0x8e: {  	_ =	swait.ge [sflag:s20], $0x2800  }
0x8f: {  	[sflag:s20] =	ssyncset.done $0x0  }
0x90: {  	[sflag:s20] =	ssyncadd.s32 $0xFFFFD800  }
0x91: {  	[tilespmem:s24], [sflag:$0x1] =	stream.linear.gather [spmem:s17], $0x2800, $0x38;
	[tilespmem:$0x19F00] =	vst v63  }
0x92: {  	s25 =	sadd.s32 $0x1, s25;
	_ =	swait.ge [sflag:s20], $0x2800  }
0x93: {  	p0 =	sne.s32 s25, s9;
	[sflag:s20] =	ssyncset.done $0x0  }
.Ltmp1:
0x94: {  	[sflag:s20] =	ssyncadd.s32 $0xFFFFD800;
	(pc) =	sbr.rel @p0 .LBB2_1-.Ltmp1, $4  }
0x95: {  	[hbm4b:s18+s3] =	stream.linear.scatter [tilespmem:s24], [sflag:$0x1], $0x2800, $0x38;
	[tilespmem:$0x19F00] =	vst v63  }
0x96: {  	_ =	swait.ge [sflag:s20], $0x2800  }
0x97: {  	[sflag:s20] =	ssyncset.done $0x0  }
0x98: {  	[sflag:s20] =	ssyncadd.s32 $0xFFFFD800  }
0x99: {  	_ =	sfence.sel $0x180000  }
0x9a: {  	[bflag:$0x0] =	sbarrier.arrive $0xFFFF  }
0x9b: {  	p0 =	sne.s32 s1, $0x0;
	_ =	strace $0x9000004A  }
0x9c: {  	s0 =	sadd.s32 @!p0 $0x100000, s0;
	[bflag:$0x2] =	sbarrier.arrive $0xFFFF  }
0x9d: {  	[sflag:s0] =	ssyncadd.tile.s32 @!p0 $0x1;
	_ =	shalt  }
.Lfunc_end2:
_tile_overlayer_lowered:
.L_overlay_start_2:
0x9e: {  	(tag) =	ssettag $0x2  }
0x9f: {  	s0 =	rddreg [dreg:$0x0];
	s2 =	stileid.u32  }
0xa0: {  	s1 =	rddreg [dreg:$0x1];
	p0 =	sne.s32 s2, $0x0  }
0xa1: {  	s3 =	rddreg [dreg:$0x2];
	[bflag:$0x3] =	sbarrier.arrive $0xFFFF;
	s2 =	simm.s32 @!p0 $0x1C01  }
0xa2: {  	[timem:s3], [sflag:s2] =	dma.local @!p0 [hbm:s0], s1  }
0xa3: {  	s0 =	simm.s32 @!p0 $0x1  }
0xa4: {  	_ =	swait.ge @!p0 [sflag:s0], s1  }
0xa5: {  	s1 =	ssub.s32 @!p0 $0x0, s1;
	[sflag:s0] =	ssyncset.done @!p0 $0x0  }
0xa6: {  	[sflag:s0] =	ssyncadd.s32 @!p0 s1  }
0xa7: {  	[bflag:$0x3] =	sbarrier.arrive $0xFFFF  }
0xa8: {  	_ =	shalt  }

</sc_bundles>
